<compile_context>
chip_gen: v7x
topology: tpu7x:2x2x1
jax: 0.10.2.dev20260603
libtpu: 0.0.44.dev20260713+nightly
codegen_flags: <defaults>
</compile_context>

<pallas_src>
import functools
import math

import jax
import jax.numpy as jnp
from jax import lax
from jax.experimental import pallas as pl
from jax.experimental.pallas import tpu as pltpu
from jax.experimental.pallas import tpu_sc as plsc

B, L, KNN = 2, 2048, 20
DN, DE = 128, 16
DEH, DNH = 64, 128
KE, KN = 16, 128
EPS = 1e-5
N = B * L
GW = DNH + DEH
GP = 256
NWORK = 32
RPW = N // NWORK
GCH = 128
BLK = 256
NPROG = N // BLK


def _r1(v):
    return v.reshape(1, -1)


def _aff(p):
    a = p["g"] / jnp.sqrt(p["v"] + EPS)
    return a, p["bt"] - p["m"] * a


def _res_prep(p):
    a1, c1 = _aff(p["bn1"])
    a2, c2 = _aff(p["bn2"])
    out = [_r1(a1), _r1(c1), p["l1"]["W"].T, _r1(p["l1"]["b"]),
           _r1(a2), _r1(c2), p["l2"]["W"].T, _r1(p["l2"]["b"])]
    if "ls" in p:
        s, cs = _aff(p["bns"])
        out += [_r1(s), _r1(cs), p["ls"]["W"].T, _r1(p["ls"]["b"])]
    return out


def _prep(params):
    eu, en, rs = params["edgeupdate"], params["encoding"], params["residual"]
    W0e, b0e = eu["lin0"]["W"], eu["lin0"]["b"]
    a0, c0 = _aff(en["bn0"])
    W0n = en["lin0"]["W"] * a0[None, :]
    b0n = en["lin0"]["b"] + en["lin0"]["W"] @ c0
    wnode = jnp.concatenate(
        [W0n[:, 160:288].T, W0e[:, 144:272].T,
         jnp.zeros((DN, GP - GW), jnp.float32),
         W0n[:, 0:128].T, W0e[:, 0:128].T],
        axis=1)
    aE, cE = _aff(eu["bn"])
    a1e, c1e = _aff(en["bn1"])
    aN, cN = _aff(rs["bn"])
    plist = ([W0e[:, 128:144].T, _r1(b0e)]
             + _res_prep(eu["res"][0]) + _res_prep(eu["res"][1])
             + [_r1(aE), _r1(cE), W0n[:, 128:160].T, _r1(b0n)]
             + _res_prep(en["res"][0]) + _res_prep(en["res"][1])
             + [_r1(a1e), _r1(c1e)]
             + _res_prep(rs["res"][0]) + _res_prep(rs["res"][1])
             + [_r1(aN), _r1(cN)])
    plist = [p.astype(jnp.bfloat16) if p.ndim == 2 and p.shape[0] > 1 else p
             for p in plist]
    return wnode, plist


def _mm(x, w):
    if w.dtype == jnp.bfloat16:
        x = x.astype(jnp.bfloat16)
    return lax.dot_general(x, w, (((1,), (0,)), ((), ())),
                           preferred_element_type=jnp.float32)


def _relu(x):
    return jnp.maximum(x, 0.0)


def _res_apply(h, it, has_sc):
    a1, c1, W1, b1, a2, c2, W2, b2 = [next(it) for _ in range(8)]
    t1 = _mm(_relu(h * a1[...] + c1[...]), W1[...]) + b1[...]
    t2 = _mm(_relu(t1 * a2[...] + c2[...]), W2[...]) + b2[...]
    if has_sc:
        s, cs, Ws, bs = [next(it) for _ in range(4)]
        sc = _mm(h * s[...] + cs[...], Ws[...]) + bs[...]
    else:
        sc = h
    return t2 + sc



def _tc0_body(xr, wr, outr):
    outr[...] = _mm(xr[...], wr[...])


def _tc0(x2d, wnode):
    return pl.pallas_call(
        _tc0_body,
        out_shape=jax.ShapeDtypeStruct((N, GP + GW), jnp.float32),
    )(x2d, wnode)



def _sc_gather(adj_i32, gtab, coff):
    mesh = plsc.VectorSubcoreMesh(core_axis_name="c", subcore_axis_name="s")
    rpw = L // NWORK
    epw = rpw * KNN
    nchunk = epw // GCH

    @functools.partial(
        pl.kernel, mesh=mesh,
        out_type=jax.ShapeDtypeStruct((KNN, L, GP), jnp.float32),
        compiler_params=pltpu.CompilerParams(needs_layout_passes=False),
        scratch_types=[
            pltpu.VMEM((8, L), jnp.int32),
            pltpu.VMEM((epw + 16,), jnp.int32),
            pltpu.VMEM((GCH, GP), jnp.float32),
            pltpu.VMEM((GCH, GP), jnp.float32),
            pltpu.SemaphoreType.DMA,
            pltpu.SemaphoreType.DMA,
        ],
    )
    def k(adj_h, g_h, t_h, rows_v, idxt_v, gb0, gb1, sem0, sem1):
        cid = lax.axis_index("c")
        sid = lax.axis_index("s")
        wid = sid * 2 + cid
        r0 = wid * rpw

        def grp(g, _):
            pltpu.sync_copy(adj_h.at[pl.ds(r0 + g * 8, 8)], rows_v)

            def row(rr, _):
                rglob = g * 8 + rr

                def chunk4(c4, cntv):
                    for u in range(4):
                        c = c4 * 4 + u
                        v = rows_v[rr, pl.ds(c * 16, 16)]
                        m = v > 0
                        pc = plsc.all_reduce_population_count(m)
                        col = lax.iota(jnp.int32, 16) + (c * 16 + coff)
                        incl = plsc.cumsum(m.astype(jnp.int32))
                        dest = jnp.where(m, (cntv + incl - 1) * rpw + rglob,
                                         epw + lax.iota(jnp.int32, 16))
                        plsc.store_scatter(idxt_v, [dest], col)
                        cntv = cntv + pc
                    return cntv

                lax.fori_loop(0, L // 64, chunk4, jnp.zeros((16,), jnp.int32))
                return 0

            lax.fori_loop(0, 8, row, 0)
            return 0

        lax.fori_loop(0, rpw // 8, grp, 0)

        def gstart(kk, buf, sem):
            pltpu.async_copy(
                g_h.at[idxt_v.at[pl.ds(kk * GCH, GCH)]], buf, sem)

        def gwait(buf, sem):
            pltpu.make_async_copy(g_h.at[pl.ds(0, GCH)], buf, sem).wait()

        gstart(0, gb0, sem0)

        def put(buf, kk):
            pltpu.sync_copy(buf.at[pl.ds(0, rpw)],
                            t_h.at[2 * kk, pl.ds(r0, rpw)])
            pltpu.sync_copy(buf.at[pl.ds(rpw, rpw)],
                            t_h.at[2 * kk + 1, pl.ds(r0, rpw)])

        def gpair(p, _):
            kk = p * 2
            gwait(gb0, sem0)
            gstart(kk + 1, gb1, sem1)
            put(gb0, kk)
            gwait(gb1, sem1)

            @pl.when(kk + 2 < nchunk)
            def _():
                gstart(kk + 2, gb0, sem0)

            put(gb1, kk + 1)
            return 0

        lax.fori_loop(0, nchunk // 2, gpair, 0)

    return k(adj_i32, gtab)



def _tc1_body(*refs):
    xr, sr, evr, tr = refs[:4]
    pit = iter(refs[4:-2])
    out_r, ev2_r = refs[-2], refs[-1]

    ev = evr[...].reshape(KNN * BLK, DE)
    t = tr[...].reshape(KNN * BLK, GP)
    t_n, t_e = t[:, :DNH], t[:, DNH:GW]
    s = sr[...]
    s_t = jnp.broadcast_to(s[None], (KNN, BLK, GW)).reshape(KNN * BLK, GW)
    s_n, s_e = s_t[:, :DNH], s_t[:, DNH:]

    wev_e, b0e = next(pit), next(pit)
    h = s_e + _mm(ev, wev_e[...]) + t_e + b0e[...]
    h = _res_apply(h, pit, False)
    h = _res_apply(h, pit, True)
    aE, cE = next(pit), next(pit)
    h = _relu(h * aE[...] + cE[...])
    ev2 = jnp.concatenate([ev, h], axis=1)
    ev2_r[...] = ev2.reshape(KNN, BLK, DE + KE)

    wev_n, b0n = next(pit), next(pit)
    e = s_n + _mm(ev2, wev_n[...]) + t_n + b0n[...]
    e = _res_apply(e, pit, False)
    e = _res_apply(e, pit, False)
    a1e, c1e = next(pit), next(pit)
    e = _relu(e * a1e[...] + c1e[...])
    agg = jnp.sum(e.reshape(KNN, BLK, DNH), axis=0) * (1.0 / math.sqrt(KNN))

    r = _res_apply(agg, pit, False)
    r = _res_apply(r, pit, False)
    aN, cN = next(pit), next(pit)
    r = _relu(r * aN[...] + cN[...])
    out_r[:, :DN] = xr[...]
    out_r[:, DN:] = r


def _tc1(x2d, s, ev_t, t, plist):
    def _full(p):
        nd = p.ndim
        return pl.BlockSpec(p.shape, lambda i, _n=nd: (0,) * _n)

    in_specs = [
        pl.BlockSpec((BLK, DN), lambda i: (i, 0)),
        pl.BlockSpec((BLK, GW), lambda i: (i, 0)),
        pl.BlockSpec((KNN, BLK, DE), lambda i: (0, i, 0)),
        pl.BlockSpec((KNN, BLK, GP), lambda i: (0, i, 0)),
    ] + [_full(p) for p in plist]
    out_specs = [
        pl.BlockSpec((BLK, DN + KN), lambda i: (i, 0)),
        pl.BlockSpec((KNN, BLK, DE + KE), lambda i: (0, i, 0)),
    ]
    out_shape = [
        jax.ShapeDtypeStruct((L, DN + KN), jnp.float32),
        jax.ShapeDtypeStruct((KNN, L, DE + KE), jnp.float32),
    ]
    return pl.pallas_call(
        _tc1_body,
        grid=(L // BLK,),
        in_specs=in_specs,
        out_specs=out_specs,
        out_shape=out_shape,
    )(x2d, s, ev_t, t, *plist)


def kernel(x, edgevec, adjmat, params):
    x2d = x.reshape(N, DN)
    wnode, plist = _prep(params)
    p = _tc0(x2d, wnode)
    g = p[:, :GP]
    s = p[:, GP:]
    adj_i32 = adjmat.reshape(N, L).astype(jnp.int32)
    ev_t = jnp.transpose(edgevec.reshape(N, KNN, DE), (1, 0, 2))
    outs, ev2s = [], []
    for h in range(B):
        lo = h * L
        t = _sc_gather(adj_i32[lo:lo + L], g, lo)
        o2d, e2t = _tc1(x2d[lo:lo + L], s[lo:lo + L],
                        ev_t[:, lo:lo + L], t, plist)
        outs.append(o2d)
        ev2s.append(jnp.transpose(e2t, (1, 0, 2)))
    out = jnp.stack(outs).reshape(B, L, DN + KN)
    ev2 = jnp.stack(ev2s).reshape(B, L, KNN, DE + KE)
    return out, ev2

# --- scband reference (transcript-rebuilt; emitter-appended) ---
"""Pipeline reference for scband-rgcblock-22711787061763 (READ-ONLY COPY).

The authoritative reference and input builder live on the scoring server;
editing this copy changes nothing except your own understanding.
"""

import jax, jax.numpy as jnp
import numpy as np
import math

B, L, KNN = 2, 2048, 20
D_NODE_IN, D_NODE_OUT = 128, 256
D_EDGE_IN, D_EDGE_OUT = 16, 32
D_NODE_HID, D_EDGE_HID = 128, 64
K_NODE = D_NODE_OUT - D_NODE_IN
K_EDGE = D_EDGE_OUT - D_EDGE_IN
EPS = 1e-5


def _lin_p(key, din, dout):
    return {"W": jax.random.normal(key, (dout, din), jnp.float32) * 0.05,
            "b": jnp.zeros((dout,), jnp.float32)}


def _bn_p(d):
    # eval-mode BatchNorm1d params: gamma, beta, running_mean, running_var
    return {"g": jnp.ones((d,), jnp.float32), "bt": jnp.zeros((d,), jnp.float32),
            "m": jnp.zeros((d,), jnp.float32), "v": jnp.ones((d,), jnp.float32)}


def _res_p(key, din, dout):
    k1, k2, k3 = jax.random.split(key, 3)
    p = {"bn1": _bn_p(din), "l1": _lin_p(k1, din, dout),
         "bn2": _bn_p(dout), "l2": _lin_p(k2, dout, dout)}
    if din != dout:
        p["bns"] = _bn_p(din)
        p["ls"] = _lin_p(k3, din, dout)
    return p


def make_params(key):
    ks = jax.random.split(key, 8)
    edgeupdate = {"lin0": _lin_p(ks[0], D_EDGE_IN + 2 * D_NODE_IN, D_EDGE_HID),
                  "res": [_res_p(ks[1], D_EDGE_HID, D_EDGE_HID),
                          _res_p(ks[2], D_EDGE_HID, K_EDGE)],
                  "bn": _bn_p(K_EDGE)}
    encoding = {"bn0": _bn_p(D_EDGE_OUT + 2 * D_NODE_IN),
                "lin0": _lin_p(ks[3], D_EDGE_OUT + 2 * D_NODE_IN, D_NODE_HID),
                "res": [_res_p(ks[4], D_NODE_HID, D_NODE_HID),
                        _res_p(ks[5], D_NODE_HID, D_NODE_HID)],
                "bn1": _bn_p(D_NODE_HID)}
    residual = {"res": [_res_p(ks[6], D_NODE_HID, D_NODE_HID),
                        _res_p(ks[7], D_NODE_HID, K_NODE)],
                "bn": _bn_p(K_NODE)}
    return {"edgeupdate": edgeupdate, "encoding": encoding, "residual": residual}


def _bn(x, p):
    return (x - p["m"]) / jnp.sqrt(p["v"] + EPS) * p["g"] + p["bt"]


def _lin(x, p):
    return x @ p["W"].T + p["b"]


def _res(x, p):
    out = _lin(jax.nn.relu(_bn(x, p["bn1"])), p["l1"])
    out = _lin(jax.nn.relu(_bn(out, p["bn2"])), p["l2"])
    sc = _lin(_bn(x, p["bns"]), p["ls"]) if "ls" in p else x
    return out + sc


def setup_inputs(seed: int = 0):
    key = jax.random.key(seed)
    k1, k2, k3, k4 = jax.random.split(key, 4)
    x = jax.random.normal(k1, (B, L, D_NODE_IN), jnp.float32)
    edgevec = jax.random.normal(k2, (B, L, KNN, D_EDGE_IN), jnp.float32)
    # adjacency mask with exactly KNN True entries per (b, row)
    r = jax.random.uniform(k3, (B, L, L))
    idx = jax.lax.top_k(r, KNN)[1]  # [B, L, KNN] distinct column indices
    bi = jnp.arange(B)[:, None, None]
    ri = jnp.arange(L)[None, :, None]
    adjmat = jnp.zeros((B, L, L), dtype=bool).at[bi, ri, idx].set(True)
    params = make_params(k4)
    return {"x": x, "edgevec": edgevec, "adjmat": adjmat, "params": params}


def _forward(x, edgevec, adjmat, params):
    b, l, _ = x.shape
    # Equivalent to node_expand[adjmat].reshape(b, l, knn, c): per-row stable argsort
    # puts the True columns first in ascending column order (same as boolean-mask order).
    order = jnp.argsort(jnp.logical_not(adjmat).astype(jnp.int32), axis=-1)[:, :, :KNN]
    nodetrg = x[jnp.arange(b)[:, None, None], order, :]                 # [b,l,knn,d_node_in]
    nodesrc = jnp.broadcast_to(x[:, :, None, :], (b, l, KNN, D_NODE_IN))
    # edge update branch (nlayer_edge > 0)
    nen = jnp.concatenate((nodesrc, edgevec, nodetrg), axis=-1)
    h = _lin(nen, params["edgeupdate"]["lin0"])
    for rp in params["edgeupdate"]["res"]:
        h = _res(h, rp)
    h = jax.nn.relu(_bn(h, params["edgeupdate"]["bn"]))
    edgevec2 = jnp.concatenate((edgevec, h), axis=-1)
    # node encoding
    nen2 = jnp.concatenate((nodesrc, edgevec2, nodetrg), axis=-1)
    e = _bn(nen2, params["encoding"]["bn0"])
    e = _lin(e, params["encoding"]["lin0"])
    for rp in params["encoding"]["res"]:
        e = _res(e, rp)
    e = jax.nn.relu(_bn(e, params["encoding"]["bn1"]))
    agg = e.sum(axis=-2) / math.sqrt(KNN)
    r2 = agg
    for rp in params["residual"]["res"]:
        r2 = _res(r2, rp)
    r2 = jax.nn.relu(_bn(r2, params["residual"]["bn"]))
    out = jnp.concatenate((x, r2), axis=-1)
    return out, edgevec2


def reference(x, edgevec, adjmat, params):
    return _forward(x, edgevec, adjmat, params)

if __name__ == "__main__":
    import jax
    _d = setup_inputs()
    print(jax.jit(kernel)(*tuple(_d.values())))

</pallas_src>

<mosaic_0001>
#map = affine_map<(d0, d1) -> (0, 0)>
#map1 = affine_map<(d0, d1) -> (0, 0, 0)>
module attributes {stable_mosaic.version = 14 : i64} {
  func.func @k(%arg0: i32, %arg1: i32, %arg2: memref<2048x2048xi32, #tpu.memory_space<hbm>>, %arg3: memref<4096x256xf32, #tpu.memory_space<hbm>>, %arg4: memref<20x2048x256xf32, #tpu.memory_space<hbm>>, %arg5: memref<8x2048xi32, #tpu.memory_space<vmem>>, %arg6: memref<1296xi32, #tpu.memory_space<vmem>>, %arg7: memref<128x256xf32, #tpu.memory_space<vmem>>, %arg8: memref<128x256xf32, #tpu.memory_space<vmem>>, %arg9: memref<!tpu.dma_semaphore, #tpu.memory_space<semaphore_mem>>, %arg10: memref<!tpu.dma_semaphore, #tpu.memory_space<semaphore_mem>>) attributes {dimension_semantics = [#tpu.dimension_semantics<core_parallel>, #tpu.dimension_semantics<subcore_parallel>], iteration_bounds = array<i64: 2, 16>, scalar_prefetch = 0 : i64, scratch_operands = 6 : i64, tpu.core_type = #tpu.core_type<sc_vector_subcore>, window_params = [{transform_indices = #map}, {transform_indices = #map}, {transform_indices = #map1}]} {
    %mul3A = arith.constant 2 : i32
    %mul3A_0 = arith.muli %arg1, %mul3A : i32
    %add3A = arith.addi %mul3A_0, %arg0 : i32
    %mul3A_1 = arith.constant 64 : i32
    %mul3A_2 = arith.muli %add3A, %mul3A_1 : i32
    %scan3A = arith.constant 0 : i32
    %scan3A_3 = arith.constant 0 : i32
    %scan3A_4 = arith.constant 8 : i32
    %scan3A_5 = arith.addi %scan3A_3, %scan3A_4 : i32
    %scan3A_6 = arith.constant 1 : i32
    %scan3A_7 = scf.for %scan3A_20 = %scan3A_3 to %scan3A_5 step %scan3A_6 iter_args(%scan3A_21 = %scan3A) -> (i32)  : i32 {
      %mul3A_22 = arith.constant 8 : i32
      %mul3A_23 = arith.muli %scan3A_20, %mul3A_22 : i32
      %add3A_24 = arith.addi %mul3A_2, %mul3A_23 : i32
      "tpu.region"() ({
        %run_scoped3A = tpu.sem_alloc : memref<!tpu.dma_semaphore, #tpu.memory_space<semaphore_mem>>
        %dma_start3A_33 = arith.constant 0 : i32
        %dma_start3A_34 = tpu.memref_slice %arg2[%add3A_24, %dma_start3A_33] : memref<2048x2048xi32, #tpu.memory_space<hbm>> -> memref<8x2048xi32, #tpu.memory_space<hbm>>
        %dma_start3A_35 = arith.constant 0 : i32
        %dma_start3A_36 = tpu.memref_slice %arg2[%add3A_24, %dma_start3A_35] : memref<2048x2048xi32, #tpu.memory_space<hbm>> -> memref<8x2048xi32, #tpu.memory_space<hbm>>
        tpu.enqueue_dma source(%dma_start3A_36 : memref<8x2048xi32, #tpu.memory_space<hbm>>) target(%arg5 : memref<8x2048xi32, #tpu.memory_space<vmem>>) target_semaphore(%run_scoped3A : memref<!tpu.dma_semaphore, #tpu.memory_space<semaphore_mem>>)
        %dma_wait3A = arith.constant 0 : i32
        %dma_wait3A_37 = tpu.memref_slice %arg2[%add3A_24, %dma_wait3A] : memref<2048x2048xi32, #tpu.memory_space<hbm>> -> memref<8x2048xi32, #tpu.memory_space<hbm>>
        %dma_wait3A_38 = arith.constant 0 : i32
        %dma_wait3A_39 = tpu.memref_slice %arg2[%add3A_24, %dma_wait3A_38] : memref<2048x2048xi32, #tpu.memory_space<hbm>> -> memref<8x2048xi32, #tpu.memory_space<hbm>>
        tpu.wait_dma2 semaphore(%run_scoped3A : memref<!tpu.dma_semaphore, #tpu.memory_space<semaphore_mem>>) src(%dma_wait3A_39 : memref<8x2048xi32, #tpu.memory_space<hbm>>) dst(%arg5 : memref<8x2048xi32, #tpu.memory_space<vmem>>)
        tpu.yield
      }) : () -> ()
      %scan3A_25 = arith.constant 0 : i32
      %scan3A_26 = arith.constant 0 : i32
      %scan3A_27 = arith.constant 8 : i32
      %scan3A_28 = arith.addi %scan3A_26, %scan3A_27 : i32
      %scan3A_29 = arith.constant 1 : i32
      %scan3A_30 = scf.for %scan3A_33 = %scan3A_26 to %scan3A_28 step %scan3A_29 iter_args(%scan3A_34 = %scan3A_25) -> (i32)  : i32 {
        %mul3A_35 = arith.constant 8 : i32
        %mul3A_36 = arith.muli %scan3A_20, %mul3A_35 : i32
        %add3A_37 = arith.addi %mul3A_36, %scan3A_33 : i32
        %broadcast_in_dim3A = arith.constant 0 : i32
        %broadcast_in_dim3A_38 = vector.broadcast %broadcast_in_dim3A : i32 to vector<16xi32>
        %scan3A_39 = arith.constant 0 : i32
        %scan3A_40 = arith.constant 32 : i32
        %scan3A_41 = arith.addi %scan3A_39, %scan3A_40 : i32
        %scan3A_42 = arith.constant 1 : i32
        %scan3A_43 = scf.for %scan3A_46 = %scan3A_39 to %scan3A_41 step %scan3A_42 iter_args(%scan3A_47 = %broadcast_in_dim3A_38) -> (vector<16xi32>)  : i32 {
          %mul3A_48 = arith.constant 4 : i32
          %mul3A_49 = arith.muli %scan3A_46, %mul3A_48 : i32
          %add3A_50 = arith.constant 0 : i32
          %add3A_51 = arith.addi %mul3A_49, %add3A_50 : i32
          %mul3A_52 = arith.constant 16 : i32
          %mul3A_53 = arith.muli %add3A_51, %mul3A_52 : i32
          %get3A = arith.index_cast %scan3A_33 : i32 to index
          %get3A_54 = arith.index_cast %mul3A_53 : i32 to index
          %get3A_55 = tpu.vector_load %arg5[%get3A, %get3A_54] {strides = array<i32>} : memref<8x2048xi32, #tpu.memory_space<vmem>>, vector<16xi32>,
          %gt3A = arith.constant 0 : i32
          %gt3A_56 = vector.broadcast %gt3A : i32 to vector<16xi32>
          %gt3A_57 = arith.cmpi sgt, %get3A_55, %gt3A_56 : vector<16xi32>
          %all_reduce_population_count3A = tpu.all_reduce %gt3A_57 {dim = 0 : i64, kind = #tpu.reduction_kind<sum>} : vector<16xi1> -> vector<16xi32>
          %iota3A = tpu.iota {dimensions = array<i32: 0>} : vector<16xi32>
          %mul3A_58 = arith.constant 16 : i32
          %mul3A_59 = arith.muli %add3A_51, %mul3A_58 : i32
          %add3A_60 = arith.constant 2048 : i32
          %add3A_61 = arith.addi %mul3A_59, %add3A_60 : i32
          %add3A_62 = vector.broadcast %add3A_61 : i32 to vector<16xi32>
          %add3A_63 = arith.addi %iota3A, %add3A_62 : vector<16xi32>
          %convert_element_type3A = arith.extui %gt3A_57 : vector<16xi1> to vector<16xi32>
          %broadcast_in_dim3A_64 = arith.constant true
          %broadcast_in_dim3A_65 = vector.broadcast %broadcast_in_dim3A_64 : i1 to vector<16xi1>
          %masked_cumsum3A = tpu.scan <sum>, %convert_element_type3A masked %broadcast_in_dim3A_65 : vector<16xi32>, vector<16xi1> -> vector<16xi32>
          %add3A_66 = arith.addi %scan3A_47, %masked_cumsum3A : vector<16xi32>
          %sub3A = arith.constant 1 : i32
          %sub3A_67 = vector.broadcast %sub3A : i32 to vector<16xi32>
          %sub3A_68 = arith.subi %add3A_66, %sub3A_67 : vector<16xi32>
          %mul3A_69 = arith.constant 64 : i32
          %mul3A_70 = vector.broadcast %mul3A_69 : i32 to vector<16xi32>
          %mul3A_71 = arith.muli %sub3A_68, %mul3A_70 : vector<16xi32>
          %add3A_72 = vector.broadcast %add3A_37 : i32 to vector<16xi32>
          %add3A_73 = arith.addi %mul3A_71, %add3A_72 : vector<16xi32>
          %iota3A_74 = tpu.iota {dimensions = array<i32: 0>} : vector<16xi32>
          %add3A_75 = arith.constant 1280 : i32
          %add3A_76 = vector.broadcast %add3A_75 : i32 to vector<16xi32>
          %add3A_77 = arith.addi %add3A_76, %iota3A_74 : vector<16xi32>
          %select_n3A = arith.select %gt3A_57, %add3A_73, %add3A_77 : vector<16xi1>, vector<16xi32>
          tpu.vector_store_idx %arg6[%select_n3A], %add3A_63 : memref<1296xi32, #tpu.memory_space<vmem>>[vector<16xi32>], vector<16xi32>,
          %add3A_78 = arith.addi %scan3A_47, %all_reduce_population_count3A : vector<16xi32>
          %mul3A_79 = arith.constant 4 : i32
          %mul3A_80 = arith.muli %scan3A_46, %mul3A_79 : i32
          %add3A_81 = arith.constant 1 : i32
          %add3A_82 = arith.addi %mul3A_80, %add3A_81 : i32
          %mul3A_83 = arith.constant 16 : i32
          %mul3A_84 = arith.muli %add3A_82, %mul3A_83 : i32
          %get3A_85 = arith.index_cast %scan3A_33 : i32 to index
          %get3A_86 = arith.index_cast %mul3A_84 : i32 to index
          %get3A_87 = tpu.vector_load %arg5[%get3A_85, %get3A_86] {strides = array<i32>} : memref<8x2048xi32, #tpu.memory_space<vmem>>, vector<16xi32>,
          %gt3A_88 = arith.constant 0 : i32
          %gt3A_89 = vector.broadcast %gt3A_88 : i32 to vector<16xi32>
          %gt3A_90 = arith.cmpi sgt, %get3A_87, %gt3A_89 : vector<16xi32>
          %all_reduce_population_count3A_91 = tpu.all_reduce %gt3A_90 {dim = 0 : i64, kind = #tpu.reduction_kind<sum>} : vector<16xi1> -> vector<16xi32>
          %iota3A_92 = tpu.iota {dimensions = array<i32: 0>} : vector<16xi32>
          %mul3A_93 = arith.constant 16 : i32
          %mul3A_94 = arith.muli %add3A_82, %mul3A_93 : i32
          %add3A_95 = arith.constant 2048 : i32
          %add3A_96 = arith.addi %mul3A_94, %add3A_95 : i32
          %add3A_97 = vector.broadcast %add3A_96 : i32 to vector<16xi32>
          %add3A_98 = arith.addi %iota3A_92, %add3A_97 : vector<16xi32>
          %convert_element_type3A_99 = arith.extui %gt3A_90 : vector<16xi1> to vector<16xi32>
          %broadcast_in_dim3A_100 = arith.constant true
          %broadcast_in_dim3A_101 = vector.broadcast %broadcast_in_dim3A_100 : i1 to vector<16xi1>
          %masked_cumsum3A_102 = tpu.scan <sum>, %convert_element_type3A_99 masked %broadcast_in_dim3A_101 : vector<16xi32>, vector<16xi1> -> vector<16xi32>
          %add3A_103 = arith.addi %add3A_78, %masked_cumsum3A_102 : vector<16xi32>
          %sub3A_104 = arith.constant 1 : i32
          %sub3A_105 = vector.broadcast %sub3A_104 : i32 to vector<16xi32>
          %sub3A_106 = arith.subi %add3A_103, %sub3A_105 : vector<16xi32>
          %mul3A_107 = arith.constant 64 : i32
          %mul3A_108 = vector.broadcast %mul3A_107 : i32 to vector<16xi32>
          %mul3A_109 = arith.muli %sub3A_106, %mul3A_108 : vector<16xi32>
          %add3A_110 = vector.broadcast %add3A_37 : i32 to vector<16xi32>
          %add3A_111 = arith.addi %mul3A_109, %add3A_110 : vector<16xi32>
          %iota3A_112 = tpu.iota {dimensions = array<i32: 0>} : vector<16xi32>
          %add3A_113 = arith.constant 1280 : i32
          %add3A_114 = vector.broadcast %add3A_113 : i32 to vector<16xi32>
          %add3A_115 = arith.addi %add3A_114, %iota3A_112 : vector<16xi32>
          %select_n3A_116 = arith.select %gt3A_90, %add3A_111, %add3A_115 : vector<16xi1>, vector<16xi32>
          tpu.vector_store_idx %arg6[%select_n3A_116], %add3A_98 : memref<1296xi32, #tpu.memory_space<vmem>>[vector<16xi32>], vector<16xi32>,
          %add3A_117 = arith.addi %add3A_78, %all_reduce_population_count3A_91 : vector<16xi32>
          %mul3A_118 = arith.constant 4 : i32
          %mul3A_119 = arith.muli %scan3A_46, %mul3A_118 : i32
          %add3A_120 = arith.constant 2 : i32
          %add3A_121 = arith.addi %mul3A_119, %add3A_120 : i32
          %mul3A_122 = arith.constant 16 : i32
          %mul3A_123 = arith.muli %add3A_121, %mul3A_122 : i32
          %get3A_124 = arith.index_cast %scan3A_33 : i32 to index
          %get3A_125 = arith.index_cast %mul3A_123 : i32 to index
          %get3A_126 = tpu.vector_load %arg5[%get3A_124, %get3A_125] {strides = array<i32>} : memref<8x2048xi32, #tpu.memory_space<vmem>>, vector<16xi32>,
          %gt3A_127 = arith.constant 0 : i32
          %gt3A_128 = vector.broadcast %gt3A_127 : i32 to vector<16xi32>
          %gt3A_129 = arith.cmpi sgt, %get3A_126, %gt3A_128 : vector<16xi32>
          %all_reduce_population_count3A_130 = tpu.all_reduce %gt3A_129 {dim = 0 : i64, kind = #tpu.reduction_kind<sum>} : vector<16xi1> -> vector<16xi32>
          %iota3A_131 = tpu.iota {dimensions = array<i32: 0>} : vector<16xi32>
          %mul3A_132 = arith.constant 16 : i32
          %mul3A_133 = arith.muli %add3A_121, %mul3A_132 : i32
          %add3A_134 = arith.constant 2048 : i32
          %add3A_135 = arith.addi %mul3A_133, %add3A_134 : i32
          %add3A_136 = vector.broadcast %add3A_135 : i32 to vector<16xi32>
          %add3A_137 = arith.addi %iota3A_131, %add3A_136 : vector<16xi32>
          %convert_element_type3A_138 = arith.extui %gt3A_129 : vector<16xi1> to vector<16xi32>
          %broadcast_in_dim3A_139 = arith.constant true
          %broadcast_in_dim3A_140 = vector.broadcast %broadcast_in_dim3A_139 : i1 to vector<16xi1>
          %masked_cumsum3A_141 = tpu.scan <sum>, %convert_element_type3A_138 masked %broadcast_in_dim3A_140 : vector<16xi32>, vector<16xi1> -> vector<16xi32>
          %add3A_142 = arith.addi %add3A_117, %masked_cumsum3A_141 : vector<16xi32>
          %sub3A_143 = arith.constant 1 : i32
          %sub3A_144 = vector.broadcast %sub3A_143 : i32 to vector<16xi32>
          %sub3A_145 = arith.subi %add3A_142, %sub3A_144 : vector<16xi32>
          %mul3A_146 = arith.constant 64 : i32
          %mul3A_147 = vector.broadcast %mul3A_146 : i32 to vector<16xi32>
          %mul3A_148 = arith.muli %sub3A_145, %mul3A_147 : vector<16xi32>
          %add3A_149 = vector.broadcast %add3A_37 : i32 to vector<16xi32>
          %add3A_150 = arith.addi %mul3A_148, %add3A_149 : vector<16xi32>
          %iota3A_151 = tpu.iota {dimensions = array<i32: 0>} : vector<16xi32>
          %add3A_152 = arith.constant 1280 : i32
          %add3A_153 = vector.broadcast %add3A_152 : i32 to vector<16xi32>
          %add3A_154 = arith.addi %add3A_153, %iota3A_151 : vector<16xi32>
          %select_n3A_155 = arith.select %gt3A_129, %add3A_150, %add3A_154 : vector<16xi1>, vector<16xi32>
          tpu.vector_store_idx %arg6[%select_n3A_155], %add3A_137 : memref<1296xi32, #tpu.memory_space<vmem>>[vector<16xi32>], vector<16xi32>,
          %add3A_156 = arith.addi %add3A_117, %all_reduce_population_count3A_130 : vector<16xi32>
          %mul3A_157 = arith.constant 4 : i32
          %mul3A_158 = arith.muli %scan3A_46, %mul3A_157 : i32
          %add3A_159 = arith.constant 3 : i32
          %add3A_160 = arith.addi %mul3A_158, %add3A_159 : i32
          %mul3A_161 = arith.constant 16 : i32
          %mul3A_162 = arith.muli %add3A_160, %mul3A_161 : i32
          %get3A_163 = arith.index_cast %scan3A_33 : i32 to index
          %get3A_164 = arith.index_cast %mul3A_162 : i32 to index
          %get3A_165 = tpu.vector_load %arg5[%get3A_163, %get3A_164] {strides = array<i32>} : memref<8x2048xi32, #tpu.memory_space<vmem>>, vector<16xi32>,
          %gt3A_166 = arith.constant 0 : i32
          %gt3A_167 = vector.broadcast %gt3A_166 : i32 to vector<16xi32>
          %gt3A_168 = arith.cmpi sgt, %get3A_165, %gt3A_167 : vector<16xi32>
          %all_reduce_population_count3A_169 = tpu.all_reduce %gt3A_168 {dim = 0 : i64, kind = #tpu.reduction_kind<sum>} : vector<16xi1> -> vector<16xi32>
          %iota3A_170 = tpu.iota {dimensions = array<i32: 0>} : vector<16xi32>
          %mul3A_171 = arith.constant 16 : i32
          %mul3A_172 = arith.muli %add3A_160, %mul3A_171 : i32
          %add3A_173 = arith.constant 2048 : i32
          %add3A_174 = arith.addi %mul3A_172, %add3A_173 : i32
          %add3A_175 = vector.broadcast %add3A_174 : i32 to vector<16xi32>
          %add3A_176 = arith.addi %iota3A_170, %add3A_175 : vector<16xi32>
          %convert_element_type3A_177 = arith.extui %gt3A_168 : vector<16xi1> to vector<16xi32>
          %broadcast_in_dim3A_178 = arith.constant true
          %broadcast_in_dim3A_179 = vector.broadcast %broadcast_in_dim3A_178 : i1 to vector<16xi1>
          %masked_cumsum3A_180 = tpu.scan <sum>, %convert_element_type3A_177 masked %broadcast_in_dim3A_179 : vector<16xi32>, vector<16xi1> -> vector<16xi32>
          %add3A_181 = arith.addi %add3A_156, %masked_cumsum3A_180 : vector<16xi32>
          %sub3A_182 = arith.constant 1 : i32
          %sub3A_183 = vector.broadcast %sub3A_182 : i32 to vector<16xi32>
          %sub3A_184 = arith.subi %add3A_181, %sub3A_183 : vector<16xi32>
          %mul3A_185 = arith.constant 64 : i32
          %mul3A_186 = vector.broadcast %mul3A_185 : i32 to vector<16xi32>
          %mul3A_187 = arith.muli %sub3A_184, %mul3A_186 : vector<16xi32>
          %add3A_188 = vector.broadcast %add3A_37 : i32 to vector<16xi32>
          %add3A_189 = arith.addi %mul3A_187, %add3A_188 : vector<16xi32>
          %iota3A_190 = tpu.iota {dimensions = array<i32: 0>} : vector<16xi32>
          %add3A_191 = arith.constant 1280 : i32
          %add3A_192 = vector.broadcast %add3A_191 : i32 to vector<16xi32>
          %add3A_193 = arith.addi %add3A_192, %iota3A_190 : vector<16xi32>
          %select_n3A_194 = arith.select %gt3A_168, %add3A_189, %add3A_193 : vector<16xi1>, vector<16xi32>
          tpu.vector_store_idx %arg6[%select_n3A_194], %add3A_176 : memref<1296xi32, #tpu.memory_space<vmem>>[vector<16xi32>], vector<16xi32>,
          %add3A_195 = arith.addi %add3A_156, %all_reduce_population_count3A_169 : vector<16xi32>
          scf.yield %add3A_195 : vector<16xi32>
        }
        %scan3A_44 = arith.constant 32 : i32
        %scan3A_45 = arith.constant 0 : i32
        scf.yield %scan3A_45 : i32
      }
      %scan3A_31 = arith.constant 8 : i32
      %scan3A_32 = arith.constant 0 : i32
      scf.yield %scan3A_32 : i32
    }
    %scan3A_8 = arith.constant 8 : i32
    %dma_start3A = arith.constant 0 : i32
    %dma_start3A_9 = tpu.memref_slice %arg6[%dma_start3A] : memref<1296xi32, #tpu.memory_space<vmem>> -> memref<128xi32, #tpu.memory_space<vmem>>
    %dma_start3A_10 = arith.constant 0 : i32
    %dma_start3A_11 = arith.constant 0 : i32
    %dma_start3A_12 = tpu.memref_slice %arg3[%dma_start3A_10, %dma_start3A_11] : memref<4096x256xf32, #tpu.memory_space<hbm>> -> memref<4096x256xf32, #tpu.memory_space<hbm>>
    tpu.enqueue_indirect_dma source(%dma_start3A_12 : memref<4096x256xf32, #tpu.memory_space<hbm>>) target(%arg7 : memref<128x256xf32, #tpu.memory_space<vmem>>) offsets(%dma_start3A_9 : memref<128xi32, #tpu.memory_space<vmem>>) semaphore(%arg9 : memref<!tpu.dma_semaphore, #tpu.memory_space<semaphore_mem>>)
    %scan3A_13 = arith.constant 0 : i32
    %scan3A_14 = arith.constant 0 : i32
    %scan3A_15 = arith.constant 5 : i32
    %scan3A_16 = arith.addi %scan3A_14, %scan3A_15 : i32
    %scan3A_17 = arith.constant 1 : i32
    %scan3A_18 = scf.for %scan3A_20 = %scan3A_14 to %scan3A_16 step %scan3A_17 iter_args(%scan3A_21 = %scan3A_13) -> (i32)  : i32 {
      %mul3A_22 = arith.constant 2 : i32
      %mul3A_23 = arith.muli %scan3A_20, %mul3A_22 : i32
      %dma_wait3A = arith.constant 0 : i32
      %dma_wait3A_24 = arith.constant 0 : i32
      %dma_wait3A_25 = tpu.memref_slice %arg3[%dma_wait3A, %dma_wait3A_24] : memref<4096x256xf32, #tpu.memory_space<hbm>> -> memref<128x256xf32, #tpu.memory_space<hbm>>
      %dma_wait3A_26 = arith.constant 0 : i32
      %dma_wait3A_27 = arith.constant 0 : i32
      %dma_wait3A_28 = tpu.memref_slice %arg3[%dma_wait3A_26, %dma_wait3A_27] : memref<4096x256xf32, #tpu.memory_space<hbm>> -> memref<128x256xf32, #tpu.memory_space<hbm>>
      tpu.wait_dma2 semaphore(%arg9 : memref<!tpu.dma_semaphore, #tpu.memory_space<semaphore_mem>>) src(%dma_wait3A_28 : memref<128x256xf32, #tpu.memory_space<hbm>>) dst(%arg7 : memref<128x256xf32, #tpu.memory_space<vmem>>)
      %add3A_29 = arith.constant 1 : i32
      %add3A_30 = arith.addi %mul3A_23, %add3A_29 : i32
      %mul3A_31 = arith.constant 128 : i32
      %mul3A_32 = arith.muli %add3A_30, %mul3A_31 : i32
      %dma_start3A_33 = tpu.memref_slice %arg6[%mul3A_32] : memref<1296xi32, #tpu.memory_space<vmem>> -> memref<128xi32, #tpu.memory_space<vmem>>
      %dma_start3A_34 = arith.constant 0 : i32
      %dma_start3A_35 = arith.constant 0 : i32
      %dma_start3A_36 = tpu.memref_slice %arg3[%dma_start3A_34, %dma_start3A_35] : memref<4096x256xf32, #tpu.memory_space<hbm>> -> memref<4096x256xf32, #tpu.memory_space<hbm>>
      tpu.enqueue_indirect_dma source(%dma_start3A_36 : memref<4096x256xf32, #tpu.memory_space<hbm>>) target(%arg8 : memref<128x256xf32, #tpu.memory_space<vmem>>) offsets(%dma_start3A_33 : memref<128xi32, #tpu.memory_space<vmem>>) semaphore(%arg10 : memref<!tpu.dma_semaphore, #tpu.memory_space<semaphore_mem>>)
      %mul3A_37 = arith.constant 2 : i32
      %mul3A_38 = arith.muli %mul3A_37, %mul3A_23 : i32
      "tpu.region"() ({
        %run_scoped3A = tpu.sem_alloc : memref<!tpu.dma_semaphore, #tpu.memory_space<semaphore_mem>>
        %dma_start3A_62 = arith.constant 0 : i32
        %dma_start3A_63 = arith.constant 0 : i32
        %dma_start3A_64 = tpu.memref_slice %arg7[%dma_start3A_62, %dma_start3A_63] : memref<128x256xf32, #tpu.memory_space<vmem>> -> memref<64x256xf32, #tpu.memory_space<vmem>>
        %dma_start3A_65 = arith.constant 0 : i32
        %dma_start3A_66 = tpu.memref_slice %arg4[%mul3A_38, %mul3A_2, %dma_start3A_65] : memref<20x2048x256xf32, #tpu.memory_space<hbm>> -> memref<1x64x256xf32, #tpu.memory_space<hbm>>
        %dma_start3A_67 = tpu.memref_squeeze %dma_start3A_66 : memref<1x64x256xf32, #tpu.memory_space<hbm>> -> memref<64x256xf32, #tpu.memory_space<hbm>>
        %dma_start3A_68 = arith.constant 0 : i32
        %dma_start3A_69 = tpu.memref_slice %arg4[%mul3A_38, %mul3A_2, %dma_start3A_68] : memref<20x2048x256xf32, #tpu.memory_space<hbm>> -> memref<1x64x256xf32, #tpu.memory_space<hbm>>
        %dma_start3A_70 = tpu.memref_squeeze %dma_start3A_69 : memref<1x64x256xf32, #tpu.memory_space<hbm>> -> memref<64x256xf32, #tpu.memory_space<hbm>>
        %dma_start3A_71 = arith.constant 0 : i32
        %dma_start3A_72 = arith.constant 0 : i32
        %dma_start3A_73 = tpu.memref_slice %arg7[%dma_start3A_71, %dma_start3A_72] : memref<128x256xf32, #tpu.memory_space<vmem>> -> memref<64x256xf32, #tpu.memory_space<vmem>>
        tpu.enqueue_dma source(%dma_start3A_73 : memref<64x256xf32, #tpu.memory_space<vmem>>) target(%dma_start3A_70 : memref<64x256xf32, #tpu.memory_space<hbm>>) target_semaphore(%run_scoped3A : memref<!tpu.dma_semaphore, #tpu.memory_space<semaphore_mem>>)
        %dma_wait3A_74 = arith.constant 0 : i32
        %dma_wait3A_75 = arith.constant 0 : i32
        %dma_wait3A_76 = tpu.memref_slice %arg7[%dma_wait3A_74, %dma_wait3A_75] : memref<128x256xf32, #tpu.memory_space<vmem>> -> memref<64x256xf32, #tpu.memory_space<vmem>>
        %dma_wait3A_77 = arith.constant 0 : i32
        %dma_wait3A_78 = tpu.memref_slice %arg4[%mul3A_38, %mul3A_2, %dma_wait3A_77] : memref<20x2048x256xf32, #tpu.memory_space<hbm>> -> memref<1x64x256xf32, #tpu.memory_space<hbm>>
        %dma_wait3A_79 = tpu.memref_squeeze %dma_wait3A_78 : memref<1x64x256xf32, #tpu.memory_space<hbm>> -> memref<64x256xf32, #tpu.memory_space<hbm>>
        %dma_wait3A_80 = arith.constant 0 : i32
        %dma_wait3A_81 = tpu.memref_slice %arg4[%mul3A_38, %mul3A_2, %dma_wait3A_80] : memref<20x2048x256xf32, #tpu.memory_space<hbm>> -> memref<1x64x256xf32, #tpu.memory_space<hbm>>
        %dma_wait3A_82 = tpu.memref_squeeze %dma_wait3A_81 : memref<1x64x256xf32, #tpu.memory_space<hbm>> -> memref<64x256xf32, #tpu.memory_space<hbm>>
        %dma_wait3A_83 = arith.constant 0 : i32
        %dma_wait3A_84 = arith.constant 0 : i32
        %dma_wait3A_85 = tpu.memref_slice %arg7[%dma_wait3A_83, %dma_wait3A_84] : memref<128x256xf32, #tpu.memory_space<vmem>> -> memref<64x256xf32, #tpu.memory_space<vmem>>
        tpu.wait_dma2 semaphore(%run_scoped3A : memref<!tpu.dma_semaphore, #tpu.memory_space<semaphore_mem>>) src(%dma_wait3A_85 : memref<64x256xf32, #tpu.memory_space<vmem>>) dst(%dma_wait3A_82 : memref<64x256xf32, #tpu.memory_space<hbm>>)
        tpu.yield
      }) : () -> ()
      %mul3A_39 = arith.constant 2 : i32
      %mul3A_40 = arith.muli %mul3A_39, %mul3A_23 : i32
      %add3A_41 = arith.constant 1 : i32
      %add3A_42 = arith.addi %mul3A_40, %add3A_41 : i32
      "tpu.region"() ({
        %run_scoped3A = tpu.sem_alloc : memref<!tpu.dma_semaphore, #tpu.memory_space<semaphore_mem>>
        %dma_start3A_62 = arith.constant 64 : i32
        %dma_start3A_63 = arith.constant 0 : i32
        %dma_start3A_64 = tpu.memref_slice %arg7[%dma_start3A_62, %dma_start3A_63] : memref<128x256xf32, #tpu.memory_space<vmem>> -> memref<64x256xf32, #tpu.memory_space<vmem>>
        %dma_start3A_65 = arith.constant 0 : i32
        %dma_start3A_66 = tpu.memref_slice %arg4[%add3A_42, %mul3A_2, %dma_start3A_65] : memref<20x2048x256xf32, #tpu.memory_space<hbm>> -> memref<1x64x256xf32, #tpu.memory_space<hbm>>
        %dma_start3A_67 = tpu.memref_squeeze %dma_start3A_66 : memref<1x64x256xf32, #tpu.memory_space<hbm>> -> memref<64x256xf32, #tpu.memory_space<hbm>>
        %dma_start3A_68 = arith.constant 0 : i32
        %dma_start3A_69 = tpu.memref_slice %arg4[%add3A_42, %mul3A_2, %dma_start3A_68] : memref<20x2048x256xf32, #tpu.memory_space<hbm>> -> memref<1x64x256xf32, #tpu.memory_space<hbm>>
        %dma_start3A_70 = tpu.memref_squeeze %dma_start3A_69 : memref<1x64x256xf32, #tpu.memory_space<hbm>> -> memref<64x256xf32, #tpu.memory_space<hbm>>
        %dma_start3A_71 = arith.constant 64 : i32
        %dma_start3A_72 = arith.constant 0 : i32
        %dma_start3A_73 = tpu.memref_slice %arg7[%dma_start3A_71, %dma_start3A_72] : memref<128x256xf32, #tpu.memory_space<vmem>> -> memref<64x256xf32, #tpu.memory_space<vmem>>
        tpu.enqueue_dma source(%dma_start3A_73 : memref<64x256xf32, #tpu.memory_space<vmem>>) target(%dma_start3A_70 : memref<64x256xf32, #tpu.memory_space<hbm>>) target_semaphore(%run_scoped3A : memref<!tpu.dma_semaphore, #tpu.memory_space<semaphore_mem>>)
        %dma_wait3A_74 = arith.constant 64 : i32
        %dma_wait3A_75 = arith.constant 0 : i32
        %dma_wait3A_76 = tpu.memref_slice %arg7[%dma_wait3A_74, %dma_wait3A_75] : memref<128x256xf32, #tpu.memory_space<vmem>> -> memref<64x256xf32, #tpu.memory_space<vmem>>
        %dma_wait3A_77 = arith.constant 0 : i32
        %dma_wait3A_78 = tpu.memref_slice %arg4[%add3A_42, %mul3A_2, %dma_wait3A_77] : memref<20x2048x256xf32, #tpu.memory_space<hbm>> -> memref<1x64x256xf32, #tpu.memory_space<hbm>>
        %dma_wait3A_79 = tpu.memref_squeeze %dma_wait3A_78 : memref<1x64x256xf32, #tpu.memory_space<hbm>> -> memref<64x256xf32, #tpu.memory_space<hbm>>
        %dma_wait3A_80 = arith.constant 0 : i32
        %dma_wait3A_81 = tpu.memref_slice %arg4[%add3A_42, %mul3A_2, %dma_wait3A_80] : memref<20x2048x256xf32, #tpu.memory_space<hbm>> -> memref<1x64x256xf32, #tpu.memory_space<hbm>>
        %dma_wait3A_82 = tpu.memref_squeeze %dma_wait3A_81 : memref<1x64x256xf32, #tpu.memory_space<hbm>> -> memref<64x256xf32, #tpu.memory_space<hbm>>
        %dma_wait3A_83 = arith.constant 64 : i32
        %dma_wait3A_84 = arith.constant 0 : i32
        %dma_wait3A_85 = tpu.memref_slice %arg7[%dma_wait3A_83, %dma_wait3A_84] : memref<128x256xf32, #tpu.memory_space<vmem>> -> memref<64x256xf32, #tpu.memory_space<vmem>>
        tpu.wait_dma2 semaphore(%run_scoped3A : memref<!tpu.dma_semaphore, #tpu.memory_space<semaphore_mem>>) src(%dma_wait3A_85 : memref<64x256xf32, #tpu.memory_space<vmem>>) dst(%dma_wait3A_82 : memref<64x256xf32, #tpu.memory_space<hbm>>)
        tpu.yield
      }) : () -> ()
      %dma_wait3A_43 = arith.constant 0 : i32
      %dma_wait3A_44 = arith.constant 0 : i32
      %dma_wait3A_45 = tpu.memref_slice %arg3[%dma_wait3A_43, %dma_wait3A_44] : memref<4096x256xf32, #tpu.memory_space<hbm>> -> memref<128x256xf32, #tpu.memory_space<hbm>>
      %dma_wait3A_46 = arith.constant 0 : i32
      %dma_wait3A_47 = arith.constant 0 : i32
      %dma_wait3A_48 = tpu.memref_slice %arg3[%dma_wait3A_46, %dma_wait3A_47] : memref<4096x256xf32, #tpu.memory_space<hbm>> -> memref<128x256xf32, #tpu.memory_space<hbm>>
      tpu.wait_dma2 semaphore(%arg10 : memref<!tpu.dma_semaphore, #tpu.memory_space<semaphore_mem>>) src(%dma_wait3A_48 : memref<128x256xf32, #tpu.memory_space<hbm>>) dst(%arg8 : memref<128x256xf32, #tpu.memory_space<vmem>>)
      %add3A_49 = arith.constant 2 : i32
      %add3A_50 = arith.addi %mul3A_23, %add3A_49 : i32
      %lt3A = arith.constant 10 : i32
      %lt3A_51 = arith.cmpi slt, %add3A_50, %lt3A : i32
      %convert_element_type3A = arith.extui %lt3A_51 : i1 to i32
      %cond3A = arith.constant 0 : i32
      %cond3A_52 = arith.cmpi ne, %convert_element_type3A, %cond3A : i32
      scf.if %cond3A_52 {
        %add3A_62 = arith.constant 2 : i32
        %add3A_63 = arith.addi %mul3A_23, %add3A_62 : i32
        %mul3A_64 = arith.constant 128 : i32
        %mul3A_65 = arith.muli %add3A_63, %mul3A_64 : i32
        %dma_start3A_66 = tpu.memref_slice %arg6[%mul3A_65] : memref<1296xi32, #tpu.memory_space<vmem>> -> memref<128xi32, #tpu.memory_space<vmem>>
        %dma_start3A_67 = arith.constant 0 : i32
        %dma_start3A_68 = arith.constant 0 : i32
        %dma_start3A_69 = tpu.memref_slice %arg3[%dma_start3A_67, %dma_start3A_68] : memref<4096x256xf32, #tpu.memory_space<hbm>> -> memref<4096x256xf32, #tpu.memory_space<hbm>>
        tpu.enqueue_indirect_dma source(%dma_start3A_69 : memref<4096x256xf32, #tpu.memory_space<hbm>>) target(%arg7 : memref<128x256xf32, #tpu.memory_space<vmem>>) offsets(%dma_start3A_66 : memref<128xi32, #tpu.memory_space<vmem>>) semaphore(%arg9 : memref<!tpu.dma_semaphore, #tpu.memory_space<semaphore_mem>>)
      } else {
      }
      %add3A_53 = arith.constant 1 : i32
      %add3A_54 = arith.addi %mul3A_23, %add3A_53 : i32
      %mul3A_55 = arith.constant 2 : i32
      %mul3A_56 = arith.muli %mul3A_55, %add3A_54 : i32
      "tpu.region"() ({
        %run_scoped3A = tpu.sem_alloc : memref<!tpu.dma_semaphore, #tpu.memory_space<semaphore_mem>>
        %dma_start3A_62 = arith.constant 0 : i32
        %dma_start3A_63 = arith.constant 0 : i32
        %dma_start3A_64 = tpu.memref_slice %arg8[%dma_start3A_62, %dma_start3A_63] : memref<128x256xf32, #tpu.memory_space<vmem>> -> memref<64x256xf32, #tpu.memory_space<vmem>>
        %dma_start3A_65 = arith.constant 0 : i32
        %dma_start3A_66 = tpu.memref_slice %arg4[%mul3A_56, %mul3A_2, %dma_start3A_65] : memref<20x2048x256xf32, #tpu.memory_space<hbm>> -> memref<1x64x256xf32, #tpu.memory_space<hbm>>
        %dma_start3A_67 = tpu.memref_squeeze %dma_start3A_66 : memref<1x64x256xf32, #tpu.memory_space<hbm>> -> memref<64x256xf32, #tpu.memory_space<hbm>>
        %dma_start3A_68 = arith.constant 0 : i32
        %dma_start3A_69 = tpu.memref_slice %arg4[%mul3A_56, %mul3A_2, %dma_start3A_68] : memref<20x2048x256xf32, #tpu.memory_space<hbm>> -> memref<1x64x256xf32, #tpu.memory_space<hbm>>
        %dma_start3A_70 = tpu.memref_squeeze %dma_start3A_69 : memref<1x64x256xf32, #tpu.memory_space<hbm>> -> memref<64x256xf32, #tpu.memory_space<hbm>>
        %dma_start3A_71 = arith.constant 0 : i32
        %dma_start3A_72 = arith.constant 0 : i32
        %dma_start3A_73 = tpu.memref_slice %arg8[%dma_start3A_71, %dma_start3A_72] : memref<128x256xf32, #tpu.memory_space<vmem>> -> memref<64x256xf32, #tpu.memory_space<vmem>>
        tpu.enqueue_dma source(%dma_start3A_73 : memref<64x256xf32, #tpu.memory_space<vmem>>) target(%dma_start3A_70 : memref<64x256xf32, #tpu.memory_space<hbm>>) target_semaphore(%run_scoped3A : memref<!tpu.dma_semaphore, #tpu.memory_space<semaphore_mem>>)
        %dma_wait3A_74 = arith.constant 0 : i32
        %dma_wait3A_75 = arith.constant 0 : i32
        %dma_wait3A_76 = tpu.memref_slice %arg8[%dma_wait3A_74, %dma_wait3A_75] : memref<128x256xf32, #tpu.memory_space<vmem>> -> memref<64x256xf32, #tpu.memory_space<vmem>>
        %dma_wait3A_77 = arith.constant 0 : i32
        %dma_wait3A_78 = tpu.memref_slice %arg4[%mul3A_56, %mul3A_2, %dma_wait3A_77] : memref<20x2048x256xf32, #tpu.memory_space<hbm>> -> memref<1x64x256xf32, #tpu.memory_space<hbm>>
        %dma_wait3A_79 = tpu.memref_squeeze %dma_wait3A_78 : memref<1x64x256xf32, #tpu.memory_space<hbm>> -> memref<64x256xf32, #tpu.memory_space<hbm>>
        %dma_wait3A_80 = arith.constant 0 : i32
        %dma_wait3A_81 = tpu.memref_slice %arg4[%mul3A_56, %mul3A_2, %dma_wait3A_80] : memref<20x2048x256xf32, #tpu.memory_space<hbm>> -> memref<1x64x256xf32, #tpu.memory_space<hbm>>
        %dma_wait3A_82 = tpu.memref_squeeze %dma_wait3A_81 : memref<1x64x256xf32, #tpu.memory_space<hbm>> -> memref<64x256xf32, #tpu.memory_space<hbm>>
        %dma_wait3A_83 = arith.constant 0 : i32
        %dma_wait3A_84 = arith.constant 0 : i32
        %dma_wait3A_85 = tpu.memref_slice %arg8[%dma_wait3A_83, %dma_wait3A_84] : memref<128x256xf32, #tpu.memory_space<vmem>> -> memref<64x256xf32, #tpu.memory_space<vmem>>
        tpu.wait_dma2 semaphore(%run_scoped3A : memref<!tpu.dma_semaphore, #tpu.memory_space<semaphore_mem>>) src(%dma_wait3A_85 : memref<64x256xf32, #tpu.memory_space<vmem>>) dst(%dma_wait3A_82 : memref<64x256xf32, #tpu.memory_space<hbm>>)
        tpu.yield
      }) : () -> ()
      %mul3A_57 = arith.constant 2 : i32
      %mul3A_58 = arith.muli %mul3A_57, %add3A_54 : i32
      %add3A_59 = arith.constant 1 : i32
      %add3A_60 = arith.addi %mul3A_58, %add3A_59 : i32
      "tpu.region"() ({
        %run_scoped3A = tpu.sem_alloc : memref<!tpu.dma_semaphore, #tpu.memory_space<semaphore_mem>>
        %dma_start3A_62 = arith.constant 64 : i32
        %dma_start3A_63 = arith.constant 0 : i32
        %dma_start3A_64 = tpu.memref_slice %arg8[%dma_start3A_62, %dma_start3A_63] : memref<128x256xf32, #tpu.memory_space<vmem>> -> memref<64x256xf32, #tpu.memory_space<vmem>>
        %dma_start3A_65 = arith.constant 0 : i32
        %dma_start3A_66 = tpu.memref_slice %arg4[%add3A_60, %mul3A_2, %dma_start3A_65] : memref<20x2048x256xf32, #tpu.memory_space<hbm>> -> memref<1x64x256xf32, #tpu.memory_space<hbm>>
        %dma_start3A_67 = tpu.memref_squeeze %dma_start3A_66 : memref<1x64x256xf32, #tpu.memory_space<hbm>> -> memref<64x256xf32, #tpu.memory_space<hbm>>
        %dma_start3A_68 = arith.constant 0 : i32
        %dma_start3A_69 = tpu.memref_slice %arg4[%add3A_60, %mul3A_2, %dma_start3A_68] : memref<20x2048x256xf32, #tpu.memory_space<hbm>> -> memref<1x64x256xf32, #tpu.memory_space<hbm>>
        %dma_start3A_70 = tpu.memref_squeeze %dma_start3A_69 : memref<1x64x256xf32, #tpu.memory_space<hbm>> -> memref<64x256xf32, #tpu.memory_space<hbm>>
        %dma_start3A_71 = arith.constant 64 : i32
        %dma_start3A_72 = arith.constant 0 : i32
        %dma_start3A_73 = tpu.memref_slice %arg8[%dma_start3A_71, %dma_start3A_72] : memref<128x256xf32, #tpu.memory_space<vmem>> -> memref<64x256xf32, #tpu.memory_space<vmem>>
        tpu.enqueue_dma source(%dma_start3A_73 : memref<64x256xf32, #tpu.memory_space<vmem>>) target(%dma_start3A_70 : memref<64x256xf32, #tpu.memory_space<hbm>>) target_semaphore(%run_scoped3A : memref<!tpu.dma_semaphore, #tpu.memory_space<semaphore_mem>>)
        %dma_wait3A_74 = arith.constant 64 : i32
        %dma_wait3A_75 = arith.constant 0 : i32
        %dma_wait3A_76 = tpu.memref_slice %arg8[%dma_wait3A_74, %dma_wait3A_75] : memref<128x256xf32, #tpu.memory_space<vmem>> -> memref<64x256xf32, #tpu.memory_space<vmem>>
        %dma_wait3A_77 = arith.constant 0 : i32
        %dma_wait3A_78 = tpu.memref_slice %arg4[%add3A_60, %mul3A_2, %dma_wait3A_77] : memref<20x2048x256xf32, #tpu.memory_space<hbm>> -> memref<1x64x256xf32, #tpu.memory_space<hbm>>
        %dma_wait3A_79 = tpu.memref_squeeze %dma_wait3A_78 : memref<1x64x256xf32, #tpu.memory_space<hbm>> -> memref<64x256xf32, #tpu.memory_space<hbm>>
        %dma_wait3A_80 = arith.constant 0 : i32
        %dma_wait3A_81 = tpu.memref_slice %arg4[%add3A_60, %mul3A_2, %dma_wait3A_80] : memref<20x2048x256xf32, #tpu.memory_space<hbm>> -> memref<1x64x256xf32, #tpu.memory_space<hbm>>
        %dma_wait3A_82 = tpu.memref_squeeze %dma_wait3A_81 : memref<1x64x256xf32, #tpu.memory_space<hbm>> -> memref<64x256xf32, #tpu.memory_space<hbm>>
        %dma_wait3A_83 = arith.constant 64 : i32
        %dma_wait3A_84 = arith.constant 0 : i32
        %dma_wait3A_85 = tpu.memref_slice %arg8[%dma_wait3A_83, %dma_wait3A_84] : memref<128x256xf32, #tpu.memory_space<vmem>> -> memref<64x256xf32, #tpu.memory_space<vmem>>
        tpu.wait_dma2 semaphore(%run_scoped3A : memref<!tpu.dma_semaphore, #tpu.memory_space<semaphore_mem>>) src(%dma_wait3A_85 : memref<64x256xf32, #tpu.memory_space<vmem>>) dst(%dma_wait3A_82 : memref<64x256xf32, #tpu.memory_space<hbm>>)
        tpu.yield
      }) : () -> ()
      %scan3A_61 = arith.constant 0 : i32
      scf.yield %scan3A_61 : i32
    }
    %scan3A_19 = arith.constant 5 : i32
    return
  }
}

#map = affine_map<(d0, d1) -> (0, 0)>
#map1 = affine_map<(d0, d1) -> (0, 0, 0)>
module attributes {stable_mosaic.version = 14 : i64} {
  func.func @k(%arg0: i32, %arg1: i32, %arg2: memref<2048x2048xi32, #tpu.memory_space<hbm>>, %arg3: memref<4096x256xf32, #tpu.memory_space<hbm>>, %arg4: memref<20x2048x256xf32, #tpu.memory_space<hbm>>, %arg5: memref<8x2048xi32, #tpu.memory_space<vmem>>, %arg6: memref<1296xi32, #tpu.memory_space<vmem>>, %arg7: memref<128x256xf32, #tpu.memory_space<vmem>>, %arg8: memref<128x256xf32, #tpu.memory_space<vmem>>, %arg9: memref<!tpu.dma_semaphore, #tpu.memory_space<semaphore_mem>>, %arg10: memref<!tpu.dma_semaphore, #tpu.memory_space<semaphore_mem>>) attributes {dimension_semantics = [#tpu.dimension_semantics<core_parallel>, #tpu.dimension_semantics<subcore_parallel>], iteration_bounds = array<i64: 2, 16>, scalar_prefetch = 0 : i64, scratch_operands = 6 : i64, tpu.core_type = #tpu.core_type<sc_vector_subcore>, window_params = [{transform_indices = #map}, {transform_indices = #map}, {transform_indices = #map1}]} {
    %mul3A = arith.constant 2 : i32
    %mul3A_0 = arith.muli %arg1, %mul3A : i32
    %add3A = arith.addi %mul3A_0, %arg0 : i32
    %mul3A_1 = arith.constant 64 : i32
    %mul3A_2 = arith.muli %add3A, %mul3A_1 : i32
    %scan3A = arith.constant 0 : i32
    %scan3A_3 = arith.constant 0 : i32
    %scan3A_4 = arith.constant 8 : i32
    %scan3A_5 = arith.addi %scan3A_3, %scan3A_4 : i32
    %scan3A_6 = arith.constant 1 : i32
    %scan3A_7 = scf.for %scan3A_20 = %scan3A_3 to %scan3A_5 step %scan3A_6 iter_args(%scan3A_21 = %scan3A) -> (i32)  : i32 {
      %mul3A_22 = arith.constant 8 : i32
      %mul3A_23 = arith.muli %scan3A_20, %mul3A_22 : i32
      %add3A_24 = arith.addi %mul3A_2, %mul3A_23 : i32
      "tpu.region"() ({
        %run_scoped3A = tpu.sem_alloc : memref<!tpu.dma_semaphore, #tpu.memory_space<semaphore_mem>>
        %dma_start3A_33 = arith.constant 0 : i32
        %dma_start3A_34 = tpu.memref_slice %arg2[%add3A_24, %dma_start3A_33] : memref<2048x2048xi32, #tpu.memory_space<hbm>> -> memref<8x2048xi32, #tpu.memory_space<hbm>>
        %dma_start3A_35 = arith.constant 0 : i32
        %dma_start3A_36 = tpu.memref_slice %arg2[%add3A_24, %dma_start3A_35] : memref<2048x2048xi32, #tpu.memory_space<hbm>> -> memref<8x2048xi32, #tpu.memory_space<hbm>>
        tpu.enqueue_dma source(%dma_start3A_36 : memref<8x2048xi32, #tpu.memory_space<hbm>>) target(%arg5 : memref<8x2048xi32, #tpu.memory_space<vmem>>) target_semaphore(%run_scoped3A : memref<!tpu.dma_semaphore, #tpu.memory_space<semaphore_mem>>)
        %dma_wait3A = arith.constant 0 : i32
        %dma_wait3A_37 = tpu.memref_slice %arg2[%add3A_24, %dma_wait3A] : memref<2048x2048xi32, #tpu.memory_space<hbm>> -> memref<8x2048xi32, #tpu.memory_space<hbm>>
        %dma_wait3A_38 = arith.constant 0 : i32
        %dma_wait3A_39 = tpu.memref_slice %arg2[%add3A_24, %dma_wait3A_38] : memref<2048x2048xi32, #tpu.memory_space<hbm>> -> memref<8x2048xi32, #tpu.memory_space<hbm>>
        tpu.wait_dma2 semaphore(%run_scoped3A : memref<!tpu.dma_semaphore, #tpu.memory_space<semaphore_mem>>) src(%dma_wait3A_39 : memref<8x2048xi32, #tpu.memory_space<hbm>>) dst(%arg5 : memref<8x2048xi32, #tpu.memory_space<vmem>>)
        tpu.yield
      }) : () -> ()
      %scan3A_25 = arith.constant 0 : i32
      %scan3A_26 = arith.constant 0 : i32
      %scan3A_27 = arith.constant 8 : i32
      %scan3A_28 = arith.addi %scan3A_26, %scan3A_27 : i32
      %scan3A_29 = arith.constant 1 : i32
      %scan3A_30 = scf.for %scan3A_33 = %scan3A_26 to %scan3A_28 step %scan3A_29 iter_args(%scan3A_34 = %scan3A_25) -> (i32)  : i32 {
        %mul3A_35 = arith.constant 8 : i32
        %mul3A_36 = arith.muli %scan3A_20, %mul3A_35 : i32
        %add3A_37 = arith.addi %mul3A_36, %scan3A_33 : i32
        %broadcast_in_dim3A = arith.constant 0 : i32
        %broadcast_in_dim3A_38 = vector.broadcast %broadcast_in_dim3A : i32 to vector<16xi32>
        %scan3A_39 = arith.constant 0 : i32
        %scan3A_40 = arith.constant 32 : i32
        %scan3A_41 = arith.addi %scan3A_39, %scan3A_40 : i32
        %scan3A_42 = arith.constant 1 : i32
        %scan3A_43 = scf.for %scan3A_46 = %scan3A_39 to %scan3A_41 step %scan3A_42 iter_args(%scan3A_47 = %broadcast_in_dim3A_38) -> (vector<16xi32>)  : i32 {
          %mul3A_48 = arith.constant 4 : i32
          %mul3A_49 = arith.muli %scan3A_46, %mul3A_48 : i32
          %add3A_50 = arith.constant 0 : i32
          %add3A_51 = arith.addi %mul3A_49, %add3A_50 : i32
          %mul3A_52 = arith.constant 16 : i32
          %mul3A_53 = arith.muli %add3A_51, %mul3A_52 : i32
          %get3A = arith.index_cast %scan3A_33 : i32 to index
          %get3A_54 = arith.index_cast %mul3A_53 : i32 to index
          %get3A_55 = tpu.vector_load %arg5[%get3A, %get3A_54] {strides = array<i32>} : memref<8x2048xi32, #tpu.memory_space<vmem>>, vector<16xi32>,
          %gt3A = arith.constant 0 : i32
          %gt3A_56 = vector.broadcast %gt3A : i32 to vector<16xi32>
          %gt3A_57 = arith.cmpi sgt, %get3A_55, %gt3A_56 : vector<16xi32>
          %all_reduce_population_count3A = tpu.all_reduce %gt3A_57 {dim = 0 : i64, kind = #tpu.reduction_kind<sum>} : vector<16xi1> -> vector<16xi32>
          %iota3A = tpu.iota {dimensions = array<i32: 0>} : vector<16xi32>
          %mul3A_58 = arith.constant 16 : i32
          %mul3A_59 = arith.muli %add3A_51, %mul3A_58 : i32
          %add3A_60 = arith.constant 0 : i32
          %add3A_61 = arith.addi %mul3A_59, %add3A_60 : i32
          %add3A_62 = vector.broadcast %add3A_61 : i32 to vector<16xi32>
          %add3A_63 = arith.addi %iota3A, %add3A_62 : vector<16xi32>
          %convert_element_type3A = arith.extui %gt3A_57 : vector<16xi1> to vector<16xi32>
          %broadcast_in_dim3A_64 = arith.constant true
          %broadcast_in_dim3A_65 = vector.broadcast %broadcast_in_dim3A_64 : i1 to vector<16xi1>
          %masked_cumsum3A = tpu.scan <sum>, %convert_element_type3A masked %broadcast_in_dim3A_65 : vector<16xi32>, vector<16xi1> -> vector<16xi32>
          %add3A_66 = arith.addi %scan3A_47, %masked_cumsum3A : vector<16xi32>
          %sub3A = arith.constant 1 : i32
          %sub3A_67 = vector.broadcast %sub3A : i32 to vector<16xi32>
          %sub3A_68 = arith.subi %add3A_66, %sub3A_67 : vector<16xi32>
          %mul3A_69 = arith.constant 64 : i32
          %mul3A_70 = vector.broadcast %mul3A_69 : i32 to vector<16xi32>
          %mul3A_71 = arith.muli %sub3A_68, %mul3A_70 : vector<16xi32>
          %add3A_72 = vector.broadcast %add3A_37 : i32 to vector<16xi32>
          %add3A_73 = arith.addi %mul3A_71, %add3A_72 : vector<16xi32>
          %iota3A_74 = tpu.iota {dimensions = array<i32: 0>} : vector<16xi32>
          %add3A_75 = arith.constant 1280 : i32
          %add3A_76 = vector.broadcast %add3A_75 : i32 to vector<16xi32>
          %add3A_77 = arith.addi %add3A_76, %iota3A_74 : vector<16xi32>
          %select_n3A = arith.select %gt3A_57, %add3A_73, %add3A_77 : vector<16xi1>, vector<16xi32>
          tpu.vector_store_idx %arg6[%select_n3A], %add3A_63 : memref<1296xi32, #tpu.memory_space<vmem>>[vector<16xi32>], vector<16xi32>,
          %add3A_78 = arith.addi %scan3A_47, %all_reduce_population_count3A : vector<16xi32>
          %mul3A_79 = arith.constant 4 : i32
          %mul3A_80 = arith.muli %scan3A_46, %mul3A_79 : i32
          %add3A_81 = arith.constant 1 : i32
          %add3A_82 = arith.addi %mul3A_80, %add3A_81 : i32
          %mul3A_83 = arith.constant 16 : i32
          %mul3A_84 = arith.muli %add3A_82, %mul3A_83 : i32
          %get3A_85 = arith.index_cast %scan3A_33 : i32 to index
          %get3A_86 = arith.index_cast %mul3A_84 : i32 to index
          %get3A_87 = tpu.vector_load %arg5[%get3A_85, %get3A_86] {strides = array<i32>} : memref<8x2048xi32, #tpu.memory_space<vmem>>, vector<16xi32>,
          %gt3A_88 = arith.constant 0 : i32
          %gt3A_89 = vector.broadcast %gt3A_88 : i32 to vector<16xi32>
          %gt3A_90 = arith.cmpi sgt, %get3A_87, %gt3A_89 : vector<16xi32>
          %all_reduce_population_count3A_91 = tpu.all_reduce %gt3A_90 {dim = 0 : i64, kind = #tpu.reduction_kind<sum>} : vector<16xi1> -> vector<16xi32>
          %iota3A_92 = tpu.iota {dimensions = array<i32: 0>} : vector<16xi32>
          %mul3A_93 = arith.constant 16 : i32
          %mul3A_94 = arith.muli %add3A_82, %mul3A_93 : i32
          %add3A_95 = arith.constant 0 : i32
          %add3A_96 = arith.addi %mul3A_94, %add3A_95 : i32
          %add3A_97 = vector.broadcast %add3A_96 : i32 to vector<16xi32>
          %add3A_98 = arith.addi %iota3A_92, %add3A_97 : vector<16xi32>
          %convert_element_type3A_99 = arith.extui %gt3A_90 : vector<16xi1> to vector<16xi32>
          %broadcast_in_dim3A_100 = arith.constant true
          %broadcast_in_dim3A_101 = vector.broadcast %broadcast_in_dim3A_100 : i1 to vector<16xi1>
          %masked_cumsum3A_102 = tpu.scan <sum>, %convert_element_type3A_99 masked %broadcast_in_dim3A_101 : vector<16xi32>, vector<16xi1> -> vector<16xi32>
          %add3A_103 = arith.addi %add3A_78, %masked_cumsum3A_102 : vector<16xi32>
          %sub3A_104 = arith.constant 1 : i32
          %sub3A_105 = vector.broadcast %sub3A_104 : i32 to vector<16xi32>
          %sub3A_106 = arith.subi %add3A_103, %sub3A_105 : vector<16xi32>
          %mul3A_107 = arith.constant 64 : i32
          %mul3A_108 = vector.broadcast %mul3A_107 : i32 to vector<16xi32>
          %mul3A_109 = arith.muli %sub3A_106, %mul3A_108 : vector<16xi32>
          %add3A_110 = vector.broadcast %add3A_37 : i32 to vector<16xi32>
          %add3A_111 = arith.addi %mul3A_109, %add3A_110 : vector<16xi32>
          %iota3A_112 = tpu.iota {dimensions = array<i32: 0>} : vector<16xi32>
          %add3A_113 = arith.constant 1280 : i32
          %add3A_114 = vector.broadcast %add3A_113 : i32 to vector<16xi32>
          %add3A_115 = arith.addi %add3A_114, %iota3A_112 : vector<16xi32>
          %select_n3A_116 = arith.select %gt3A_90, %add3A_111, %add3A_115 : vector<16xi1>, vector<16xi32>
          tpu.vector_store_idx %arg6[%select_n3A_116], %add3A_98 : memref<1296xi32, #tpu.memory_space<vmem>>[vector<16xi32>], vector<16xi32>,
          %add3A_117 = arith.addi %add3A_78, %all_reduce_population_count3A_91 : vector<16xi32>
          %mul3A_118 = arith.constant 4 : i32
          %mul3A_119 = arith.muli %scan3A_46, %mul3A_118 : i32
          %add3A_120 = arith.constant 2 : i32
          %add3A_121 = arith.addi %mul3A_119, %add3A_120 : i32
          %mul3A_122 = arith.constant 16 : i32
          %mul3A_123 = arith.muli %add3A_121, %mul3A_122 : i32
          %get3A_124 = arith.index_cast %scan3A_33 : i32 to index
          %get3A_125 = arith.index_cast %mul3A_123 : i32 to index
          %get3A_126 = tpu.vector_load %arg5[%get3A_124, %get3A_125] {strides = array<i32>} : memref<8x2048xi32, #tpu.memory_space<vmem>>, vector<16xi32>,
          %gt3A_127 = arith.constant 0 : i32
          %gt3A_128 = vector.broadcast %gt3A_127 : i32 to vector<16xi32>
          %gt3A_129 = arith.cmpi sgt, %get3A_126, %gt3A_128 : vector<16xi32>
          %all_reduce_population_count3A_130 = tpu.all_reduce %gt3A_129 {dim = 0 : i64, kind = #tpu.reduction_kind<sum>} : vector<16xi1> -> vector<16xi32>
          %iota3A_131 = tpu.iota {dimensions = array<i32: 0>} : vector<16xi32>
          %mul3A_132 = arith.constant 16 : i32
          %mul3A_133 = arith.muli %add3A_121, %mul3A_132 : i32
          %add3A_134 = arith.constant 0 : i32
          %add3A_135 = arith.addi %mul3A_133, %add3A_134 : i32
          %add3A_136 = vector.broadcast %add3A_135 : i32 to vector<16xi32>
          %add3A_137 = arith.addi %iota3A_131, %add3A_136 : vector<16xi32>
          %convert_element_type3A_138 = arith.extui %gt3A_129 : vector<16xi1> to vector<16xi32>
          %broadcast_in_dim3A_139 = arith.constant true
          %broadcast_in_dim3A_140 = vector.broadcast %broadcast_in_dim3A_139 : i1 to vector<16xi1>
          %masked_cumsum3A_141 = tpu.scan <sum>, %convert_element_type3A_138 masked %broadcast_in_dim3A_140 : vector<16xi32>, vector<16xi1> -> vector<16xi32>
          %add3A_142 = arith.addi %add3A_117, %masked_cumsum3A_141 : vector<16xi32>
          %sub3A_143 = arith.constant 1 : i32
          %sub3A_144 = vector.broadcast %sub3A_143 : i32 to vector<16xi32>
          %sub3A_145 = arith.subi %add3A_142, %sub3A_144 : vector<16xi32>
          %mul3A_146 = arith.constant 64 : i32
          %mul3A_147 = vector.broadcast %mul3A_146 : i32 to vector<16xi32>
          %mul3A_148 = arith.muli %sub3A_145, %mul3A_147 : vector<16xi32>
          %add3A_149 = vector.broadcast %add3A_37 : i32 to vector<16xi32>
          %add3A_150 = arith.addi %mul3A_148, %add3A_149 : vector<16xi32>
          %iota3A_151 = tpu.iota {dimensions = array<i32: 0>} : vector<16xi32>
          %add3A_152 = arith.constant 1280 : i32
          %add3A_153 = vector.broadcast %add3A_152 : i32 to vector<16xi32>
          %add3A_154 = arith.addi %add3A_153, %iota3A_151 : vector<16xi32>
          %select_n3A_155 = arith.select %gt3A_129, %add3A_150, %add3A_154 : vector<16xi1>, vector<16xi32>
          tpu.vector_store_idx %arg6[%select_n3A_155], %add3A_137 : memref<1296xi32, #tpu.memory_space<vmem>>[vector<16xi32>], vector<16xi32>,
          %add3A_156 = arith.addi %add3A_117, %all_reduce_population_count3A_130 : vector<16xi32>
          %mul3A_157 = arith.constant 4 : i32
          %mul3A_158 = arith.muli %scan3A_46, %mul3A_157 : i32
          %add3A_159 = arith.constant 3 : i32
          %add3A_160 = arith.addi %mul3A_158, %add3A_159 : i32
          %mul3A_161 = arith.constant 16 : i32
          %mul3A_162 = arith.muli %add3A_160, %mul3A_161 : i32
          %get3A_163 = arith.index_cast %scan3A_33 : i32 to index
          %get3A_164 = arith.index_cast %mul3A_162 : i32 to index
          %get3A_165 = tpu.vector_load %arg5[%get3A_163, %get3A_164] {strides = array<i32>} : memref<8x2048xi32, #tpu.memory_space<vmem>>, vector<16xi32>,
          %gt3A_166 = arith.constant 0 : i32
          %gt3A_167 = vector.broadcast %gt3A_166 : i32 to vector<16xi32>
          %gt3A_168 = arith.cmpi sgt, %get3A_165, %gt3A_167 : vector<16xi32>
          %all_reduce_population_count3A_169 = tpu.all_reduce %gt3A_168 {dim = 0 : i64, kind = #tpu.reduction_kind<sum>} : vector<16xi1> -> vector<16xi32>
          %iota3A_170 = tpu.iota {dimensions = array<i32: 0>} : vector<16xi32>
          %mul3A_171 = arith.constant 16 : i32
          %mul3A_172 = arith.muli %add3A_160, %mul3A_171 : i32
          %add3A_173 = arith.constant 0 : i32
          %add3A_174 = arith.addi %mul3A_172, %add3A_173 : i32
          %add3A_175 = vector.broadcast %add3A_174 : i32 to vector<16xi32>
          %add3A_176 = arith.addi %iota3A_170, %add3A_175 : vector<16xi32>
          %convert_element_type3A_177 = arith.extui %gt3A_168 : vector<16xi1> to vector<16xi32>
          %broadcast_in_dim3A_178 = arith.constant true
          %broadcast_in_dim3A_179 = vector.broadcast %broadcast_in_dim3A_178 : i1 to vector<16xi1>
          %masked_cumsum3A_180 = tpu.scan <sum>, %convert_element_type3A_177 masked %broadcast_in_dim3A_179 : vector<16xi32>, vector<16xi1> -> vector<16xi32>
          %add3A_181 = arith.addi %add3A_156, %masked_cumsum3A_180 : vector<16xi32>
          %sub3A_182 = arith.constant 1 : i32
          %sub3A_183 = vector.broadcast %sub3A_182 : i32 to vector<16xi32>
          %sub3A_184 = arith.subi %add3A_181, %sub3A_183 : vector<16xi32>
          %mul3A_185 = arith.constant 64 : i32
          %mul3A_186 = vector.broadcast %mul3A_185 : i32 to vector<16xi32>
          %mul3A_187 = arith.muli %sub3A_184, %mul3A_186 : vector<16xi32>
          %add3A_188 = vector.broadcast %add3A_37 : i32 to vector<16xi32>
          %add3A_189 = arith.addi %mul3A_187, %add3A_188 : vector<16xi32>
          %iota3A_190 = tpu.iota {dimensions = array<i32: 0>} : vector<16xi32>
          %add3A_191 = arith.constant 1280 : i32
          %add3A_192 = vector.broadcast %add3A_191 : i32 to vector<16xi32>
          %add3A_193 = arith.addi %add3A_192, %iota3A_190 : vector<16xi32>
          %select_n3A_194 = arith.select %gt3A_168, %add3A_189, %add3A_193 : vector<16xi1>, vector<16xi32>
          tpu.vector_store_idx %arg6[%select_n3A_194], %add3A_176 : memref<1296xi32, #tpu.memory_space<vmem>>[vector<16xi32>], vector<16xi32>,
          %add3A_195 = arith.addi %add3A_156, %all_reduce_population_count3A_169 : vector<16xi32>
          scf.yield %add3A_195 : vector<16xi32>
        }
        %scan3A_44 = arith.constant 32 : i32
        %scan3A_45 = arith.constant 0 : i32
        scf.yield %scan3A_45 : i32
      }
      %scan3A_31 = arith.constant 8 : i32
      %scan3A_32 = arith.constant 0 : i32
      scf.yield %scan3A_32 : i32
    }
    %scan3A_8 = arith.constant 8 : i32
    %dma_start3A = arith.constant 0 : i32
    %dma_start3A_9 = tpu.memref_slice %arg6[%dma_start3A] : memref<1296xi32, #tpu.memory_space<vmem>> -> memref<128xi32, #tpu.memory_space<vmem>>
    %dma_start3A_10 = arith.constant 0 : i32
    %dma_start3A_11 = arith.constant 0 : i32
    %dma_start3A_12 = tpu.memref_slice %arg3[%dma_start3A_10, %dma_start3A_11] : memref<4096x256xf32, #tpu.memory_space<hbm>> -> memref<4096x256xf32, #tpu.memory_space<hbm>>
    tpu.enqueue_indirect_dma source(%dma_start3A_12 : memref<4096x256xf32, #tpu.memory_space<hbm>>) target(%arg7 : memref<128x256xf32, #tpu.memory_space<vmem>>) offsets(%dma_start3A_9 : memref<128xi32, #tpu.memory_space<vmem>>) semaphore(%arg9 : memref<!tpu.dma_semaphore, #tpu.memory_space<semaphore_mem>>)
    %scan3A_13 = arith.constant 0 : i32
    %scan3A_14 = arith.constant 0 : i32
    %scan3A_15 = arith.constant 5 : i32
    %scan3A_16 = arith.addi %scan3A_14, %scan3A_15 : i32
    %scan3A_17 = arith.constant 1 : i32
    %scan3A_18 = scf.for %scan3A_20 = %scan3A_14 to %scan3A_16 step %scan3A_17 iter_args(%scan3A_21 = %scan3A_13) -> (i32)  : i32 {
      %mul3A_22 = arith.constant 2 : i32
      %mul3A_23 = arith.muli %scan3A_20, %mul3A_22 : i32
      %dma_wait3A = arith.constant 0 : i32
      %dma_wait3A_24 = arith.constant 0 : i32
      %dma_wait3A_25 = tpu.memref_slice %arg3[%dma_wait3A, %dma_wait3A_24] : memref<4096x256xf32, #tpu.memory_space<hbm>> -> memref<128x256xf32, #tpu.memory_space<hbm>>
      %dma_wait3A_26 = arith.constant 0 : i32
      %dma_wait3A_27 = arith.constant 0 : i32
      %dma_wait3A_28 = tpu.memref_slice %arg3[%dma_wait3A_26, %dma_wait3A_27] : memref<4096x256xf32, #tpu.memory_space<hbm>> -> memref<128x256xf32, #tpu.memory_space<hbm>>
      tpu.wait_dma2 semaphore(%arg9 : memref<!tpu.dma_semaphore, #tpu.memory_space<semaphore_mem>>) src(%dma_wait3A_28 : memref<128x256xf32, #tpu.memory_space<hbm>>) dst(%arg7 : memref<128x256xf32, #tpu.memory_space<vmem>>)
      %add3A_29 = arith.constant 1 : i32
      %add3A_30 = arith.addi %mul3A_23, %add3A_29 : i32
      %mul3A_31 = arith.constant 128 : i32
      %mul3A_32 = arith.muli %add3A_30, %mul3A_31 : i32
      %dma_start3A_33 = tpu.memref_slice %arg6[%mul3A_32] : memref<1296xi32, #tpu.memory_space<vmem>> -> memref<128xi32, #tpu.memory_space<vmem>>
      %dma_start3A_34 = arith.constant 0 : i32
      %dma_start3A_35 = arith.constant 0 : i32
      %dma_start3A_36 = tpu.memref_slice %arg3[%dma_start3A_34, %dma_start3A_35] : memref<4096x256xf32, #tpu.memory_space<hbm>> -> memref<4096x256xf32, #tpu.memory_space<hbm>>
      tpu.enqueue_indirect_dma source(%dma_start3A_36 : memref<4096x256xf32, #tpu.memory_space<hbm>>) target(%arg8 : memref<128x256xf32, #tpu.memory_space<vmem>>) offsets(%dma_start3A_33 : memref<128xi32, #tpu.memory_space<vmem>>) semaphore(%arg10 : memref<!tpu.dma_semaphore, #tpu.memory_space<semaphore_mem>>)
      %mul3A_37 = arith.constant 2 : i32
      %mul3A_38 = arith.muli %mul3A_37, %mul3A_23 : i32
      "tpu.region"() ({
        %run_scoped3A = tpu.sem_alloc : memref<!tpu.dma_semaphore, #tpu.memory_space<semaphore_mem>>
        %dma_start3A_62 = arith.constant 0 : i32
        %dma_start3A_63 = arith.constant 0 : i32
        %dma_start3A_64 = tpu.memref_slice %arg7[%dma_start3A_62, %dma_start3A_63] : memref<128x256xf32, #tpu.memory_space<vmem>> -> memref<64x256xf32, #tpu.memory_space<vmem>>
        %dma_start3A_65 = arith.constant 0 : i32
        %dma_start3A_66 = tpu.memref_slice %arg4[%mul3A_38, %mul3A_2, %dma_start3A_65] : memref<20x2048x256xf32, #tpu.memory_space<hbm>> -> memref<1x64x256xf32, #tpu.memory_space<hbm>>
        %dma_start3A_67 = tpu.memref_squeeze %dma_start3A_66 : memref<1x64x256xf32, #tpu.memory_space<hbm>> -> memref<64x256xf32, #tpu.memory_space<hbm>>
        %dma_start3A_68 = arith.constant 0 : i32
        %dma_start3A_69 = tpu.memref_slice %arg4[%mul3A_38, %mul3A_2, %dma_start3A_68] : memref<20x2048x256xf32, #tpu.memory_space<hbm>> -> memref<1x64x256xf32, #tpu.memory_space<hbm>>
        %dma_start3A_70 = tpu.memref_squeeze %dma_start3A_69 : memref<1x64x256xf32, #tpu.memory_space<hbm>> -> memref<64x256xf32, #tpu.memory_space<hbm>>
        %dma_start3A_71 = arith.constant 0 : i32
        %dma_start3A_72 = arith.constant 0 : i32
        %dma_start3A_73 = tpu.memref_slice %arg7[%dma_start3A_71, %dma_start3A_72] : memref<128x256xf32, #tpu.memory_space<vmem>> -> memref<64x256xf32, #tpu.memory_space<vmem>>
        tpu.enqueue_dma source(%dma_start3A_73 : memref<64x256xf32, #tpu.memory_space<vmem>>) target(%dma_start3A_70 : memref<64x256xf32, #tpu.memory_space<hbm>>) target_semaphore(%run_scoped3A : memref<!tpu.dma_semaphore, #tpu.memory_space<semaphore_mem>>)
        %dma_wait3A_74 = arith.constant 0 : i32
        %dma_wait3A_75 = arith.constant 0 : i32
        %dma_wait3A_76 = tpu.memref_slice %arg7[%dma_wait3A_74, %dma_wait3A_75] : memref<128x256xf32, #tpu.memory_space<vmem>> -> memref<64x256xf32, #tpu.memory_space<vmem>>
        %dma_wait3A_77 = arith.constant 0 : i32
        %dma_wait3A_78 = tpu.memref_slice %arg4[%mul3A_38, %mul3A_2, %dma_wait3A_77] : memref<20x2048x256xf32, #tpu.memory_space<hbm>> -> memref<1x64x256xf32, #tpu.memory_space<hbm>>
        %dma_wait3A_79 = tpu.memref_squeeze %dma_wait3A_78 : memref<1x64x256xf32, #tpu.memory_space<hbm>> -> memref<64x256xf32, #tpu.memory_space<hbm>>
        %dma_wait3A_80 = arith.constant 0 : i32
        %dma_wait3A_81 = tpu.memref_slice %arg4[%mul3A_38, %mul3A_2, %dma_wait3A_80] : memref<20x2048x256xf32, #tpu.memory_space<hbm>> -> memref<1x64x256xf32, #tpu.memory_space<hbm>>
        %dma_wait3A_82 = tpu.memref_squeeze %dma_wait3A_81 : memref<1x64x256xf32, #tpu.memory_space<hbm>> -> memref<64x256xf32, #tpu.memory_space<hbm>>
        %dma_wait3A_83 = arith.constant 0 : i32
        %dma_wait3A_84 = arith.constant 0 : i32
        %dma_wait3A_85 = tpu.memref_slice %arg7[%dma_wait3A_83, %dma_wait3A_84] : memref<128x256xf32, #tpu.memory_space<vmem>> -> memref<64x256xf32, #tpu.memory_space<vmem>>
        tpu.wait_dma2 semaphore(%run_scoped3A : memref<!tpu.dma_semaphore, #tpu.memory_space<semaphore_mem>>) src(%dma_wait3A_85 : memref<64x256xf32, #tpu.memory_space<vmem>>) dst(%dma_wait3A_82 : memref<64x256xf32, #tpu.memory_space<hbm>>)
        tpu.yield
      }) : () -> ()
      %mul3A_39 = arith.constant 2 : i32
      %mul3A_40 = arith.muli %mul3A_39, %mul3A_23 : i32
      %add3A_41 = arith.constant 1 : i32
      %add3A_42 = arith.addi %mul3A_40, %add3A_41 : i32
      "tpu.region"() ({
        %run_scoped3A = tpu.sem_alloc : memref<!tpu.dma_semaphore, #tpu.memory_space<semaphore_mem>>
        %dma_start3A_62 = arith.constant 64 : i32
        %dma_start3A_63 = arith.constant 0 : i32
        %dma_start3A_64 = tpu.memref_slice %arg7[%dma_start3A_62, %dma_start3A_63] : memref<128x256xf32, #tpu.memory_space<vmem>> -> memref<64x256xf32, #tpu.memory_space<vmem>>
        %dma_start3A_65 = arith.constant 0 : i32
        %dma_start3A_66 = tpu.memref_slice %arg4[%add3A_42, %mul3A_2, %dma_start3A_65] : memref<20x2048x256xf32, #tpu.memory_space<hbm>> -> memref<1x64x256xf32, #tpu.memory_space<hbm>>
        %dma_start3A_67 = tpu.memref_squeeze %dma_start3A_66 : memref<1x64x256xf32, #tpu.memory_space<hbm>> -> memref<64x256xf32, #tpu.memory_space<hbm>>
        %dma_start3A_68 = arith.constant 0 : i32
        %dma_start3A_69 = tpu.memref_slice %arg4[%add3A_42, %mul3A_2, %dma_start3A_68] : memref<20x2048x256xf32, #tpu.memory_space<hbm>> -> memref<1x64x256xf32, #tpu.memory_space<hbm>>
        %dma_start3A_70 = tpu.memref_squeeze %dma_start3A_69 : memref<1x64x256xf32, #tpu.memory_space<hbm>> -> memref<64x256xf32, #tpu.memory_space<hbm>>
        %dma_start3A_71 = arith.constant 64 : i32
        %dma_start3A_72 = arith.constant 0 : i32
        %dma_start3A_73 = tpu.memref_slice %arg7[%dma_start3A_71, %dma_start3A_72] : memref<128x256xf32, #tpu.memory_space<vmem>> -> memref<64x256xf32, #tpu.memory_space<vmem>>
        tpu.enqueue_dma source(%dma_start3A_73 : memref<64x256xf32, #tpu.memory_space<vmem>>) target(%dma_start3A_70 : memref<64x256xf32, #tpu.memory_space<hbm>>) target_semaphore(%run_scoped3A : memref<!tpu.dma_semaphore, #tpu.memory_space<semaphore_mem>>)
        %dma_wait3A_74 = arith.constant 64 : i32
        %dma_wait3A_75 = arith.constant 0 : i32
        %dma_wait3A_76 = tpu.memref_slice %arg7[%dma_wait3A_74, %dma_wait3A_75] : memref<128x256xf32, #tpu.memory_space<vmem>> -> memref<64x256xf32, #tpu.memory_space<vmem>>
        %dma_wait3A_77 = arith.constant 0 : i32
        %dma_wait3A_78 = tpu.memref_slice %arg4[%add3A_42, %mul3A_2, %dma_wait3A_77] : memref<20x2048x256xf32, #tpu.memory_space<hbm>> -> memref<1x64x256xf32, #tpu.memory_space<hbm>>
        %dma_wait3A_79 = tpu.memref_squeeze %dma_wait3A_78 : memref<1x64x256xf32, #tpu.memory_space<hbm>> -> memref<64x256xf32, #tpu.memory_space<hbm>>
        %dma_wait3A_80 = arith.constant 0 : i32
        %dma_wait3A_81 = tpu.memref_slice %arg4[%add3A_42, %mul3A_2, %dma_wait3A_80] : memref<20x2048x256xf32, #tpu.memory_space<hbm>> -> memref<1x64x256xf32, #tpu.memory_space<hbm>>
        %dma_wait3A_82 = tpu.memref_squeeze %dma_wait3A_81 : memref<1x64x256xf32, #tpu.memory_space<hbm>> -> memref<64x256xf32, #tpu.memory_space<hbm>>
        %dma_wait3A_83 = arith.constant 64 : i32
        %dma_wait3A_84 = arith.constant 0 : i32
        %dma_wait3A_85 = tpu.memref_slice %arg7[%dma_wait3A_83, %dma_wait3A_84] : memref<128x256xf32, #tpu.memory_space<vmem>> -> memref<64x256xf32, #tpu.memory_space<vmem>>
        tpu.wait_dma2 semaphore(%run_scoped3A : memref<!tpu.dma_semaphore, #tpu.memory_space<semaphore_mem>>) src(%dma_wait3A_85 : memref<64x256xf32, #tpu.memory_space<vmem>>) dst(%dma_wait3A_82 : memref<64x256xf32, #tpu.memory_space<hbm>>)
        tpu.yield
      }) : () -> ()
      %dma_wait3A_43 = arith.constant 0 : i32
      %dma_wait3A_44 = arith.constant 0 : i32
      %dma_wait3A_45 = tpu.memref_slice %arg3[%dma_wait3A_43, %dma_wait3A_44] : memref<4096x256xf32, #tpu.memory_space<hbm>> -> memref<128x256xf32, #tpu.memory_space<hbm>>
      %dma_wait3A_46 = arith.constant 0 : i32
      %dma_wait3A_47 = arith.constant 0 : i32
      %dma_wait3A_48 = tpu.memref_slice %arg3[%dma_wait3A_46, %dma_wait3A_47] : memref<4096x256xf32, #tpu.memory_space<hbm>> -> memref<128x256xf32, #tpu.memory_space<hbm>>
      tpu.wait_dma2 semaphore(%arg10 : memref<!tpu.dma_semaphore, #tpu.memory_space<semaphore_mem>>) src(%dma_wait3A_48 : memref<128x256xf32, #tpu.memory_space<hbm>>) dst(%arg8 : memref<128x256xf32, #tpu.memory_space<vmem>>)
      %add3A_49 = arith.constant 2 : i32
      %add3A_50 = arith.addi %mul3A_23, %add3A_49 : i32
      %lt3A = arith.constant 10 : i32
      %lt3A_51 = arith.cmpi slt, %add3A_50, %lt3A : i32
      %convert_element_type3A = arith.extui %lt3A_51 : i1 to i32
      %cond3A = arith.constant 0 : i32
      %cond3A_52 = arith.cmpi ne, %convert_element_type3A, %cond3A : i32
      scf.if %cond3A_52 {
        %add3A_62 = arith.constant 2 : i32
        %add3A_63 = arith.addi %mul3A_23, %add3A_62 : i32
        %mul3A_64 = arith.constant 128 : i32
        %mul3A_65 = arith.muli %add3A_63, %mul3A_64 : i32
        %dma_start3A_66 = tpu.memref_slice %arg6[%mul3A_65] : memref<1296xi32, #tpu.memory_space<vmem>> -> memref<128xi32, #tpu.memory_space<vmem>>
        %dma_start3A_67 = arith.constant 0 : i32
        %dma_start3A_68 = arith.constant 0 : i32
        %dma_start3A_69 = tpu.memref_slice %arg3[%dma_start3A_67, %dma_start3A_68] : memref<4096x256xf32, #tpu.memory_space<hbm>> -> memref<4096x256xf32, #tpu.memory_space<hbm>>
        tpu.enqueue_indirect_dma source(%dma_start3A_69 : memref<4096x256xf32, #tpu.memory_space<hbm>>) target(%arg7 : memref<128x256xf32, #tpu.memory_space<vmem>>) offsets(%dma_start3A_66 : memref<128xi32, #tpu.memory_space<vmem>>) semaphore(%arg9 : memref<!tpu.dma_semaphore, #tpu.memory_space<semaphore_mem>>)
      } else {
      }
      %add3A_53 = arith.constant 1 : i32
      %add3A_54 = arith.addi %mul3A_23, %add3A_53 : i32
      %mul3A_55 = arith.constant 2 : i32
      %mul3A_56 = arith.muli %mul3A_55, %add3A_54 : i32
      "tpu.region"() ({
        %run_scoped3A = tpu.sem_alloc : memref<!tpu.dma_semaphore, #tpu.memory_space<semaphore_mem>>
        %dma_start3A_62 = arith.constant 0 : i32
        %dma_start3A_63 = arith.constant 0 : i32
        %dma_start3A_64 = tpu.memref_slice %arg8[%dma_start3A_62, %dma_start3A_63] : memref<128x256xf32, #tpu.memory_space<vmem>> -> memref<64x256xf32, #tpu.memory_space<vmem>>
        %dma_start3A_65 = arith.constant 0 : i32
        %dma_start3A_66 = tpu.memref_slice %arg4[%mul3A_56, %mul3A_2, %dma_start3A_65] : memref<20x2048x256xf32, #tpu.memory_space<hbm>> -> memref<1x64x256xf32, #tpu.memory_space<hbm>>
        %dma_start3A_67 = tpu.memref_squeeze %dma_start3A_66 : memref<1x64x256xf32, #tpu.memory_space<hbm>> -> memref<64x256xf32, #tpu.memory_space<hbm>>
        %dma_start3A_68 = arith.constant 0 : i32
        %dma_start3A_69 = tpu.memref_slice %arg4[%mul3A_56, %mul3A_2, %dma_start3A_68] : memref<20x2048x256xf32, #tpu.memory_space<hbm>> -> memref<1x64x256xf32, #tpu.memory_space<hbm>>
        %dma_start3A_70 = tpu.memref_squeeze %dma_start3A_69 : memref<1x64x256xf32, #tpu.memory_space<hbm>> -> memref<64x256xf32, #tpu.memory_space<hbm>>
        %dma_start3A_71 = arith.constant 0 : i32
        %dma_start3A_72 = arith.constant 0 : i32
        %dma_start3A_73 = tpu.memref_slice %arg8[%dma_start3A_71, %dma_start3A_72] : memref<128x256xf32, #tpu.memory_space<vmem>> -> memref<64x256xf32, #tpu.memory_space<vmem>>
        tpu.enqueue_dma source(%dma_start3A_73 : memref<64x256xf32, #tpu.memory_space<vmem>>) target(%dma_start3A_70 : memref<64x256xf32, #tpu.memory_space<hbm>>) target_semaphore(%run_scoped3A : memref<!tpu.dma_semaphore, #tpu.memory_space<semaphore_mem>>)
        %dma_wait3A_74 = arith.constant 0 : i32
        %dma_wait3A_75 = arith.constant 0 : i32
        %dma_wait3A_76 = tpu.memref_slice %arg8[%dma_wait3A_74, %dma_wait3A_75] : memref<128x256xf32, #tpu.memory_space<vmem>> -> memref<64x256xf32, #tpu.memory_space<vmem>>
        %dma_wait3A_77 = arith.constant 0 : i32
        %dma_wait3A_78 = tpu.memref_slice %arg4[%mul3A_56, %mul3A_2, %dma_wait3A_77] : memref<20x2048x256xf32, #tpu.memory_space<hbm>> -> memref<1x64x256xf32, #tpu.memory_space<hbm>>
        %dma_wait3A_79 = tpu.memref_squeeze %dma_wait3A_78 : memref<1x64x256xf32, #tpu.memory_space<hbm>> -> memref<64x256xf32, #tpu.memory_space<hbm>>
        %dma_wait3A_80 = arith.constant 0 : i32
        %dma_wait3A_81 = tpu.memref_slice %arg4[%mul3A_56, %mul3A_2, %dma_wait3A_80] : memref<20x2048x256xf32, #tpu.memory_space<hbm>> -> memref<1x64x256xf32, #tpu.memory_space<hbm>>
        %dma_wait3A_82 = tpu.memref_squeeze %dma_wait3A_81 : memref<1x64x256xf32, #tpu.memory_space<hbm>> -> memref<64x256xf32, #tpu.memory_space<hbm>>
        %dma_wait3A_83 = arith.constant 0 : i32
        %dma_wait3A_84 = arith.constant 0 : i32
        %dma_wait3A_85 = tpu.memref_slice %arg8[%dma_wait3A_83, %dma_wait3A_84] : memref<128x256xf32, #tpu.memory_space<vmem>> -> memref<64x256xf32, #tpu.memory_space<vmem>>
        tpu.wait_dma2 semaphore(%run_scoped3A : memref<!tpu.dma_semaphore, #tpu.memory_space<semaphore_mem>>) src(%dma_wait3A_85 : memref<64x256xf32, #tpu.memory_space<vmem>>) dst(%dma_wait3A_82 : memref<64x256xf32, #tpu.memory_space<hbm>>)
        tpu.yield
      }) : () -> ()
      %mul3A_57 = arith.constant 2 : i32
      %mul3A_58 = arith.muli %mul3A_57, %add3A_54 : i32
      %add3A_59 = arith.constant 1 : i32
      %add3A_60 = arith.addi %mul3A_58, %add3A_59 : i32
      "tpu.region"() ({
        %run_scoped3A = tpu.sem_alloc : memref<!tpu.dma_semaphore, #tpu.memory_space<semaphore_mem>>
        %dma_start3A_62 = arith.constant 64 : i32
        %dma_start3A_63 = arith.constant 0 : i32
        %dma_start3A_64 = tpu.memref_slice %arg8[%dma_start3A_62, %dma_start3A_63] : memref<128x256xf32, #tpu.memory_space<vmem>> -> memref<64x256xf32, #tpu.memory_space<vmem>>
        %dma_start3A_65 = arith.constant 0 : i32
        %dma_start3A_66 = tpu.memref_slice %arg4[%add3A_60, %mul3A_2, %dma_start3A_65] : memref<20x2048x256xf32, #tpu.memory_space<hbm>> -> memref<1x64x256xf32, #tpu.memory_space<hbm>>
        %dma_start3A_67 = tpu.memref_squeeze %dma_start3A_66 : memref<1x64x256xf32, #tpu.memory_space<hbm>> -> memref<64x256xf32, #tpu.memory_space<hbm>>
        %dma_start3A_68 = arith.constant 0 : i32
        %dma_start3A_69 = tpu.memref_slice %arg4[%add3A_60, %mul3A_2, %dma_start3A_68] : memref<20x2048x256xf32, #tpu.memory_space<hbm>> -> memref<1x64x256xf32, #tpu.memory_space<hbm>>
        %dma_start3A_70 = tpu.memref_squeeze %dma_start3A_69 : memref<1x64x256xf32, #tpu.memory_space<hbm>> -> memref<64x256xf32, #tpu.memory_space<hbm>>
        %dma_start3A_71 = arith.constant 64 : i32
        %dma_start3A_72 = arith.constant 0 : i32
        %dma_start3A_73 = tpu.memref_slice %arg8[%dma_start3A_71, %dma_start3A_72] : memref<128x256xf32, #tpu.memory_space<vmem>> -> memref<64x256xf32, #tpu.memory_space<vmem>>
        tpu.enqueue_dma source(%dma_start3A_73 : memref<64x256xf32, #tpu.memory_space<vmem>>) target(%dma_start3A_70 : memref<64x256xf32, #tpu.memory_space<hbm>>) target_semaphore(%run_scoped3A : memref<!tpu.dma_semaphore, #tpu.memory_space<semaphore_mem>>)
        %dma_wait3A_74 = arith.constant 64 : i32
        %dma_wait3A_75 = arith.constant 0 : i32
        %dma_wait3A_76 = tpu.memref_slice %arg8[%dma_wait3A_74, %dma_wait3A_75] : memref<128x256xf32, #tpu.memory_space<vmem>> -> memref<64x256xf32, #tpu.memory_space<vmem>>
        %dma_wait3A_77 = arith.constant 0 : i32
        %dma_wait3A_78 = tpu.memref_slice %arg4[%add3A_60, %mul3A_2, %dma_wait3A_77] : memref<20x2048x256xf32, #tpu.memory_space<hbm>> -> memref<1x64x256xf32, #tpu.memory_space<hbm>>
        %dma_wait3A_79 = tpu.memref_squeeze %dma_wait3A_78 : memref<1x64x256xf32, #tpu.memory_space<hbm>> -> memref<64x256xf32, #tpu.memory_space<hbm>>
        %dma_wait3A_80 = arith.constant 0 : i32
        %dma_wait3A_81 = tpu.memref_slice %arg4[%add3A_60, %mul3A_2, %dma_wait3A_80] : memref<20x2048x256xf32, #tpu.memory_space<hbm>> -> memref<1x64x256xf32, #tpu.memory_space<hbm>>
        %dma_wait3A_82 = tpu.memref_squeeze %dma_wait3A_81 : memref<1x64x256xf32, #tpu.memory_space<hbm>> -> memref<64x256xf32, #tpu.memory_space<hbm>>
        %dma_wait3A_83 = arith.constant 64 : i32
        %dma_wait3A_84 = arith.constant 0 : i32
        %dma_wait3A_85 = tpu.memref_slice %arg8[%dma_wait3A_83, %dma_wait3A_84] : memref<128x256xf32, #tpu.memory_space<vmem>> -> memref<64x256xf32, #tpu.memory_space<vmem>>
        tpu.wait_dma2 semaphore(%run_scoped3A : memref<!tpu.dma_semaphore, #tpu.memory_space<semaphore_mem>>) src(%dma_wait3A_85 : memref<64x256xf32, #tpu.memory_space<vmem>>) dst(%dma_wait3A_82 : memref<64x256xf32, #tpu.memory_space<hbm>>)
        tpu.yield
      }) : () -> ()
      %scan3A_61 = arith.constant 0 : i32
      scf.yield %scan3A_61 : i32
    }
    %scan3A_19 = arith.constant 5 : i32
    return
  }
}

module attributes {stable_mosaic.version = 14 : i64} {
  func.func @_tc0_body(%arg0: memref<4096x128xf32, #tpu.memory_space<vmem>>, %arg1: memref<128x448xf32, #tpu.memory_space<vmem>>, %arg2: memref<4096x448xf32, #tpu.memory_space<vmem>>) attributes {dimension_semantics = [], scalar_prefetch = 0 : i64, scratch_operands = 0 : i64, tpu.core_type = #tpu.core_type<tc>} {
    %get3A = arith.constant 0 : index
    %get3A_0 = arith.constant 0 : index
    %get3A_1 = vector.load %arg0[%get3A, %get3A_0] : memref<4096x128xf32, #tpu.memory_space<vmem>>, vector<4096x128xf32>
    %get3A_2 = arith.constant 0 : index
    %get3A_3 = arith.constant 0 : index
    %get3A_4 = vector.load %arg1[%get3A_2, %get3A_3] : memref<128x448xf32, #tpu.memory_space<vmem>>, vector<128x448xf32>
    %dot_general3A = arith.constant dense<0.000000e+00> : vector<4096x448xf32>
    %dot_general3A_5 = tpu.matmul %get3A_1, %get3A_4, %dot_general3A {dimension_numbers = #tpu.dot_dimension_numbers<[1], [0], [0], [1], [0, 0, 1, 1], [], []>, transpose_lhs_hint = false} : vector<4096x128xf32>, vector<128x448xf32>, vector<4096x448xf32> -> vector<4096x448xf32>
    %swap3A = arith.constant 0 : index
    %swap3A_6 = arith.constant 0 : index
    %swap3A_7 = vector.load %arg2[%swap3A, %swap3A_6] : memref<4096x448xf32, #tpu.memory_space<vmem>>, vector<4096x448xf32>
    tpu.vector_store %arg2[%swap3A, %swap3A_6], %dot_general3A_5 {strides = array<i32>} : memref<4096x448xf32, #tpu.memory_space<vmem>>, vector<4096x448xf32>,
    return
  }
}

module attributes {stable_mosaic.version = 14 : i64} {
  func.func @_tc1_body(%arg0: i32, %arg1: memref<256x128xf32, #tpu.memory_space<vmem>>, %arg2: memref<256x192xf32, #tpu.memory_space<vmem>>, %arg3: memref<20x256x16xf32, #tpu.memory_space<vmem>>, %arg4: memref<20x256x256xf32, #tpu.memory_space<vmem>>, %arg5: memref<16x64xbf16, #tpu.memory_space<vmem>>, %arg6: memref<1x64xf32, #tpu.memory_space<vmem>>, %arg7: memref<1x64xf32, #tpu.memory_space<vmem>>, %arg8: memref<1x64xf32, #tpu.memory_space<vmem>>, %arg9: memref<64x64xbf16, #tpu.memory_space<vmem>>, %arg10: memref<1x64xf32, #tpu.memory_space<vmem>>, %arg11: memref<1x64xf32, #tpu.memory_space<vmem>>, %arg12: memref<1x64xf32, #tpu.memory_space<vmem>>, %arg13: memref<64x64xbf16, #tpu.memory_space<vmem>>, %arg14: memref<1x64xf32, #tpu.memory_space<vmem>>, %arg15: memref<1x64xf32, #tpu.memory_space<vmem>>, %arg16: memref<1x64xf32, #tpu.memory_space<vmem>>, %arg17: memref<64x16xbf16, #tpu.memory_space<vmem>>, %arg18: memref<1x16xf32, #tpu.memory_space<vmem>>, %arg19: memref<1x16xf32, #tpu.memory_space<vmem>>, %arg20: memref<1x16xf32, #tpu.memory_space<vmem>>, %arg21: memref<16x16xbf16, #tpu.memory_space<vmem>>, %arg22: memref<1x16xf32, #tpu.memory_space<vmem>>, %arg23: memref<1x64xf32, #tpu.memory_space<vmem>>, %arg24: memref<1x64xf32, #tpu.memory_space<vmem>>, %arg25: memref<64x16xbf16, #tpu.memory_space<vmem>>, %arg26: memref<1x16xf32, #tpu.memory_space<vmem>>, %arg27: memref<1x16xf32, #tpu.memory_space<vmem>>, %arg28: memref<1x16xf32, #tpu.memory_space<vmem>>, %arg29: memref<32x128xbf16, #tpu.memory_space<vmem>>, %arg30: memref<1x128xf32, #tpu.memory_space<vmem>>, %arg31: memref<1x128xf32, #tpu.memory_space<vmem>>, %arg32: memref<1x128xf32, #tpu.memory_space<vmem>>, %arg33: memref<128x128xbf16, #tpu.memory_space<vmem>>, %arg34: memref<1x128xf32, #tpu.memory_space<vmem>>, %arg35: memref<1x128xf32, #tpu.memory_space<vmem>>, %arg36: memref<1x128xf32, #tpu.memory_space<vmem>>, %arg37: memref<128x128xbf16, #tpu.memory_space<vmem>>, %arg38: memref<1x128xf32, #tpu.memory_space<vmem>>, %arg39: memref<1x128xf32, #tpu.memory_space<vmem>>, %arg40: memref<1x128xf32, #tpu.memory_space<vmem>>, %arg41: memref<128x128xbf16, #tpu.memory_space<vmem>>, %arg42: memref<1x128xf32, #tpu.memory_space<vmem>>, %arg43: memref<1x128xf32, #tpu.memory_space<vmem>>, %arg44: memref<1x128xf32, #tpu.memory_space<vmem>>, %arg45: memref<128x128xbf16, #tpu.memory_space<vmem>>, %arg46: memref<1x128xf32, #tpu.memory_space<vmem>>, %arg47: memref<1x128xf32, #tpu.memory_space<vmem>>, %arg48: memref<1x128xf32, #tpu.memory_space<vmem>>, %arg49: memref<1x128xf32, #tpu.memory_space<vmem>>, %arg50: memref<1x128xf32, #tpu.memory_space<vmem>>, %arg51: memref<128x128xbf16, #tpu.memory_space<vmem>>, %arg52: memref<1x128xf32, #tpu.memory_space<vmem>>, %arg53: memref<1x128xf32, #tpu.memory_space<vmem>>, %arg54: memref<1x128xf32, #tpu.memory_space<vmem>>, %arg55: memref<128x128xbf16, #tpu.memory_space<vmem>>, %arg56: memref<1x128xf32, #tpu.memory_space<vmem>>, %arg57: memref<1x128xf32, #tpu.memory_space<vmem>>, %arg58: memref<1x128xf32, #tpu.memory_space<vmem>>, %arg59: memref<128x128xbf16, #tpu.memory_space<vmem>>, %arg60: memref<1x128xf32, #tpu.memory_space<vmem>>, %arg61: memref<1x128xf32, #tpu.memory_space<vmem>>, %arg62: memref<1x128xf32, #tpu.memory_space<vmem>>, %arg63: memref<128x128xbf16, #tpu.memory_space<vmem>>, %arg64: memref<1x128xf32, #tpu.memory_space<vmem>>, %arg65: memref<1x128xf32, #tpu.memory_space<vmem>>, %arg66: memref<1x128xf32, #tpu.memory_space<vmem>>, %arg67: memref<256x256xf32, #tpu.memory_space<vmem>>, %arg68: memref<20x256x32xf32, #tpu.memory_space<vmem>>) attributes {dimension_semantics = [#tpu.dimension_semantics<arbitrary>], iteration_bounds = array<i64: 8>, scalar_prefetch = 0 : i64, scratch_operands = 0 : i64, tpu.core_type = #tpu.core_type<tc>, window_params = [{transform_indices = @transform_0, window_bounds = array<i64: 256, 128>}, {transform_indices = @transform_1, window_bounds = array<i64: 256, 192>}, {transform_indices = @transform_2, window_bounds = array<i64: 20, 256, 16>}, {transform_indices = @transform_3, window_bounds = array<i64: 20, 256, 256>}, {pipeline_mode = #tpu.pipeline_mode<synchronous>, transform_indices = @transform_4, window_bounds = array<i64: 16, 64>}, {pipeline_mode = #tpu.pipeline_mode<synchronous>, transform_indices = @transform_5, window_bounds = array<i64: 1, 64>}, {pipeline_mode = #tpu.pipeline_mode<synchronous>, transform_indices = @transform_6, window_bounds = array<i64: 1, 64>}, {pipeline_mode = #tpu.pipeline_mode<synchronous>, transform_indices = @transform_7, window_bounds = array<i64: 1, 64>}, {pipeline_mode = #tpu.pipeline_mode<synchronous>, transform_indices = @transform_8, window_bounds = array<i64: 64, 64>}, {pipeline_mode = #tpu.pipeline_mode<synchronous>, transform_indices = @transform_9, window_bounds = array<i64: 1, 64>}, {pipeline_mode = #tpu.pipeline_mode<synchronous>, transform_indices = @transform_10, window_bounds = array<i64: 1, 64>}, {pipeline_mode = #tpu.pipeline_mode<synchronous>, transform_indices = @transform_11, window_bounds = array<i64: 1, 64>}, {pipeline_mode = #tpu.pipeline_mode<synchronous>, transform_indices = @transform_12, window_bounds = array<i64: 64, 64>}, {pipeline_mode = #tpu.pipeline_mode<synchronous>, transform_indices = @transform_13, window_bounds = array<i64: 1, 64>}, {pipeline_mode = #tpu.pipeline_mode<synchronous>, transform_indices = @transform_14, window_bounds = array<i64: 1, 64>}, {pipeline_mode = #tpu.pipeline_mode<synchronous>, transform_indices = @transform_15, window_bounds = array<i64: 1, 64>}, {pipeline_mode = #tpu.pipeline_mode<synchronous>, transform_indices = @transform_16, window_bounds = array<i64: 64, 16>}, {pipeline_mode = #tpu.pipeline_mode<synchronous>, transform_indices = @transform_17, window_bounds = array<i64: 1, 16>}, {pipeline_mode = #tpu.pipeline_mode<synchronous>, transform_indices = @transform_18, window_bounds = array<i64: 1, 16>}, {pipeline_mode = #tpu.pipeline_mode<synchronous>, transform_indices = @transform_19, window_bounds = array<i64: 1, 16>}, {pipeline_mode = #tpu.pipeline_mode<synchronous>, transform_indices = @transform_20, window_bounds = array<i64: 16, 16>}, {pipeline_mode = #tpu.pipeline_mode<synchronous>, transform_indices = @transform_21, window_bounds = array<i64: 1, 16>}, {pipeline_mode = #tpu.pipeline_mode<synchronous>, transform_indices = @transform_22, window_bounds = array<i64: 1, 64>}, {pipeline_mode = #tpu.pipeline_mode<synchronous>, transform_indices = @transform_23, window_bounds = array<i64: 1, 64>}, {pipeline_mode = #tpu.pipeline_mode<synchronous>, transform_indices = @transform_24, window_bounds = array<i64: 64, 16>}, {pipeline_mode = #tpu.pipeline_mode<synchronous>, transform_indices = @transform_25, window_bounds = array<i64: 1, 16>}, {pipeline_mode = #tpu.pipeline_mode<synchronous>, transform_indices = @transform_26, window_bounds = array<i64: 1, 16>}, {pipeline_mode = #tpu.pipeline_mode<synchronous>, transform_indices = @transform_27, window_bounds = array<i64: 1, 16>}, {pipeline_mode = #tpu.pipeline_mode<synchronous>, transform_indices = @transform_28, window_bounds = array<i64: 32, 128>}, {pipeline_mode = #tpu.pipeline_mode<synchronous>, transform_indices = @transform_29, window_bounds = array<i64: 1, 128>}, {pipeline_mode = #tpu.pipeline_mode<synchronous>, transform_indices = @transform_30, window_bounds = array<i64: 1, 128>}, {pipeline_mode = #tpu.pipeline_mode<synchronous>, transform_indices = @transform_31, window_bounds = array<i64: 1, 128>}, {pipeline_mode = #tpu.pipeline_mode<synchronous>, transform_indices = @transform_32, window_bounds = array<i64: 128, 128>}, {pipeline_mode = #tpu.pipeline_mode<synchronous>, transform_indices = @transform_33, window_bounds = array<i64: 1, 128>}, {pipeline_mode = #tpu.pipeline_mode<synchronous>, transform_indices = @transform_34, window_bounds = array<i64: 1, 128>}, {pipeline_mode = #tpu.pipeline_mode<synchronous>, transform_indices = @transform_35, window_bounds = array<i64: 1, 128>}, {pipeline_mode = #tpu.pipeline_mode<synchronous>, transform_indices = @transform_36, window_bounds = array<i64: 128, 128>}, {pipeline_mode = #tpu.pipeline_mode<synchronous>, transform_indices = @transform_37, window_bounds = array<i64: 1, 128>}, {pipeline_mode = #tpu.pipeline_mode<synchronous>, transform_indices = @transform_38, window_bounds = array<i64: 1, 128>}, {pipeline_mode = #tpu.pipeline_mode<synchronous>, transform_indices = @transform_39, window_bounds = array<i64: 1, 128>}, {pipeline_mode = #tpu.pipeline_mode<synchronous>, transform_indices = @transform_40, window_bounds = array<i64: 128, 128>}, {pipeline_mode = #tpu.pipeline_mode<synchronous>, transform_indices = @transform_41, window_bounds = array<i64: 1, 128>}, {pipeline_mode = #tpu.pipeline_mode<synchronous>, transform_indices = @transform_42, window_bounds = array<i64: 1, 128>}, {pipeline_mode = #tpu.pipeline_mode<synchronous>, transform_indices = @transform_43, window_bounds = array<i64: 1, 128>}, {pipeline_mode = #tpu.pipeline_mode<synchronous>, transform_indices = @transform_44, window_bounds = array<i64: 128, 128>}, {pipeline_mode = #tpu.pipeline_mode<synchronous>, transform_indices = @transform_45, window_bounds = array<i64: 1, 128>}, {pipeline_mode = #tpu.pipeline_mode<synchronous>, transform_indices = @transform_46, window_bounds = array<i64: 1, 128>}, {pipeline_mode = #tpu.pipeline_mode<synchronous>, transform_indices = @transform_47, window_bounds = array<i64: 1, 128>}, {pipeline_mode = #tpu.pipeline_mode<synchronous>, transform_indices = @transform_48, window_bounds = array<i64: 1, 128>}, {pipeline_mode = #tpu.pipeline_mode<synchronous>, transform_indices = @transform_49, window_bounds = array<i64: 1, 128>}, {pipeline_mode = #tpu.pipeline_mode<synchronous>, transform_indices = @transform_50, window_bounds = array<i64: 128, 128>}, {pipeline_mode = #tpu.pipeline_mode<synchronous>, transform_indices = @transform_51, window_bounds = array<i64: 1, 128>}, {pipeline_mode = #tpu.pipeline_mode<synchronous>, transform_indices = @transform_52, window_bounds = array<i64: 1, 128>}, {pipeline_mode = #tpu.pipeline_mode<synchronous>, transform_indices = @transform_53, window_bounds = array<i64: 1, 128>}, {pipeline_mode = #tpu.pipeline_mode<synchronous>, transform_indices = @transform_54, window_bounds = array<i64: 128, 128>}, {pipeline_mode = #tpu.pipeline_mode<synchronous>, transform_indices = @transform_55, window_bounds = array<i64: 1, 128>}, {pipeline_mode = #tpu.pipeline_mode<synchronous>, transform_indices = @transform_56, window_bounds = array<i64: 1, 128>}, {pipeline_mode = #tpu.pipeline_mode<synchronous>, transform_indices = @transform_57, window_bounds = array<i64: 1, 128>}, {pipeline_mode = #tpu.pipeline_mode<synchronous>, transform_indices = @transform_58, window_bounds = array<i64: 128, 128>}, {pipeline_mode = #tpu.pipeline_mode<synchronous>, transform_indices = @transform_59, window_bounds = array<i64: 1, 128>}, {pipeline_mode = #tpu.pipeline_mode<synchronous>, transform_indices = @transform_60, window_bounds = array<i64: 1, 128>}, {pipeline_mode = #tpu.pipeline_mode<synchronous>, transform_indices = @transform_61, window_bounds = array<i64: 1, 128>}, {pipeline_mode = #tpu.pipeline_mode<synchronous>, transform_indices = @transform_62, window_bounds = array<i64: 128, 128>}, {pipeline_mode = #tpu.pipeline_mode<synchronous>, transform_indices = @transform_63, window_bounds = array<i64: 1, 128>}, {pipeline_mode = #tpu.pipeline_mode<synchronous>, transform_indices = @transform_64, window_bounds = array<i64: 1, 128>}, {pipeline_mode = #tpu.pipeline_mode<synchronous>, transform_indices = @transform_65, window_bounds = array<i64: 1, 128>}, {transform_indices = @transform_66, window_bounds = array<i64: 256, 256>}, {transform_indices = @transform_67, window_bounds = array<i64: 20, 256, 32>}]} {
    %get3A = arith.constant 0 : index
    %get3A_0 = arith.constant 0 : index
    %get3A_1 = arith.constant 0 : index
    %get3A_2 = vector.load %arg3[%get3A, %get3A_0, %get3A_1] : memref<20x256x16xf32, #tpu.memory_space<vmem>>, vector<20x256x16xf32>
    %reshape3A = vector.shape_cast %get3A_2 : vector<20x256x16xf32> to vector<5120x16xf32>
    %get3A_3 = arith.constant 0 : index
    %get3A_4 = arith.constant 0 : index
    %get3A_5 = arith.constant 0 : index
    %get3A_6 = vector.load %arg4[%get3A_3, %get3A_4, %get3A_5] : memref<20x256x256xf32, #tpu.memory_space<vmem>>, vector<20x256x256xf32>
    %reshape3A_7 = vector.shape_cast %get3A_6 : vector<20x256x256xf32> to vector<5120x256xf32>
    %slice3A = vector.extract_strided_slice %reshape3A_7 {offsets = [0, 0], sizes = [5120, 128], strides = [1, 1]} : vector<5120x256xf32> to vector<5120x128xf32>
    %slice3A_8 = vector.extract_strided_slice %reshape3A_7 {offsets = [0, 128], sizes = [5120, 64], strides = [1, 1]} : vector<5120x256xf32> to vector<5120x64xf32>
    %get3A_9 = arith.constant 0 : index
    %get3A_10 = arith.constant 0 : index
    %get3A_11 = vector.load %arg2[%get3A_9, %get3A_10] : memref<256x192xf32, #tpu.memory_space<vmem>>, vector<256x192xf32>
    %broadcast_in_dim3A = vector.shape_cast %get3A_11 : vector<256x192xf32> to vector<1x256x192xf32>
    %broadcast_in_dim3A_12 = vector.shape_cast %broadcast_in_dim3A : vector<1x256x192xf32> to vector<1x256x192xf32>
    %broadcast_in_dim3A_13 = vector.broadcast %broadcast_in_dim3A_12 : vector<1x256x192xf32> to vector<20x256x192xf32>
    %reshape3A_14 = vector.shape_cast %broadcast_in_dim3A_13 : vector<20x256x192xf32> to vector<5120x192xf32>
    %slice3A_15 = vector.extract_strided_slice %reshape3A_14 {offsets = [0, 0], sizes = [5120, 128], strides = [1, 1]} : vector<5120x192xf32> to vector<5120x128xf32>
    %slice3A_16 = vector.extract_strided_slice %reshape3A_14 {offsets = [0, 128], sizes = [5120, 64], strides = [1, 1]} : vector<5120x192xf32> to vector<5120x64xf32>
    %get3A_17 = arith.constant 0 : index
    %get3A_18 = arith.constant 0 : index
    %get3A_19 = vector.load %arg5[%get3A_17, %get3A_18] : memref<16x64xbf16, #tpu.memory_space<vmem>>, vector<16x64xbf16>
    %convert_element_type3A = arith.truncf %reshape3A : vector<5120x16xf32> to vector<5120x16xbf16>
    %dot_general3A = arith.constant dense<0.000000e+00> : vector<5120x64xf32>
    %dot_general3A_20 = tpu.matmul %convert_element_type3A, %get3A_19, %dot_general3A {dimension_numbers = #tpu.dot_dimension_numbers<[1], [0], [0], [1], [0, 0, 1, 1], [], []>, transpose_lhs_hint = false} : vector<5120x16xbf16>, vector<16x64xbf16>, vector<5120x64xf32> -> vector<5120x64xf32>
    %add3A = arith.addf %slice3A_16, %dot_general3A_20 : vector<5120x64xf32>
    %add3A_21 = arith.addf %add3A, %slice3A_8 : vector<5120x64xf32>
    %get3A_22 = arith.constant 0 : index
    %get3A_23 = arith.constant 0 : index
    %get3A_24 = vector.load %arg6[%get3A_22, %get3A_23] : memref<1x64xf32, #tpu.memory_space<vmem>>, vector<1x64xf32>
    %add3A_25 = vector.broadcast %get3A_24 : vector<1x64xf32> to vector<5120x64xf32>
    %add3A_26 = arith.addf %add3A_21, %add3A_25 : vector<5120x64xf32>
    %get3A_27 = arith.constant 0 : index
    %get3A_28 = arith.constant 0 : index
    %get3A_29 = vector.load %arg7[%get3A_27, %get3A_28] : memref<1x64xf32, #tpu.memory_space<vmem>>, vector<1x64xf32>
    %mul3A = vector.broadcast %get3A_29 : vector<1x64xf32> to vector<5120x64xf32>
    %mul3A_30 = arith.mulf %add3A_26, %mul3A : vector<5120x64xf32>
    %get3A_31 = arith.constant 0 : index
    %get3A_32 = arith.constant 0 : index
    %get3A_33 = vector.load %arg8[%get3A_31, %get3A_32] : memref<1x64xf32, #tpu.memory_space<vmem>>, vector<1x64xf32>
    %add3A_34 = vector.broadcast %get3A_33 : vector<1x64xf32> to vector<5120x64xf32>
    %add3A_35 = arith.addf %mul3A_30, %add3A_34 : vector<5120x64xf32>
    %max3A = arith.constant 0.000000e+00 : f32
    %max3A_36 = vector.broadcast %max3A : f32 to vector<5120x64xf32>
    %max3A_37 = arith.maximumf %add3A_35, %max3A_36 : vector<5120x64xf32>
    %get3A_38 = arith.constant 0 : index
    %get3A_39 = arith.constant 0 : index
    %get3A_40 = vector.load %arg9[%get3A_38, %get3A_39] : memref<64x64xbf16, #tpu.memory_space<vmem>>, vector<64x64xbf16>
    %convert_element_type3A_41 = arith.truncf %max3A_37 : vector<5120x64xf32> to vector<5120x64xbf16>
    %dot_general3A_42 = arith.constant dense<0.000000e+00> : vector<5120x64xf32>
    %dot_general3A_43 = tpu.matmul %convert_element_type3A_41, %get3A_40, %dot_general3A_42 {dimension_numbers = #tpu.dot_dimension_numbers<[1], [0], [0], [1], [0, 0, 1, 1], [], []>, transpose_lhs_hint = false} : vector<5120x64xbf16>, vector<64x64xbf16>, vector<5120x64xf32> -> vector<5120x64xf32>
    %get3A_44 = arith.constant 0 : index
    %get3A_45 = arith.constant 0 : index
    %get3A_46 = vector.load %arg10[%get3A_44, %get3A_45] : memref<1x64xf32, #tpu.memory_space<vmem>>, vector<1x64xf32>
    %add3A_47 = vector.broadcast %get3A_46 : vector<1x64xf32> to vector<5120x64xf32>
    %add3A_48 = arith.addf %dot_general3A_43, %add3A_47 : vector<5120x64xf32>
    %get3A_49 = arith.constant 0 : index
    %get3A_50 = arith.constant 0 : index
    %get3A_51 = vector.load %arg11[%get3A_49, %get3A_50] : memref<1x64xf32, #tpu.memory_space<vmem>>, vector<1x64xf32>
    %mul3A_52 = vector.broadcast %get3A_51 : vector<1x64xf32> to vector<5120x64xf32>
    %mul3A_53 = arith.mulf %add3A_48, %mul3A_52 : vector<5120x64xf32>
    %get3A_54 = arith.constant 0 : index
    %get3A_55 = arith.constant 0 : index
    %get3A_56 = vector.load %arg12[%get3A_54, %get3A_55] : memref<1x64xf32, #tpu.memory_space<vmem>>, vector<1x64xf32>
    %add3A_57 = vector.broadcast %get3A_56 : vector<1x64xf32> to vector<5120x64xf32>
    %add3A_58 = arith.addf %mul3A_53, %add3A_57 : vector<5120x64xf32>
    %max3A_59 = arith.constant 0.000000e+00 : f32
    %max3A_60 = vector.broadcast %max3A_59 : f32 to vector<5120x64xf32>
    %max3A_61 = arith.maximumf %add3A_58, %max3A_60 : vector<5120x64xf32>
    %get3A_62 = arith.constant 0 : index
    %get3A_63 = arith.constant 0 : index
    %get3A_64 = vector.load %arg13[%get3A_62, %get3A_63] : memref<64x64xbf16, #tpu.memory_space<vmem>>, vector<64x64xbf16>
    %convert_element_type3A_65 = arith.truncf %max3A_61 : vector<5120x64xf32> to vector<5120x64xbf16>
    %dot_general3A_66 = arith.constant dense<0.000000e+00> : vector<5120x64xf32>
    %dot_general3A_67 = tpu.matmul %convert_element_type3A_65, %get3A_64, %dot_general3A_66 {dimension_numbers = #tpu.dot_dimension_numbers<[1], [0], [0], [1], [0, 0, 1, 1], [], []>, transpose_lhs_hint = false} : vector<5120x64xbf16>, vector<64x64xbf16>, vector<5120x64xf32> -> vector<5120x64xf32>
    %get3A_68 = arith.constant 0 : index
    %get3A_69 = arith.constant 0 : index
    %get3A_70 = vector.load %arg14[%get3A_68, %get3A_69] : memref<1x64xf32, #tpu.memory_space<vmem>>, vector<1x64xf32>
    %add3A_71 = vector.broadcast %get3A_70 : vector<1x64xf32> to vector<5120x64xf32>
    %add3A_72 = arith.addf %dot_general3A_67, %add3A_71 : vector<5120x64xf32>
    %add3A_73 = arith.addf %add3A_72, %add3A_26 : vector<5120x64xf32>
    %get3A_74 = arith.constant 0 : index
    %get3A_75 = arith.constant 0 : index
    %get3A_76 = vector.load %arg15[%get3A_74, %get3A_75] : memref<1x64xf32, #tpu.memory_space<vmem>>, vector<1x64xf32>
    %mul3A_77 = vector.broadcast %get3A_76 : vector<1x64xf32> to vector<5120x64xf32>
    %mul3A_78 = arith.mulf %add3A_73, %mul3A_77 : vector<5120x64xf32>
    %get3A_79 = arith.constant 0 : index
    %get3A_80 = arith.constant 0 : index
    %get3A_81 = vector.load %arg16[%get3A_79, %get3A_80] : memref<1x64xf32, #tpu.memory_space<vmem>>, vector<1x64xf32>
    %add3A_82 = vector.broadcast %get3A_81 : vector<1x64xf32> to vector<5120x64xf32>
    %add3A_83 = arith.addf %mul3A_78, %add3A_82 : vector<5120x64xf32>
    %max3A_84 = arith.constant 0.000000e+00 : f32
    %max3A_85 = vector.broadcast %max3A_84 : f32 to vector<5120x64xf32>
    %max3A_86 = arith.maximumf %add3A_83, %max3A_85 : vector<5120x64xf32>
    %get3A_87 = arith.constant 0 : index
    %get3A_88 = arith.constant 0 : index
    %get3A_89 = vector.load %arg17[%get3A_87, %get3A_88] : memref<64x16xbf16, #tpu.memory_space<vmem>>, vector<64x16xbf16>
    %convert_element_type3A_90 = arith.truncf %max3A_86 : vector<5120x64xf32> to vector<5120x64xbf16>
    %dot_general3A_91 = arith.constant dense<0.000000e+00> : vector<5120x16xf32>
    %dot_general3A_92 = tpu.matmul %convert_element_type3A_90, %get3A_89, %dot_general3A_91 {dimension_numbers = #tpu.dot_dimension_numbers<[1], [0], [0], [1], [0, 0, 1, 1], [], []>, transpose_lhs_hint = false} : vector<5120x64xbf16>, vector<64x16xbf16>, vector<5120x16xf32> -> vector<5120x16xf32>
    %get3A_93 = arith.constant 0 : index
    %get3A_94 = arith.constant 0 : index
    %get3A_95 = vector.load %arg18[%get3A_93, %get3A_94] : memref<1x16xf32, #tpu.memory_space<vmem>>, vector<1x16xf32>
    %add3A_96 = vector.broadcast %get3A_95 : vector<1x16xf32> to vector<5120x16xf32>
    %add3A_97 = arith.addf %dot_general3A_92, %add3A_96 : vector<5120x16xf32>
    %get3A_98 = arith.constant 0 : index
    %get3A_99 = arith.constant 0 : index
    %get3A_100 = vector.load %arg19[%get3A_98, %get3A_99] : memref<1x16xf32, #tpu.memory_space<vmem>>, vector<1x16xf32>
    %mul3A_101 = vector.broadcast %get3A_100 : vector<1x16xf32> to vector<5120x16xf32>
    %mul3A_102 = arith.mulf %add3A_97, %mul3A_101 : vector<5120x16xf32>
    %get3A_103 = arith.constant 0 : index
    %get3A_104 = arith.constant 0 : index
    %get3A_105 = vector.load %arg20[%get3A_103, %get3A_104] : memref<1x16xf32, #tpu.memory_space<vmem>>, vector<1x16xf32>
    %add3A_106 = vector.broadcast %get3A_105 : vector<1x16xf32> to vector<5120x16xf32>
    %add3A_107 = arith.addf %mul3A_102, %add3A_106 : vector<5120x16xf32>
    %max3A_108 = arith.constant 0.000000e+00 : f32
    %max3A_109 = vector.broadcast %max3A_108 : f32 to vector<5120x16xf32>
    %max3A_110 = arith.maximumf %add3A_107, %max3A_109 : vector<5120x16xf32>
    %get3A_111 = arith.constant 0 : index
    %get3A_112 = arith.constant 0 : index
    %get3A_113 = vector.load %arg21[%get3A_111, %get3A_112] : memref<16x16xbf16, #tpu.memory_space<vmem>>, vector<16x16xbf16>
    %convert_element_type3A_114 = arith.truncf %max3A_110 : vector<5120x16xf32> to vector<5120x16xbf16>
    %dot_general3A_115 = arith.constant dense<0.000000e+00> : vector<5120x16xf32>
    %dot_general3A_116 = tpu.matmul %convert_element_type3A_114, %get3A_113, %dot_general3A_115 {dimension_numbers = #tpu.dot_dimension_numbers<[1], [0], [0], [1], [0, 0, 1, 1], [], []>, transpose_lhs_hint = false} : vector<5120x16xbf16>, vector<16x16xbf16>, vector<5120x16xf32> -> vector<5120x16xf32>
    %get3A_117 = arith.constant 0 : index
    %get3A_118 = arith.constant 0 : index
    %get3A_119 = vector.load %arg22[%get3A_117, %get3A_118] : memref<1x16xf32, #tpu.memory_space<vmem>>, vector<1x16xf32>
    %add3A_120 = vector.broadcast %get3A_119 : vector<1x16xf32> to vector<5120x16xf32>
    %add3A_121 = arith.addf %dot_general3A_116, %add3A_120 : vector<5120x16xf32>
    %get3A_122 = arith.constant 0 : index
    %get3A_123 = arith.constant 0 : index
    %get3A_124 = vector.load %arg23[%get3A_122, %get3A_123] : memref<1x64xf32, #tpu.memory_space<vmem>>, vector<1x64xf32>
    %mul3A_125 = vector.broadcast %get3A_124 : vector<1x64xf32> to vector<5120x64xf32>
    %mul3A_126 = arith.mulf %add3A_73, %mul3A_125 : vector<5120x64xf32>
    %get3A_127 = arith.constant 0 : index
    %get3A_128 = arith.constant 0 : index
    %get3A_129 = vector.load %arg24[%get3A_127, %get3A_128] : memref<1x64xf32, #tpu.memory_space<vmem>>, vector<1x64xf32>
    %add3A_130 = vector.broadcast %get3A_129 : vector<1x64xf32> to vector<5120x64xf32>
    %add3A_131 = arith.addf %mul3A_126, %add3A_130 : vector<5120x64xf32>
    %get3A_132 = arith.constant 0 : index
    %get3A_133 = arith.constant 0 : index
    %get3A_134 = vector.load %arg25[%get3A_132, %get3A_133] : memref<64x16xbf16, #tpu.memory_space<vmem>>, vector<64x16xbf16>
    %convert_element_type3A_135 = arith.truncf %add3A_131 : vector<5120x64xf32> to vector<5120x64xbf16>
    %dot_general3A_136 = arith.constant dense<0.000000e+00> : vector<5120x16xf32>
    %dot_general3A_137 = tpu.matmul %convert_element_type3A_135, %get3A_134, %dot_general3A_136 {dimension_numbers = #tpu.dot_dimension_numbers<[1], [0], [0], [1], [0, 0, 1, 1], [], []>, transpose_lhs_hint = false} : vector<5120x64xbf16>, vector<64x16xbf16>, vector<5120x16xf32> -> vector<5120x16xf32>
    %get3A_138 = arith.constant 0 : index
    %get3A_139 = arith.constant 0 : index
    %get3A_140 = vector.load %arg26[%get3A_138, %get3A_139] : memref<1x16xf32, #tpu.memory_space<vmem>>, vector<1x16xf32>
    %add3A_141 = vector.broadcast %get3A_140 : vector<1x16xf32> to vector<5120x16xf32>
    %add3A_142 = arith.addf %dot_general3A_137, %add3A_141 : vector<5120x16xf32>
    %add3A_143 = arith.addf %add3A_121, %add3A_142 : vector<5120x16xf32>
    %get3A_144 = arith.constant 0 : index
    %get3A_145 = arith.constant 0 : index
    %get3A_146 = vector.load %arg27[%get3A_144, %get3A_145] : memref<1x16xf32, #tpu.memory_space<vmem>>, vector<1x16xf32>
    %mul3A_147 = vector.broadcast %get3A_146 : vector<1x16xf32> to vector<5120x16xf32>
    %mul3A_148 = arith.mulf %add3A_143, %mul3A_147 : vector<5120x16xf32>
    %get3A_149 = arith.constant 0 : index
    %get3A_150 = arith.constant 0 : index
    %get3A_151 = vector.load %arg28[%get3A_149, %get3A_150] : memref<1x16xf32, #tpu.memory_space<vmem>>, vector<1x16xf32>
    %add3A_152 = vector.broadcast %get3A_151 : vector<1x16xf32> to vector<5120x16xf32>
    %add3A_153 = arith.addf %mul3A_148, %add3A_152 : vector<5120x16xf32>
    %max3A_154 = arith.constant 0.000000e+00 : f32
    %max3A_155 = vector.broadcast %max3A_154 : f32 to vector<5120x16xf32>
    %max3A_156 = arith.maximumf %add3A_153, %max3A_155 : vector<5120x16xf32>
    %concatenate3A = tpu.concatenate %reshape3A, %max3A_156 in 1 : vector<5120x16xf32>, vector<5120x16xf32> -> vector<5120x32xf32>
    %reshape3A_157 = vector.shape_cast %concatenate3A : vector<5120x32xf32> to vector<20x256x32xf32>
    %swap3A = arith.constant 0 : index
    %swap3A_158 = arith.constant 0 : index
    %swap3A_159 = arith.constant 0 : index
    %swap3A_160 = vector.load %arg68[%swap3A, %swap3A_158, %swap3A_159] : memref<20x256x32xf32, #tpu.memory_space<vmem>>, vector<20x256x32xf32>
    tpu.vector_store %arg68[%swap3A, %swap3A_158, %swap3A_159], %reshape3A_157 {strides = array<i32>} : memref<20x256x32xf32, #tpu.memory_space<vmem>>, vector<20x256x32xf32>,
    %get3A_161 = arith.constant 0 : index
    %get3A_162 = arith.constant 0 : index
    %get3A_163 = vector.load %arg29[%get3A_161, %get3A_162] : memref<32x128xbf16, #tpu.memory_space<vmem>>, vector<32x128xbf16>
    %convert_element_type3A_164 = arith.truncf %concatenate3A : vector<5120x32xf32> to vector<5120x32xbf16>
    %dot_general3A_165 = arith.constant dense<0.000000e+00> : vector<5120x128xf32>
    %dot_general3A_166 = tpu.matmul %convert_element_type3A_164, %get3A_163, %dot_general3A_165 {dimension_numbers = #tpu.dot_dimension_numbers<[1], [0], [0], [1], [0, 0, 1, 1], [], []>, transpose_lhs_hint = false} : vector<5120x32xbf16>, vector<32x128xbf16>, vector<5120x128xf32> -> vector<5120x128xf32>
    %add3A_167 = arith.addf %slice3A_15, %dot_general3A_166 : vector<5120x128xf32>
    %add3A_168 = arith.addf %add3A_167, %slice3A : vector<5120x128xf32>
    %get3A_169 = arith.constant 0 : index
    %get3A_170 = arith.constant 0 : index
    %get3A_171 = vector.load %arg30[%get3A_169, %get3A_170] : memref<1x128xf32, #tpu.memory_space<vmem>>, vector<1x128xf32>
    %add3A_172 = vector.broadcast %get3A_171 : vector<1x128xf32> to vector<5120x128xf32>
    %add3A_173 = arith.addf %add3A_168, %add3A_172 : vector<5120x128xf32>
    %get3A_174 = arith.constant 0 : index
    %get3A_175 = arith.constant 0 : index
    %get3A_176 = vector.load %arg31[%get3A_174, %get3A_175] : memref<1x128xf32, #tpu.memory_space<vmem>>, vector<1x128xf32>
    %mul3A_177 = vector.broadcast %get3A_176 : vector<1x128xf32> to vector<5120x128xf32>
    %mul3A_178 = arith.mulf %add3A_173, %mul3A_177 : vector<5120x128xf32>
    %get3A_179 = arith.constant 0 : index
    %get3A_180 = arith.constant 0 : index
    %get3A_181 = vector.load %arg32[%get3A_179, %get3A_180] : memref<1x128xf32, #tpu.memory_space<vmem>>, vector<1x128xf32>
    %add3A_182 = vector.broadcast %get3A_181 : vector<1x128xf32> to vector<5120x128xf32>
    %add3A_183 = arith.addf %mul3A_178, %add3A_182 : vector<5120x128xf32>
    %max3A_184 = arith.constant 0.000000e+00 : f32
    %max3A_185 = vector.broadcast %max3A_184 : f32 to vector<5120x128xf32>
    %max3A_186 = arith.maximumf %add3A_183, %max3A_185 : vector<5120x128xf32>
    %get3A_187 = arith.constant 0 : index
    %get3A_188 = arith.constant 0 : index
    %get3A_189 = vector.load %arg33[%get3A_187, %get3A_188] : memref<128x128xbf16, #tpu.memory_space<vmem>>, vector<128x128xbf16>
    %convert_element_type3A_190 = arith.truncf %max3A_186 : vector<5120x128xf32> to vector<5120x128xbf16>
    %dot_general3A_191 = arith.constant dense<0.000000e+00> : vector<5120x128xf32>
    %dot_general3A_192 = tpu.matmul %convert_element_type3A_190, %get3A_189, %dot_general3A_191 {dimension_numbers = #tpu.dot_dimension_numbers<[1], [0], [0], [1], [0, 0, 1, 1], [], []>, transpose_lhs_hint = false} : vector<5120x128xbf16>, vector<128x128xbf16>, vector<5120x128xf32> -> vector<5120x128xf32>
    %get3A_193 = arith.constant 0 : index
    %get3A_194 = arith.constant 0 : index
    %get3A_195 = vector.load %arg34[%get3A_193, %get3A_194] : memref<1x128xf32, #tpu.memory_space<vmem>>, vector<1x128xf32>
    %add3A_196 = vector.broadcast %get3A_195 : vector<1x128xf32> to vector<5120x128xf32>
    %add3A_197 = arith.addf %dot_general3A_192, %add3A_196 : vector<5120x128xf32>
    %get3A_198 = arith.constant 0 : index
    %get3A_199 = arith.constant 0 : index
    %get3A_200 = vector.load %arg35[%get3A_198, %get3A_199] : memref<1x128xf32, #tpu.memory_space<vmem>>, vector<1x128xf32>
    %mul3A_201 = vector.broadcast %get3A_200 : vector<1x128xf32> to vector<5120x128xf32>
    %mul3A_202 = arith.mulf %add3A_197, %mul3A_201 : vector<5120x128xf32>
    %get3A_203 = arith.constant 0 : index
    %get3A_204 = arith.constant 0 : index
    %get3A_205 = vector.load %arg36[%get3A_203, %get3A_204] : memref<1x128xf32, #tpu.memory_space<vmem>>, vector<1x128xf32>
    %add3A_206 = vector.broadcast %get3A_205 : vector<1x128xf32> to vector<5120x128xf32>
    %add3A_207 = arith.addf %mul3A_202, %add3A_206 : vector<5120x128xf32>
    %max3A_208 = arith.constant 0.000000e+00 : f32
    %max3A_209 = vector.broadcast %max3A_208 : f32 to vector<5120x128xf32>
    %max3A_210 = arith.maximumf %add3A_207, %max3A_209 : vector<5120x128xf32>
    %get3A_211 = arith.constant 0 : index
    %get3A_212 = arith.constant 0 : index
    %get3A_213 = vector.load %arg37[%get3A_211, %get3A_212] : memref<128x128xbf16, #tpu.memory_space<vmem>>, vector<128x128xbf16>
    %convert_element_type3A_214 = arith.truncf %max3A_210 : vector<5120x128xf32> to vector<5120x128xbf16>
    %dot_general3A_215 = arith.constant dense<0.000000e+00> : vector<5120x128xf32>
    %dot_general3A_216 = tpu.matmul %convert_element_type3A_214, %get3A_213, %dot_general3A_215 {dimension_numbers = #tpu.dot_dimension_numbers<[1], [0], [0], [1], [0, 0, 1, 1], [], []>, transpose_lhs_hint = false} : vector<5120x128xbf16>, vector<128x128xbf16>, vector<5120x128xf32> -> vector<5120x128xf32>
    %get3A_217 = arith.constant 0 : index
    %get3A_218 = arith.constant 0 : index
    %get3A_219 = vector.load %arg38[%get3A_217, %get3A_218] : memref<1x128xf32, #tpu.memory_space<vmem>>, vector<1x128xf32>
    %add3A_220 = vector.broadcast %get3A_219 : vector<1x128xf32> to vector<5120x128xf32>
    %add3A_221 = arith.addf %dot_general3A_216, %add3A_220 : vector<5120x128xf32>
    %add3A_222 = arith.addf %add3A_221, %add3A_173 : vector<5120x128xf32>
    %get3A_223 = arith.constant 0 : index
    %get3A_224 = arith.constant 0 : index
    %get3A_225 = vector.load %arg39[%get3A_223, %get3A_224] : memref<1x128xf32, #tpu.memory_space<vmem>>, vector<1x128xf32>
    %mul3A_226 = vector.broadcast %get3A_225 : vector<1x128xf32> to vector<5120x128xf32>
    %mul3A_227 = arith.mulf %add3A_222, %mul3A_226 : vector<5120x128xf32>
    %get3A_228 = arith.constant 0 : index
    %get3A_229 = arith.constant 0 : index
    %get3A_230 = vector.load %arg40[%get3A_228, %get3A_229] : memref<1x128xf32, #tpu.memory_space<vmem>>, vector<1x128xf32>
    %add3A_231 = vector.broadcast %get3A_230 : vector<1x128xf32> to vector<5120x128xf32>
    %add3A_232 = arith.addf %mul3A_227, %add3A_231 : vector<5120x128xf32>
    %max3A_233 = arith.constant 0.000000e+00 : f32
    %max3A_234 = vector.broadcast %max3A_233 : f32 to vector<5120x128xf32>
    %max3A_235 = arith.maximumf %add3A_232, %max3A_234 : vector<5120x128xf32>
    %get3A_236 = arith.constant 0 : index
    %get3A_237 = arith.constant 0 : index
    %get3A_238 = vector.load %arg41[%get3A_236, %get3A_237] : memref<128x128xbf16, #tpu.memory_space<vmem>>, vector<128x128xbf16>
    %convert_element_type3A_239 = arith.truncf %max3A_235 : vector<5120x128xf32> to vector<5120x128xbf16>
    %dot_general3A_240 = arith.constant dense<0.000000e+00> : vector<5120x128xf32>
    %dot_general3A_241 = tpu.matmul %convert_element_type3A_239, %get3A_238, %dot_general3A_240 {dimension_numbers = #tpu.dot_dimension_numbers<[1], [0], [0], [1], [0, 0, 1, 1], [], []>, transpose_lhs_hint = false} : vector<5120x128xbf16>, vector<128x128xbf16>, vector<5120x128xf32> -> vector<5120x128xf32>
    %get3A_242 = arith.constant 0 : index
    %get3A_243 = arith.constant 0 : index
    %get3A_244 = vector.load %arg42[%get3A_242, %get3A_243] : memref<1x128xf32, #tpu.memory_space<vmem>>, vector<1x128xf32>
    %add3A_245 = vector.broadcast %get3A_244 : vector<1x128xf32> to vector<5120x128xf32>
    %add3A_246 = arith.addf %dot_general3A_241, %add3A_245 : vector<5120x128xf32>
    %get3A_247 = arith.constant 0 : index
    %get3A_248 = arith.constant 0 : index
    %get3A_249 = vector.load %arg43[%get3A_247, %get3A_248] : memref<1x128xf32, #tpu.memory_space<vmem>>, vector<1x128xf32>
    %mul3A_250 = vector.broadcast %get3A_249 : vector<1x128xf32> to vector<5120x128xf32>
    %mul3A_251 = arith.mulf %add3A_246, %mul3A_250 : vector<5120x128xf32>
    %get3A_252 = arith.constant 0 : index
    %get3A_253 = arith.constant 0 : index
    %get3A_254 = vector.load %arg44[%get3A_252, %get3A_253] : memref<1x128xf32, #tpu.memory_space<vmem>>, vector<1x128xf32>
    %add3A_255 = vector.broadcast %get3A_254 : vector<1x128xf32> to vector<5120x128xf32>
    %add3A_256 = arith.addf %mul3A_251, %add3A_255 : vector<5120x128xf32>
    %max3A_257 = arith.constant 0.000000e+00 : f32
    %max3A_258 = vector.broadcast %max3A_257 : f32 to vector<5120x128xf32>
    %max3A_259 = arith.maximumf %add3A_256, %max3A_258 : vector<5120x128xf32>
    %get3A_260 = arith.constant 0 : index
    %get3A_261 = arith.constant 0 : index
    %get3A_262 = vector.load %arg45[%get3A_260, %get3A_261] : memref<128x128xbf16, #tpu.memory_space<vmem>>, vector<128x128xbf16>
    %convert_element_type3A_263 = arith.truncf %max3A_259 : vector<5120x128xf32> to vector<5120x128xbf16>
    %dot_general3A_264 = arith.constant dense<0.000000e+00> : vector<5120x128xf32>
    %dot_general3A_265 = tpu.matmul %convert_element_type3A_263, %get3A_262, %dot_general3A_264 {dimension_numbers = #tpu.dot_dimension_numbers<[1], [0], [0], [1], [0, 0, 1, 1], [], []>, transpose_lhs_hint = false} : vector<5120x128xbf16>, vector<128x128xbf16>, vector<5120x128xf32> -> vector<5120x128xf32>
    %get3A_266 = arith.constant 0 : index
    %get3A_267 = arith.constant 0 : index
    %get3A_268 = vector.load %arg46[%get3A_266, %get3A_267] : memref<1x128xf32, #tpu.memory_space<vmem>>, vector<1x128xf32>
    %add3A_269 = vector.broadcast %get3A_268 : vector<1x128xf32> to vector<5120x128xf32>
    %add3A_270 = arith.addf %dot_general3A_265, %add3A_269 : vector<5120x128xf32>
    %add3A_271 = arith.addf %add3A_270, %add3A_222 : vector<5120x128xf32>
    %get3A_272 = arith.constant 0 : index
    %get3A_273 = arith.constant 0 : index
    %get3A_274 = vector.load %arg47[%get3A_272, %get3A_273] : memref<1x128xf32, #tpu.memory_space<vmem>>, vector<1x128xf32>
    %mul3A_275 = vector.broadcast %get3A_274 : vector<1x128xf32> to vector<5120x128xf32>
    %mul3A_276 = arith.mulf %add3A_271, %mul3A_275 : vector<5120x128xf32>
    %get3A_277 = arith.constant 0 : index
    %get3A_278 = arith.constant 0 : index
    %get3A_279 = vector.load %arg48[%get3A_277, %get3A_278] : memref<1x128xf32, #tpu.memory_space<vmem>>, vector<1x128xf32>
    %add3A_280 = vector.broadcast %get3A_279 : vector<1x128xf32> to vector<5120x128xf32>
    %add3A_281 = arith.addf %mul3A_276, %add3A_280 : vector<5120x128xf32>
    %max3A_282 = arith.constant 0.000000e+00 : f32
    %max3A_283 = vector.broadcast %max3A_282 : f32 to vector<5120x128xf32>
    %max3A_284 = arith.maximumf %add3A_281, %max3A_283 : vector<5120x128xf32>
    %reshape3A_285 = vector.shape_cast %max3A_284 : vector<5120x128xf32> to vector<20x256x128xf32>
    %reduce_sum3A = arith.constant dense<0.000000e+00> : vector<256x128xf32>
    %reduce_sum3A_286 = vector.multi_reduction <add>, %reshape3A_285, %reduce_sum3A [0] : vector<20x256x128xf32> to vector<256x128xf32>
    %mul3A_287 = arith.constant 0.223606795 : f32
    %mul3A_288 = vector.broadcast %mul3A_287 : f32 to vector<256x128xf32>
    %mul3A_289 = arith.mulf %reduce_sum3A_286, %mul3A_288 : vector<256x128xf32>
    %get3A_290 = arith.constant 0 : index
    %get3A_291 = arith.constant 0 : index
    %get3A_292 = vector.load %arg49[%get3A_290, %get3A_291] : memref<1x128xf32, #tpu.memory_space<vmem>>, vector<1x128xf32>
    %mul3A_293 = vector.broadcast %get3A_292 : vector<1x128xf32> to vector<256x128xf32>
    %mul3A_294 = arith.mulf %mul3A_289, %mul3A_293 : vector<256x128xf32>
    %get3A_295 = arith.constant 0 : index
    %get3A_296 = arith.constant 0 : index
    %get3A_297 = vector.load %arg50[%get3A_295, %get3A_296] : memref<1x128xf32, #tpu.memory_space<vmem>>, vector<1x128xf32>
    %add3A_298 = vector.broadcast %get3A_297 : vector<1x128xf32> to vector<256x128xf32>
    %add3A_299 = arith.addf %mul3A_294, %add3A_298 : vector<256x128xf32>
    %max3A_300 = arith.constant 0.000000e+00 : f32
    %max3A_301 = vector.broadcast %max3A_300 : f32 to vector<256x128xf32>
    %max3A_302 = arith.maximumf %add3A_299, %max3A_301 : vector<256x128xf32>
    %get3A_303 = arith.constant 0 : index
    %get3A_304 = arith.constant 0 : index
    %get3A_305 = vector.load %arg51[%get3A_303, %get3A_304] : memref<128x128xbf16, #tpu.memory_space<vmem>>, vector<128x128xbf16>
    %convert_element_type3A_306 = arith.truncf %max3A_302 : vector<256x128xf32> to vector<256x128xbf16>
    %dot_general3A_307 = arith.constant dense<0.000000e+00> : vector<256x128xf32>
    %dot_general3A_308 = tpu.matmul %convert_element_type3A_306, %get3A_305, %dot_general3A_307 {dimension_numbers = #tpu.dot_dimension_numbers<[1], [0], [0], [1], [0, 0, 1, 1], [], []>, transpose_lhs_hint = false} : vector<256x128xbf16>, vector<128x128xbf16>, vector<256x128xf32> -> vector<256x128xf32>
    %get3A_309 = arith.constant 0 : index
    %get3A_310 = arith.constant 0 : index
    %get3A_311 = vector.load %arg52[%get3A_309, %get3A_310] : memref<1x128xf32, #tpu.memory_space<vmem>>, vector<1x128xf32>
    %add3A_312 = vector.broadcast %get3A_311 : vector<1x128xf32> to vector<256x128xf32>
    %add3A_313 = arith.addf %dot_general3A_308, %add3A_312 : vector<256x128xf32>
    %get3A_314 = arith.constant 0 : index
    %get3A_315 = arith.constant 0 : index
    %get3A_316 = vector.load %arg53[%get3A_314, %get3A_315] : memref<1x128xf32, #tpu.memory_space<vmem>>, vector<1x128xf32>
    %mul3A_317 = vector.broadcast %get3A_316 : vector<1x128xf32> to vector<256x128xf32>
    %mul3A_318 = arith.mulf %add3A_313, %mul3A_317 : vector<256x128xf32>
    %get3A_319 = arith.constant 0 : index
    %get3A_320 = arith.constant 0 : index
    %get3A_321 = vector.load %arg54[%get3A_319, %get3A_320] : memref<1x128xf32, #tpu.memory_space<vmem>>, vector<1x128xf32>
    %add3A_322 = vector.broadcast %get3A_321 : vector<1x128xf32> to vector<256x128xf32>
    %add3A_323 = arith.addf %mul3A_318, %add3A_322 : vector<256x128xf32>
    %max3A_324 = arith.constant 0.000000e+00 : f32
    %max3A_325 = vector.broadcast %max3A_324 : f32 to vector<256x128xf32>
    %max3A_326 = arith.maximumf %add3A_323, %max3A_325 : vector<256x128xf32>
    %get3A_327 = arith.constant 0 : index
    %get3A_328 = arith.constant 0 : index
    %get3A_329 = vector.load %arg55[%get3A_327, %get3A_328] : memref<128x128xbf16, #tpu.memory_space<vmem>>, vector<128x128xbf16>
    %convert_element_type3A_330 = arith.truncf %max3A_326 : vector<256x128xf32> to vector<256x128xbf16>
    %dot_general3A_331 = arith.constant dense<0.000000e+00> : vector<256x128xf32>
    %dot_general3A_332 = tpu.matmul %convert_element_type3A_330, %get3A_329, %dot_general3A_331 {dimension_numbers = #tpu.dot_dimension_numbers<[1], [0], [0], [1], [0, 0, 1, 1], [], []>, transpose_lhs_hint = false} : vector<256x128xbf16>, vector<128x128xbf16>, vector<256x128xf32> -> vector<256x128xf32>
    %get3A_333 = arith.constant 0 : index
    %get3A_334 = arith.constant 0 : index
    %get3A_335 = vector.load %arg56[%get3A_333, %get3A_334] : memref<1x128xf32, #tpu.memory_space<vmem>>, vector<1x128xf32>
    %add3A_336 = vector.broadcast %get3A_335 : vector<1x128xf32> to vector<256x128xf32>
    %add3A_337 = arith.addf %dot_general3A_332, %add3A_336 : vector<256x128xf32>
    %add3A_338 = arith.addf %add3A_337, %mul3A_289 : vector<256x128xf32>
    %get3A_339 = arith.constant 0 : index
    %get3A_340 = arith.constant 0 : index
    %get3A_341 = vector.load %arg57[%get3A_339, %get3A_340] : memref<1x128xf32, #tpu.memory_space<vmem>>, vector<1x128xf32>
    %mul3A_342 = vector.broadcast %get3A_341 : vector<1x128xf32> to vector<256x128xf32>
    %mul3A_343 = arith.mulf %add3A_338, %mul3A_342 : vector<256x128xf32>
    %get3A_344 = arith.constant 0 : index
    %get3A_345 = arith.constant 0 : index
    %get3A_346 = vector.load %arg58[%get3A_344, %get3A_345] : memref<1x128xf32, #tpu.memory_space<vmem>>, vector<1x128xf32>
    %add3A_347 = vector.broadcast %get3A_346 : vector<1x128xf32> to vector<256x128xf32>
    %add3A_348 = arith.addf %mul3A_343, %add3A_347 : vector<256x128xf32>
    %max3A_349 = arith.constant 0.000000e+00 : f32
    %max3A_350 = vector.broadcast %max3A_349 : f32 to vector<256x128xf32>
    %max3A_351 = arith.maximumf %add3A_348, %max3A_350 : vector<256x128xf32>
    %get3A_352 = arith.constant 0 : index
    %get3A_353 = arith.constant 0 : index
    %get3A_354 = vector.load %arg59[%get3A_352, %get3A_353] : memref<128x128xbf16, #tpu.memory_space<vmem>>, vector<128x128xbf16>
    %convert_element_type3A_355 = arith.truncf %max3A_351 : vector<256x128xf32> to vector<256x128xbf16>
    %dot_general3A_356 = arith.constant dense<0.000000e+00> : vector<256x128xf32>
    %dot_general3A_357 = tpu.matmul %convert_element_type3A_355, %get3A_354, %dot_general3A_356 {dimension_numbers = #tpu.dot_dimension_numbers<[1], [0], [0], [1], [0, 0, 1, 1], [], []>, transpose_lhs_hint = false} : vector<256x128xbf16>, vector<128x128xbf16>, vector<256x128xf32> -> vector<256x128xf32>
    %get3A_358 = arith.constant 0 : index
    %get3A_359 = arith.constant 0 : index
    %get3A_360 = vector.load %arg60[%get3A_358, %get3A_359] : memref<1x128xf32, #tpu.memory_space<vmem>>, vector<1x128xf32>
    %add3A_361 = vector.broadcast %get3A_360 : vector<1x128xf32> to vector<256x128xf32>
    %add3A_362 = arith.addf %dot_general3A_357, %add3A_361 : vector<256x128xf32>
    %get3A_363 = arith.constant 0 : index
    %get3A_364 = arith.constant 0 : index
    %get3A_365 = vector.load %arg61[%get3A_363, %get3A_364] : memref<1x128xf32, #tpu.memory_space<vmem>>, vector<1x128xf32>
    %mul3A_366 = vector.broadcast %get3A_365 : vector<1x128xf32> to vector<256x128xf32>
    %mul3A_367 = arith.mulf %add3A_362, %mul3A_366 : vector<256x128xf32>
    %get3A_368 = arith.constant 0 : index
    %get3A_369 = arith.constant 0 : index
    %get3A_370 = vector.load %arg62[%get3A_368, %get3A_369] : memref<1x128xf32, #tpu.memory_space<vmem>>, vector<1x128xf32>
    %add3A_371 = vector.broadcast %get3A_370 : vector<1x128xf32> to vector<256x128xf32>
    %add3A_372 = arith.addf %mul3A_367, %add3A_371 : vector<256x128xf32>
    %max3A_373 = arith.constant 0.000000e+00 : f32
    %max3A_374 = vector.broadcast %max3A_373 : f32 to vector<256x128xf32>
    %max3A_375 = arith.maximumf %add3A_372, %max3A_374 : vector<256x128xf32>
    %get3A_376 = arith.constant 0 : index
    %get3A_377 = arith.constant 0 : index
    %get3A_378 = vector.load %arg63[%get3A_376, %get3A_377] : memref<128x128xbf16, #tpu.memory_space<vmem>>, vector<128x128xbf16>
    %convert_element_type3A_379 = arith.truncf %max3A_375 : vector<256x128xf32> to vector<256x128xbf16>
    %dot_general3A_380 = arith.constant dense<0.000000e+00> : vector<256x128xf32>
    %dot_general3A_381 = tpu.matmul %convert_element_type3A_379, %get3A_378, %dot_general3A_380 {dimension_numbers = #tpu.dot_dimension_numbers<[1], [0], [0], [1], [0, 0, 1, 1], [], []>, transpose_lhs_hint = false} : vector<256x128xbf16>, vector<128x128xbf16>, vector<256x128xf32> -> vector<256x128xf32>
    %get3A_382 = arith.constant 0 : index
    %get3A_383 = arith.constant 0 : index
    %get3A_384 = vector.load %arg64[%get3A_382, %get3A_383] : memref<1x128xf32, #tpu.memory_space<vmem>>, vector<1x128xf32>
    %add3A_385 = vector.broadcast %get3A_384 : vector<1x128xf32> to vector<256x128xf32>
    %add3A_386 = arith.addf %dot_general3A_381, %add3A_385 : vector<256x128xf32>
    %add3A_387 = arith.addf %add3A_386, %add3A_338 : vector<256x128xf32>
    %get3A_388 = arith.constant 0 : index
    %get3A_389 = arith.constant 0 : index
    %get3A_390 = vector.load %arg65[%get3A_388, %get3A_389] : memref<1x128xf32, #tpu.memory_space<vmem>>, vector<1x128xf32>
    %mul3A_391 = vector.broadcast %get3A_390 : vector<1x128xf32> to vector<256x128xf32>
    %mul3A_392 = arith.mulf %add3A_387, %mul3A_391 : vector<256x128xf32>
    %get3A_393 = arith.constant 0 : index
    %get3A_394 = arith.constant 0 : index
    %get3A_395 = vector.load %arg66[%get3A_393, %get3A_394] : memref<1x128xf32, #tpu.memory_space<vmem>>, vector<1x128xf32>
    %add3A_396 = vector.broadcast %get3A_395 : vector<1x128xf32> to vector<256x128xf32>
    %add3A_397 = arith.addf %mul3A_392, %add3A_396 : vector<256x128xf32>
    %max3A_398 = arith.constant 0.000000e+00 : f32
    %max3A_399 = vector.broadcast %max3A_398 : f32 to vector<256x128xf32>
    %max3A_400 = arith.maximumf %add3A_397, %max3A_399 : vector<256x128xf32>
    %get3A_401 = arith.constant 0 : index
    %get3A_402 = arith.constant 0 : index
    %get3A_403 = vector.load %arg1[%get3A_401, %get3A_402] : memref<256x128xf32, #tpu.memory_space<vmem>>, vector<256x128xf32>
    %swap3A_404 = arith.constant 0 : index
    %swap3A_405 = arith.constant 0 : index
    %swap3A_406 = vector.load %arg67[%swap3A_404, %swap3A_405] : memref<256x256xf32, #tpu.memory_space<vmem>>, vector<256x128xf32>
    tpu.vector_store %arg67[%swap3A_404, %swap3A_405], %get3A_403 {strides = array<i32>} : memref<256x256xf32, #tpu.memory_space<vmem>>, vector<256x128xf32>,
    %swap3A_407 = arith.constant 0 : index
    %swap3A_408 = arith.constant 128 : index
    %swap3A_409 = vector.load %arg67[%swap3A_407, %swap3A_408] : memref<256x256xf32, #tpu.memory_space<vmem>>, vector<256x128xf32>
    tpu.vector_store %arg67[%swap3A_407, %swap3A_408], %max3A_400 {strides = array<i32>} : memref<256x256xf32, #tpu.memory_space<vmem>>, vector<256x128xf32>,
    return
  }
  func.func @transform_0(%arg0: i32) -> (i32, i32) {
    %c0_i32 = arith.constant 0 : i32
    %c0_i32_0 = arith.constant 0 : i32
    return %arg0, %c0_i32 : i32, i32
  }
  func.func @transform_1(%arg0: i32) -> (i32, i32) {
    %c0_i32 = arith.constant 0 : i32
    %c0_i32_0 = arith.constant 0 : i32
    return %arg0, %c0_i32 : i32, i32
  }
  func.func @transform_2(%arg0: i32) -> (i32, i32, i32) {
    %c0_i32 = arith.constant 0 : i32
    %c0_i32_0 = arith.constant 0 : i32
    %c0_i32_1 = arith.constant 0 : i32
    return %c0_i32, %arg0, %c0_i32_0 : i32, i32, i32
  }
  func.func @transform_3(%arg0: i32) -> (i32, i32, i32) {
    %c0_i32 = arith.constant 0 : i32
    %c0_i32_0 = arith.constant 0 : i32
    %c0_i32_1 = arith.constant 0 : i32
    return %c0_i32, %arg0, %c0_i32_0 : i32, i32, i32
  }
  func.func @transform_4(%arg0: i32) -> (i32, i32) {
    %c0_i32 = arith.constant 0 : i32
    %c0_i32_0 = arith.constant 0 : i32
    %c0_i32_1 = arith.constant 0 : i32
    return %c0_i32, %c0_i32_0 : i32, i32
  }
  func.func @transform_5(%arg0: i32) -> (i32, i32) {
    %c0_i32 = arith.constant 0 : i32
    %c0_i32_0 = arith.constant 0 : i32
    %c0_i32_1 = arith.constant 0 : i32
    return %c0_i32, %c0_i32_0 : i32, i32
  }
  func.func @transform_6(%arg0: i32) -> (i32, i32) {
    %c0_i32 = arith.constant 0 : i32
    %c0_i32_0 = arith.constant 0 : i32
    %c0_i32_1 = arith.constant 0 : i32
    return %c0_i32, %c0_i32_0 : i32, i32
  }
  func.func @transform_7(%arg0: i32) -> (i32, i32) {
    %c0_i32 = arith.constant 0 : i32
    %c0_i32_0 = arith.constant 0 : i32
    %c0_i32_1 = arith.constant 0 : i32
    return %c0_i32, %c0_i32_0 : i32, i32
  }
  func.func @transform_8(%arg0: i32) -> (i32, i32) {
    %c0_i32 = arith.constant 0 : i32
    %c0_i32_0 = arith.constant 0 : i32
    %c0_i32_1 = arith.constant 0 : i32
    return %c0_i32, %c0_i32_0 : i32, i32
  }
  func.func @transform_9(%arg0: i32) -> (i32, i32) {
    %c0_i32 = arith.constant 0 : i32
    %c0_i32_0 = arith.constant 0 : i32
    %c0_i32_1 = arith.constant 0 : i32
    return %c0_i32, %c0_i32_0 : i32, i32
  }
  func.func @transform_10(%arg0: i32) -> (i32, i32) {
    %c0_i32 = arith.constant 0 : i32
    %c0_i32_0 = arith.constant 0 : i32
    %c0_i32_1 = arith.constant 0 : i32
    return %c0_i32, %c0_i32_0 : i32, i32
  }
  func.func @transform_11(%arg0: i32) -> (i32, i32) {
    %c0_i32 = arith.constant 0 : i32
    %c0_i32_0 = arith.constant 0 : i32
    %c0_i32_1 = arith.constant 0 : i32
    return %c0_i32, %c0_i32_0 : i32, i32
  }
  func.func @transform_12(%arg0: i32) -> (i32, i32) {
    %c0_i32 = arith.constant 0 : i32
    %c0_i32_0 = arith.constant 0 : i32
    %c0_i32_1 = arith.constant 0 : i32
    return %c0_i32, %c0_i32_0 : i32, i32
  }
  func.func @transform_13(%arg0: i32) -> (i32, i32) {
    %c0_i32 = arith.constant 0 : i32
    %c0_i32_0 = arith.constant 0 : i32
    %c0_i32_1 = arith.constant 0 : i32
    return %c0_i32, %c0_i32_0 : i32, i32
  }
  func.func @transform_14(%arg0: i32) -> (i32, i32) {
    %c0_i32 = arith.constant 0 : i32
    %c0_i32_0 = arith.constant 0 : i32
    %c0_i32_1 = arith.constant 0 : i32
    return %c0_i32, %c0_i32_0 : i32, i32
  }
  func.func @transform_15(%arg0: i32) -> (i32, i32) {
    %c0_i32 = arith.constant 0 : i32
    %c0_i32_0 = arith.constant 0 : i32
    %c0_i32_1 = arith.constant 0 : i32
    return %c0_i32, %c0_i32_0 : i32, i32
  }
  func.func @transform_16(%arg0: i32) -> (i32, i32) {
    %c0_i32 = arith.constant 0 : i32
    %c0_i32_0 = arith.constant 0 : i32
    %c0_i32_1 = arith.constant 0 : i32
    return %c0_i32, %c0_i32_0 : i32, i32
  }
  func.func @transform_17(%arg0: i32) -> (i32, i32) {
    %c0_i32 = arith.constant 0 : i32
    %c0_i32_0 = arith.constant 0 : i32
    %c0_i32_1 = arith.constant 0 : i32
    return %c0_i32, %c0_i32_0 : i32, i32
  }
  func.func @transform_18(%arg0: i32) -> (i32, i32) {
    %c0_i32 = arith.constant 0 : i32
    %c0_i32_0 = arith.constant 0 : i32
    %c0_i32_1 = arith.constant 0 : i32
    return %c0_i32, %c0_i32_0 : i32, i32
  }
  func.func @transform_19(%arg0: i32) -> (i32, i32) {
    %c0_i32 = arith.constant 0 : i32
    %c0_i32_0 = arith.constant 0 : i32
    %c0_i32_1 = arith.constant 0 : i32
    return %c0_i32, %c0_i32_0 : i32, i32
  }
  func.func @transform_20(%arg0: i32) -> (i32, i32) {
    %c0_i32 = arith.constant 0 : i32
    %c0_i32_0 = arith.constant 0 : i32
    %c0_i32_1 = arith.constant 0 : i32
    return %c0_i32, %c0_i32_0 : i32, i32
  }
  func.func @transform_21(%arg0: i32) -> (i32, i32) {
    %c0_i32 = arith.constant 0 : i32
    %c0_i32_0 = arith.constant 0 : i32
    %c0_i32_1 = arith.constant 0 : i32
    return %c0_i32, %c0_i32_0 : i32, i32
  }
  func.func @transform_22(%arg0: i32) -> (i32, i32) {
    %c0_i32 = arith.constant 0 : i32
    %c0_i32_0 = arith.constant 0 : i32
    %c0_i32_1 = arith.constant 0 : i32
    return %c0_i32, %c0_i32_0 : i32, i32
  }
  func.func @transform_23(%arg0: i32) -> (i32, i32) {
    %c0_i32 = arith.constant 0 : i32
    %c0_i32_0 = arith.constant 0 : i32
    %c0_i32_1 = arith.constant 0 : i32
    return %c0_i32, %c0_i32_0 : i32, i32
  }
  func.func @transform_24(%arg0: i32) -> (i32, i32) {
    %c0_i32 = arith.constant 0 : i32
    %c0_i32_0 = arith.constant 0 : i32
    %c0_i32_1 = arith.constant 0 : i32
    return %c0_i32, %c0_i32_0 : i32, i32
  }
  func.func @transform_25(%arg0: i32) -> (i32, i32) {
    %c0_i32 = arith.constant 0 : i32
    %c0_i32_0 = arith.constant 0 : i32
    %c0_i32_1 = arith.constant 0 : i32
    return %c0_i32, %c0_i32_0 : i32, i32
  }
  func.func @transform_26(%arg0: i32) -> (i32, i32) {
    %c0_i32 = arith.constant 0 : i32
    %c0_i32_0 = arith.constant 0 : i32
    %c0_i32_1 = arith.constant 0 : i32
    return %c0_i32, %c0_i32_0 : i32, i32
  }
  func.func @transform_27(%arg0: i32) -> (i32, i32) {
    %c0_i32 = arith.constant 0 : i32
    %c0_i32_0 = arith.constant 0 : i32
    %c0_i32_1 = arith.constant 0 : i32
    return %c0_i32, %c0_i32_0 : i32, i32
  }
  func.func @transform_28(%arg0: i32) -> (i32, i32) {
    %c0_i32 = arith.constant 0 : i32
    %c0_i32_0 = arith.constant 0 : i32
    %c0_i32_1 = arith.constant 0 : i32
    return %c0_i32, %c0_i32_0 : i32, i32
  }
  func.func @transform_29(%arg0: i32) -> (i32, i32) {
    %c0_i32 = arith.constant 0 : i32
    %c0_i32_0 = arith.constant 0 : i32
    %c0_i32_1 = arith.constant 0 : i32
    return %c0_i32, %c0_i32_0 : i32, i32
  }
  func.func @transform_30(%arg0: i32) -> (i32, i32) {
    %c0_i32 = arith.constant 0 : i32
    %c0_i32_0 = arith.constant 0 : i32
    %c0_i32_1 = arith.constant 0 : i32
    return %c0_i32, %c0_i32_0 : i32, i32
  }
  func.func @transform_31(%arg0: i32) -> (i32, i32) {
    %c0_i32 = arith.constant 0 : i32
    %c0_i32_0 = arith.constant 0 : i32
    %c0_i32_1 = arith.constant 0 : i32
    return %c0_i32, %c0_i32_0 : i32, i32
  }
  func.func @transform_32(%arg0: i32) -> (i32, i32) {
    %c0_i32 = arith.constant 0 : i32
    %c0_i32_0 = arith.constant 0 : i32
    %c0_i32_1 = arith.constant 0 : i32
    return %c0_i32, %c0_i32_0 : i32, i32
  }
  func.func @transform_33(%arg0: i32) -> (i32, i32) {
    %c0_i32 = arith.constant 0 : i32
    %c0_i32_0 = arith.constant 0 : i32
    %c0_i32_1 = arith.constant 0 : i32
    return %c0_i32, %c0_i32_0 : i32, i32
  }
  func.func @transform_34(%arg0: i32) -> (i32, i32) {
    %c0_i32 = arith.constant 0 : i32
    %c0_i32_0 = arith.constant 0 : i32
    %c0_i32_1 = arith.constant 0 : i32
    return %c0_i32, %c0_i32_0 : i32, i32
  }
  func.func @transform_35(%arg0: i32) -> (i32, i32) {
    %c0_i32 = arith.constant 0 : i32
    %c0_i32_0 = arith.constant 0 : i32
    %c0_i32_1 = arith.constant 0 : i32
    return %c0_i32, %c0_i32_0 : i32, i32
  }
  func.func @transform_36(%arg0: i32) -> (i32, i32) {
    %c0_i32 = arith.constant 0 : i32
    %c0_i32_0 = arith.constant 0 : i32
    %c0_i32_1 = arith.constant 0 : i32
    return %c0_i32, %c0_i32_0 : i32, i32
  }
  func.func @transform_37(%arg0: i32) -> (i32, i32) {
    %c0_i32 = arith.constant 0 : i32
    %c0_i32_0 = arith.constant 0 : i32
    %c0_i32_1 = arith.constant 0 : i32
    return %c0_i32, %c0_i32_0 : i32, i32
  }
  func.func @transform_38(%arg0: i32) -> (i32, i32) {
    %c0_i32 = arith.constant 0 : i32
    %c0_i32_0 = arith.constant 0 : i32
    %c0_i32_1 = arith.constant 0 : i32
    return %c0_i32, %c0_i32_0 : i32, i32
  }
  func.func @transform_39(%arg0: i32) -> (i32, i32) {
    %c0_i32 = arith.constant 0 : i32
    %c0_i32_0 = arith.constant 0 : i32
    %c0_i32_1 = arith.constant 0 : i32
    return %c0_i32, %c0_i32_0 : i32, i32
  }
  func.func @transform_40(%arg0: i32) -> (i32, i32) {
    %c0_i32 = arith.constant 0 : i32
    %c0_i32_0 = arith.constant 0 : i32
    %c0_i32_1 = arith.constant 0 : i32
    return %c0_i32, %c0_i32_0 : i32, i32
  }
  func.func @transform_41(%arg0: i32) -> (i32, i32) {
    %c0_i32 = arith.constant 0 : i32
    %c0_i32_0 = arith.constant 0 : i32
    %c0_i32_1 = arith.constant 0 : i32
    return %c0_i32, %c0_i32_0 : i32, i32
  }
  func.func @transform_42(%arg0: i32) -> (i32, i32) {
    %c0_i32 = arith.constant 0 : i32
    %c0_i32_0 = arith.constant 0 : i32
    %c0_i32_1 = arith.constant 0 : i32
    return %c0_i32, %c0_i32_0 : i32, i32
  }
  func.func @transform_43(%arg0: i32) -> (i32, i32) {
    %c0_i32 = arith.constant 0 : i32
    %c0_i32_0 = arith.constant 0 : i32
    %c0_i32_1 = arith.constant 0 : i32
    return %c0_i32, %c0_i32_0 : i32, i32
  }
  func.func @transform_44(%arg0: i32) -> (i32, i32) {
    %c0_i32 = arith.constant 0 : i32
    %c0_i32_0 = arith.constant 0 : i32
    %c0_i32_1 = arith.constant 0 : i32
    return %c0_i32, %c0_i32_0 : i32, i32
  }
  func.func @transform_45(%arg0: i32) -> (i32, i32) {
    %c0_i32 = arith.constant 0 : i32
    %c0_i32_0 = arith.constant 0 : i32
    %c0_i32_1 = arith.constant 0 : i32
    return %c0_i32, %c0_i32_0 : i32, i32
  }
  func.func @transform_46(%arg0: i32) -> (i32, i32) {
    %c0_i32 = arith.constant 0 : i32
    %c0_i32_0 = arith.constant 0 : i32
    %c0_i32_1 = arith.constant 0 : i32
    return %c0_i32, %c0_i32_0 : i32, i32
  }
  func.func @transform_47(%arg0: i32) -> (i32, i32) {
    %c0_i32 = arith.constant 0 : i32
    %c0_i32_0 = arith.constant 0 : i32
    %c0_i32_1 = arith.constant 0 : i32
    return %c0_i32, %c0_i32_0 : i32, i32
  }
  func.func @transform_48(%arg0: i32) -> (i32, i32) {
    %c0_i32 = arith.constant 0 : i32
    %c0_i32_0 = arith.constant 0 : i32
    %c0_i32_1 = arith.constant 0 : i32
    return %c0_i32, %c0_i32_0 : i32, i32
  }
  func.func @transform_49(%arg0: i32) -> (i32, i32) {
    %c0_i32 = arith.constant 0 : i32
    %c0_i32_0 = arith.constant 0 : i32
    %c0_i32_1 = arith.constant 0 : i32
    return %c0_i32, %c0_i32_0 : i32, i32
  }
  func.func @transform_50(%arg0: i32) -> (i32, i32) {
    %c0_i32 = arith.constant 0 : i32
    %c0_i32_0 = arith.constant 0 : i32
    %c0_i32_1 = arith.constant 0 : i32
    return %c0_i32, %c0_i32_0 : i32, i32
  }
  func.func @transform_51(%arg0: i32) -> (i32, i32) {
    %c0_i32 = arith.constant 0 : i32
    %c0_i32_0 = arith.constant 0 : i32
    %c0_i32_1 = arith.constant 0 : i32
    return %c0_i32, %c0_i32_0 : i32, i32
  }
  func.func @transform_52(%arg0: i32) -> (i32, i32) {
    %c0_i32 = arith.constant 0 : i32
    %c0_i32_0 = arith.constant 0 : i32
    %c0_i32_1 = arith.constant 0 : i32
    return %c0_i32, %c0_i32_0 : i32, i32
  }
  func.func @transform_53(%arg0: i32) -> (i32, i32) {
    %c0_i32 = arith.constant 0 : i32
    %c0_i32_0 = arith.constant 0 : i32
    %c0_i32_1 = arith.constant 0 : i32
    return %c0_i32, %c0_i32_0 : i32, i32
  }
  func.func @transform_54(%arg0: i32) -> (i32, i32) {
    %c0_i32 = arith.constant 0 : i32
    %c0_i32_0 = arith.constant 0 : i32
    %c0_i32_1 = arith.constant 0 : i32
    return %c0_i32, %c0_i32_0 : i32, i32
  }
  func.func @transform_55(%arg0: i32) -> (i32, i32) {
    %c0_i32 = arith.constant 0 : i32
    %c0_i32_0 = arith.constant 0 : i32
    %c0_i32_1 = arith.constant 0 : i32
    return %c0_i32, %c0_i32_0 : i32, i32
  }
  func.func @transform_56(%arg0: i32) -> (i32, i32) {
    %c0_i32 = arith.constant 0 : i32
    %c0_i32_0 = arith.constant 0 : i32
    %c0_i32_1 = arith.constant 0 : i32
    return %c0_i32, %c0_i32_0 : i32, i32
  }
  func.func @transform_57(%arg0: i32) -> (i32, i32) {
    %c0_i32 = arith.constant 0 : i32
    %c0_i32_0 = arith.constant 0 : i32
    %c0_i32_1 = arith.constant 0 : i32
    return %c0_i32, %c0_i32_0 : i32, i32
  }
  func.func @transform_58(%arg0: i32) -> (i32, i32) {
    %c0_i32 = arith.constant 0 : i32
    %c0_i32_0 = arith.constant 0 : i32
    %c0_i32_1 = arith.constant 0 : i32
    return %c0_i32, %c0_i32_0 : i32, i32
  }
  func.func @transform_59(%arg0: i32) -> (i32, i32) {
    %c0_i32 = arith.constant 0 : i32
    %c0_i32_0 = arith.constant 0 : i32
    %c0_i32_1 = arith.constant 0 : i32
    return %c0_i32, %c0_i32_0 : i32, i32
  }
  func.func @transform_60(%arg0: i32) -> (i32, i32) {
    %c0_i32 = arith.constant 0 : i32
    %c0_i32_0 = arith.constant 0 : i32
    %c0_i32_1 = arith.constant 0 : i32
    return %c0_i32, %c0_i32_0 : i32, i32
  }
  func.func @transform_61(%arg0: i32) -> (i32, i32) {
    %c0_i32 = arith.constant 0 : i32
    %c0_i32_0 = arith.constant 0 : i32
    %c0_i32_1 = arith.constant 0 : i32
    return %c0_i32, %c0_i32_0 : i32, i32
  }
  func.func @transform_62(%arg0: i32) -> (i32, i32) {
    %c0_i32 = arith.constant 0 : i32
    %c0_i32_0 = arith.constant 0 : i32
    %c0_i32_1 = arith.constant 0 : i32
    return %c0_i32, %c0_i32_0 : i32, i32
  }
  func.func @transform_63(%arg0: i32) -> (i32, i32) {
    %c0_i32 = arith.constant 0 : i32
    %c0_i32_0 = arith.constant 0 : i32
    %c0_i32_1 = arith.constant 0 : i32
    return %c0_i32, %c0_i32_0 : i32, i32
  }
  func.func @transform_64(%arg0: i32) -> (i32, i32) {
    %c0_i32 = arith.constant 0 : i32
    %c0_i32_0 = arith.constant 0 : i32
    %c0_i32_1 = arith.constant 0 : i32
    return %c0_i32, %c0_i32_0 : i32, i32
  }
  func.func @transform_65(%arg0: i32) -> (i32, i32) {
    %c0_i32 = arith.constant 0 : i32
    %c0_i32_0 = arith.constant 0 : i32
    %c0_i32_1 = arith.constant 0 : i32
    return %c0_i32, %c0_i32_0 : i32, i32
  }
  func.func @transform_66(%arg0: i32) -> (i32, i32) {
    %c0_i32 = arith.constant 0 : i32
    %c0_i32_0 = arith.constant 0 : i32
    return %arg0, %c0_i32 : i32, i32
  }
  func.func @transform_67(%arg0: i32) -> (i32, i32, i32) {
    %c0_i32 = arith.constant 0 : i32
    %c0_i32_0 = arith.constant 0 : i32
    %c0_i32_1 = arith.constant 0 : i32
    return %c0_i32, %arg0, %c0_i32_0 : i32, i32, i32
  }
}

</mosaic_0001>

<sc_bundles>
// kernel: kernel.10.cloned.1.call-start
scs
__scs_entry_jumppad:
0x0: {  	(pc) =	sbr.rel $0x88, $3  }
0x1: {  	(tag) =	ssettag $0x0;
	lr =	simm.s32 $0x1  }
0x2: {  	[smem:$0x3F3C] =	sst lr;
	_ =	strace $0xD0000000  }
0x3: {  	_ = 	snop  }
0x4: {  	_ = 	snop  }
0x5: {  	_ = 	snop  }
0x6: {  	_ = 	snop  }
0x7: {  	_ = 	snop  }
__scs_overlays_trampoline_lowered:
0x8: {  	[smem:$0x3F4B] =	sst s0  }
0x9: {  	[smem:$0x3F4C] =	sst s1  }
0xa: {  	[smem:$0x3F4D] =	sst s2  }
0xb: {  	[smem:$0x3F4E] =	sst s3  }
0xc: {  	[smem:$0x3F4F] =	sst s4  }
0xd: {  	[smem:$0x3F50] =	sst s5  }
0xe: {  	[smem:$0x3F51] =	sst s6  }
0xf: {  	[smem:$0x3F52] =	sst s7  }
0x10: {  	[smem:$0x3F53] =	sst s8  }
0x11: {  	[smem:$0x3F54] =	sst s9;
	s0 =	simm.s32 @!p0 $0x0  }
0x12: {  	s1 =	sld [smem:$0x3F3A];
	s0 =	simm.s32 @p0 $0x1  }
0x13: {  	[smem:$0x3F55] =	sst s0;
	s0 =	simm.s32 @!p1 $0x0  }
0x14: {  	s2 =	sld [smem:$0x3F39];
	s0 =	simm.s32 @p1 $0x1  }
0x15: {  	[smem:$0x3F56] =	sst s0;
	s0 =	simm.s32 @!p2 $0x0  }
0x16: {  	s3 =	sld [smem:$0x3FDB];
	s0 =	simm.s32 @p2 $0x1  }
0x17: {  	s4 =	simm.s32 $0x1BF5;
	[smem:$0x3F58] =	sst s0  }
0x18: {  	s0 =	sld [smem:$0x3F3B];
	_ =	swait.ge [sflag:s4], $0x0  }
0x19: {  	s7 =	sld [smem:$0x3F3C]  }
0x1a: {  	s8 =	sadd.s32 $0xFFFFE003, lr  }
0x1b: {  	s9 =	sadd.s32 $0xFFFFFEF7, lr;
	s5 =	simm.s32 $0xFFFFFFFF;
	p2 =	slt.u32 s8, $0xFFFFF086  }
0x1c: {  	p1 =	slt.u32 s9, $0xF7A;
	s5 =	simm.s32 @!p2 $0x0  }
0x1d: {  	s5 =	simm.s32 @p1 $0x1;
	p0 =	seq.s32 s7, s2  }
0x1e: {  	s7 =	smul.u32 @!p0 $0xF7A, s2;
	p2 =	seq.s32 @!p0 s5, $0x0  }
0x1f: {  	s9 =	smul.u32 $0xF7A, s1;
	s8 =	simm.s32 @!p0 $0x1BF5;
	p2 =	por !p2, p0  }
0x20: {  	[sflag:s8] =	ssyncset.s32 @!p0 $0xFFFFF086;
	s6 =	sadd.s32 @!p0 s3, s7;
	s7 =	simm.s32 @!p0 $0x108  }
0x21: {  	s3 =	sadd.s32 s3, s9;
	s6 =	sadd.s32 @!p0 $0x88, s6;
	s7 =	simm.s32 @p2 $0x1082  }
0x22: {  	[simem:s7], [sflag:s8] =	dma.local @!p0 [hbm:s6], $0xF7A  }
0x23: {  	s9 =	sor.u32 $0xD0000000, s2;
	s6 =	simm.s32 $0x108;
	_ =	swait.ge @!p0 [sflag:s8], $0x0  }
0x24: {  	s3 =	sadd.s32 $0x88, s3;
	s6 =	simm.s32 @!p1 $0x1082;
	[sflag:s4] =	ssyncset.s32 $0xFFFFF086  }
0x25: {  	[simem:s6], [sflag:s4] =	dma.local [hbm:s3], $0xF7A  }
0x26: {  	[smem:$0x3F3C] =	sst s1;
	(tag) =	ssettag s2;
	_ =	strace s9  }
0x27: {  	s1 =	sld [smem:$0x3F4C]  }
0x28: {  	s2 =	sld [smem:$0x3F4D]  }
0x29: {  	s4 =	sld [smem:$0x3F4F]  }
0x2a: {  	p0 =	seq.s32 s5, $0x0;
	s5 =	sld [smem:$0x3F50]  }
0x2b: {  	s6 =	sld [smem:$0x3F51]  }
0x2c: {  	s7 =	sld [smem:$0x3F52]  }
0x2d: {  	s3 =	simm.s32 $0x108;
	s8 =	sld [smem:$0x3F53]  }
0x2e: {  	s3 =	simm.s32 @!p0 $0x1082;
	s9 =	sld [smem:$0x3F54]  }
0x2f: {  	lr =	sadd.s32 s0, s3;
	s0 =	sld [smem:$0x3F4B]  }
0x30: {  	s3 =	sld [smem:$0x3F4E]  }
0x31: {  	[smem:$0x3F57] =	sst s10  }
0x32: {  	s10 =	sld [smem:$0x3F55];
	_ =	sdelay $0x3  }
0x33: {  	p0 =	seq.s32 s10, $0x1;
	s10 =	sld [smem:$0x3F57];
	_ =	sdelay $0x3  }
0x34: {  	[smem:$0x3F57] =	sst s10  }
0x35: {  	s10 =	sld [smem:$0x3F56];
	_ =	sdelay $0x3  }
0x36: {  	p1 =	seq.s32 s10, $0x1;
	s10 =	sld [smem:$0x3F57];
	_ =	sdelay $0x3  }
0x37: {  	[smem:$0x3F57] =	sst s10  }
0x38: {  	s10 =	sld [smem:$0x3F58]  }
0x39: {  	_ = 	snop;
	(pc) =	sbr.ind lr, $3  }
0x3a: {  	_ = 	snop  }
0x3b: {  	_ = 	snop  }
0x3c: {  	p2 =	seq.s32 s10, $0x1;
	s10 =	sld [smem:$0x3F57]  }
0x3d: {  	_ =	shalt  }
0x3e: {  	_ =	shalt  }
0x3f: {  	_ =	shalt  }
0x40: {  	_ =	shalt  }
0x41: {  	_ =	shalt  }
0x42: {  	_ =	shalt  }
0x43: {  	_ =	shalt  }
0x44: {  	_ =	shalt  }
0x45: {  	_ =	shalt  }
0x46: {  	_ =	shalt  }
0x47: {  	_ =	shalt  }
0x48: {  	_ =	shalt  }
0x49: {  	_ =	shalt  }
0x4a: {  	_ =	shalt  }
0x4b: {  	_ =	shalt  }
0x4c: {  	_ =	shalt  }
0x4d: {  	_ =	shalt  }
0x4e: {  	_ =	shalt  }
0x4f: {  	_ =	shalt  }
0x50: {  	_ =	shalt  }
0x51: {  	_ =	shalt  }
0x52: {  	_ =	shalt  }
0x53: {  	_ =	shalt  }
0x54: {  	_ =	shalt  }
0x55: {  	_ =	shalt  }
0x56: {  	_ =	shalt  }
0x57: {  	_ =	shalt  }
0x58: {  	_ =	shalt  }
0x59: {  	_ =	shalt  }
0x5a: {  	_ =	shalt  }
0x5b: {  	_ =	shalt  }
0x5c: {  	_ =	shalt  }
0x5d: {  	_ =	shalt  }
0x5e: {  	_ =	shalt  }
0x5f: {  	_ =	shalt  }
0x60: {  	_ =	shalt  }
0x61: {  	_ =	shalt  }
0x62: {  	_ =	shalt  }
0x63: {  	_ =	shalt  }
0x64: {  	_ =	shalt  }
0x65: {  	_ =	shalt  }
0x66: {  	_ =	shalt  }
0x67: {  	_ =	shalt  }
0x68: {  	_ =	shalt  }
0x69: {  	_ =	shalt  }
0x6a: {  	_ =	shalt  }
0x6b: {  	_ =	shalt  }
0x6c: {  	_ =	shalt  }
0x6d: {  	_ =	shalt  }
0x6e: {  	_ =	shalt  }
0x6f: {  	_ =	shalt  }
0x70: {  	_ =	shalt  }
0x71: {  	_ =	shalt  }
0x72: {  	_ =	shalt  }
0x73: {  	_ =	shalt  }
0x74: {  	_ =	shalt  }
0x75: {  	_ =	shalt  }
0x76: {  	_ =	shalt  }
0x77: {  	_ =	shalt  }
0x78: {  	_ =	shalt  }
0x79: {  	_ =	shalt  }
0x7a: {  	_ =	shalt  }
0x7b: {  	_ =	shalt  }
0x7c: {  	_ =	shalt  }
0x7d: {  	_ =	shalt  }
0x7e: {  	_ =	shalt  }
0x7f: {  	_ =	shalt  }
0x80: {  	_ =	shalt  }
0x81: {  	_ =	shalt  }
0x82: {  	_ =	shalt  }
0x83: {  	_ =	shalt  }
0x84: {  	_ =	shalt  }
0x85: {  	_ =	shalt  }
0x86: {  	_ =	shalt  }
0x87: {  	_ =	shalt  }
.Lfunc_end0:
.L_simem_size_0:
called_computation.1_lowered:
.L_overlay_start_0:
0x88: {  	s2 =	sld [smem:$0x3FD9]  }
0x89: {  	s3 =	sld [smem:$0x3FFE];
	_ =	sdelay $0x1  }
0x8a: {  	s1 =	srdreg.scid  }
0x8b: {  	s0 =	sand.u32 $0x1, s1  }
0x8c: {  	s15 =	sshll.u32 s0, $0xA;
	s2 =	sadd.s32 s3, s2  }
0x8d: {  	s2 =	sadd.s32 s2, s15  }
0x8e: {  	[smem:$0x3F63] =	sst s2  }
0x8f: {  	_ = 	snop  }
0x90: {  	s2 =	sld [smem:$0x3FD0];
	_ =	sdelay $0x2  }
0x91: {  	s16 =	simm.s32 $0xB;
	s4 =	simm.s32 $0x10  }
0x92: {  	[smem:s4], [sflag:s16] =	dma.local [hbm:s2], $0x1  }
0x93: {  	_ =	swait.eq [sflag:s16], $0x1  }
0x94: {  	[sflag:s16] =	ssyncset.done $0x0  }
0x95: {  	[sflag:s16] =	ssyncadd.s32 $0xFFFFFFFF  }
0x96: {  	s17 =	sld [smem:$0x10];
	(tm) =	ssettm $0x1  }
0x97: {  	s18 =	sld [smem:$0x3FFB];
	_ =	sdelay $0x3  }
0x98: {  	_ =	strace s18  }
0x99: {  	s2 =	sld [smem:$0x3FFC];
	_ =	sdelay $0x3  }
0x9a: {  	_ =	strace s2  }
0x9b: {  	s2 =	sld [smem:$0x3FFD];
	_ =	sdelay $0x3  }
0x9c: {  	_ =	strace s2  }
0x9d: {  	_ =	strace $0x8FFFFFFF  }
0x9e: {  	s19 =	sld [smem:$0x3FDB];
	_ =	sdelay $0x1  }
0x9f: {  	s20 =	simm.s32 $_scs_section_size  }
0xa0: {  	s5 =	simm.s32 $_size__tile_overlayer_lowered;
	s6 =	simm.s32 $_tile_overlayer_lowered  }
0xa1: {  	s7 =	simm.s32 $0x1BFF;
	s21 =	sshll.u32 s6, $0x1;
	s4 =	sadd.s32 s20, s19  }
0xa2: {  	s22 =	simm.s32 $0x0;
	s5 =	sshll.u32 s5, $0x1;
	s6 =	sadd.s32 s21, s4  }
0xa3: {  	[timem:s22], [sflag:s7] =	dma.local [hbm:s6], s5  }
0xa4: {  	_ =	swait.ge [sflag:s7], s5  }
0xa5: {  	s5 =	ssub.s32 $0x0, s5;
	[sflag:s7] =	ssyncset.done $0x0  }
0xa6: {  	[sflag:s7] =	ssyncadd.s32 s5;
	_ =	sdelay $0x1  }
0xa7: {  	s23 =	simm.s32 $0x1B8B  }
0xa8: {  	_ =	swait.ge [sflag:s23], $0x1  }
0xa9: {  	[sflag:s23] =	ssyncset.done $0x0  }
0xaa: {  	[sflag:s23] =	ssyncadd.s32 $0xFFFFFFFF  }
0xab: {  	s5 =	sld [smem:$0x0]  }
0xac: {  	s6 =	sand.u32 $0xFFFFFFFE, s1  }
0xad: {  	p0 =	sne.s32 s1, s6  }
0xae: {  	s6 =	sshll.u32 @p0 s6, $0xE  }
0xaf: {  	s6 =	sadd.s32 @p0 $0x11B8D, s6;
	s7 =	sshll.u32 @p0 s5, $0x11  }
0xb0: {  	s6 =	sor.u32 @p0 s7, s6  }
0xb1: {  	[sflag:s6] =	ssyncadd.remote.s32 @p0 $0x1;
	_ =	sdelay $0x1  }
0xb2: {  	s6 =	simm.s32 @p0 $0x1B8D  }
0xb3: {  	_ =	swait.eq @p0 [sflag:s6], $0x1  }
0xb4: {  	[sflag:s6] =	ssyncadd.s32 @p0 $0xFFFFFFFF  }
0xb5: {  	s7 =	sshll.u32 @!p0 s1, $0xE  }
0xb6: {  	s7 =	sor.u32 @!p0 $0x4000, s7;
	s6 =	simm.s32 @!p0 $0x1B8D  }
0xb7: {  	s5 =	sshll.u32 @!p0 s5, $0x11;
	s7 =	sadd.s32 @!p0 $0x11B8D, s7;
	_ =	swait.eq @!p0 [sflag:s6], $0x1  }
0xb8: {  	s5 =	sor.u32 @!p0 s5, s7;
	[sflag:s6] =	ssyncadd.s32 @!p0 $0xFFFFFFFF  }
0xb9: {  	s25 =	simm.s32 $0x1B8E;
	s24 =	sld [smem:$0x3FFE];
	[sflag:s5] =	ssyncadd.remote.s32 @!p0 $0x1  }
0xba: {  	s26 =	simm.s32 $execute0_lowered;
	[smem:$0x3FD2] =	sst s25  }
0xbb: {  	s6 =	sshll.u32 s26, $0x1;
	_ =	strace $0x80000049;
	[dreg:$0x1] =	wrdreg $0xFFFFFFFF  }
0xbc: {  	s28 =	simm.s32 $_size_execute0_lowered;
	s4 =	sadd.s32 s4, s6;
	[dreg:$0x0] =	wrdreg $0x0  }
0xbd: {  	s6 =	sshll.u32 s28, $0x1;
	[dreg:$0x2] =	wrdreg s4  }
0xbe: {  	[dreg:$0x3] =	wrdreg s6  }
0xbf: {  	[dreg:$0x4] =	wrdreg $0xC0  }
0xc0: {  	_ =	task [dreg:s22], $0x5FFFF  }
0xc1: {  	[dreg:$0x1] =	wrdreg $0xFFFFFFFF  }
0xc2: {  	[dreg:$0x0] =	wrdreg $0x60  }
0xc3: {  	[dreg:$0x2] =	wrdreg s24  }
0xc4: {  	[dreg:$0x3] =	wrdreg s17  }
0xc5: {  	[dreg:$0x4] =	wrdreg $0xA  }
0xc6: {  	_ =	task.clear_ibuf [dreg:s22], $0x5FFFF;
	_ =	strace $0x90000049  }
0xc7: {  	s29 =	simm.s32 $0xA;
	_ =	strace $0x8000004B  }
0xc8: {  	_ =	swait.ge [sflag:s29], $0x1  }
0xc9: {  	[sflag:s29] =	ssyncadd.s32 $0xFFFFFFFF  }
0xca: {  	_ =	strace $0x9000004B  }
0xcb: {  	_ =	sfence  }
0xcc: {  	s30 =	sld [smem:$0x0];
	_ =	sdelay $0x2  }
0xcd: {  	s31 =	sshll.u32 s1, $0xD;
	s1 =	sshrl.u32 s1, $0x2  }
0xce: {  	s4 =	sand.u32 $0x4000, s31;
	s1 =	sadd.s32 s1, s30  }
0xcf: {  	s0 =	sor.u32 s4, s0;
	s1 =	sshll.u32 s1, $0x11  }
0xd0: {  	s0 =	sor.u32 s1, s0  }
0xd1: {  	s0 =	sadd.s32 $0x8F2B, s0  }
0xd2: {  	[sflag:s0] =	ssyncadd.remote.s32 $0x1  }
0xd3: {  	_ =	sfence.sel $0xFFFF  }
0xd4: {  	[dreg:$0x0] =	wrdreg $0xFFFFFFFF;
	(pc) =	sbr.abs _section_cstart, $3  }
0xd5: {  	[dreg:$0x1] =	wrdreg $0xFFFFFFFF  }
0xd6: {  	_ =	task.clear_ibuf [dreg:s22], $0x2FFFF;
	_ =	strace $0x9FFFFFFF  }
0xd7: {  	(tm) =	ssettm $0x7FFFFFFF  }
tec
execute0_lowered:
.L_overlay_start_1:
0x0: {  	(tag) =	ssettag $0x1  }
0x1: {  	s0 =	rddreg [dreg:$0x0]  }
0x2: {  	s1 =	rddreg [dreg:$0x1];
	s2 =	simm.s32 $0x0;
	s3 =	srdreg.scid  }
0x3: {  	s9 =	stileid.u32;
	s10 =	simm.s32 $0x4000;
	s11 =	simm.s32 $0x4580  }
0x4: {  	s19 =	simm.s32 $0x8580;
	s28 =	simm.s32 $0x1;
	s29 =	simm.s32 $0xC580  }
0x5: {  	s12 =	simm.s32 $0xF580;
	s13 =	simm.s32 $0xFD80;
	s14 =	simm.s32 $0x10580  }
0x6: {  	s15 =	simm.s32 $0x10D80;
	s16 =	simm.s32 $0x11580;
	s17 =	simm.s32 $0x11D80  }
0x7: {  	s18 =	simm.s32 $0x12580;
	s20 =	simm.s32 $0x12D80;
	s21 =	simm.s32 $0x13580  }
0x8: {  	s22 =	simm.s32 $0x13D80;
	s23 =	simm.s32 $0x2;
	[smem:$0x7FF] =	sst s2  }
0x9: {  	s4 =	sadd.s32 $0x2CD200, s0;
	s3 =	sand.u32 $0x1, s3;
	s0 =	sadd.s32 $0x34D200, s0  }
0xa: {  	s7 =	sshll.u32 s9, $0xF;
	s9 =	sshll.u32 s9, $0x7;
	_ =	strace $0x8000004A  }
0xb: {  	s5 =	ssub.s32 $0x2, s3;
	s8 =	sshll.u32 s3, $0xE;
	s3 =	sshll.u32 s3, $0x6  }
.Ltmp0:
0xc: {  	s6 =	sshrl.u32 s5, $0x1;
	s7 =	sor.u32 s8, s7;
	(pc) =	sbr.rel .LBB2_1-.Ltmp0, $4  }
0xd: {  	s6 =	ssub.s32 s5, s6;
	s5 =	sor.u32 s3, s9;
	s30 =	sor.u32 $0x100000, s7  }
0xe: {  	v0 =	vlaneseq.u32;
	v1 =	vimm.s32 $0x0;
	s31 =	sshrl.u32 s7, $0x3;
	s9 =	simm.s32 $0x3;
	s6 =	smax.u32 s6, $0x1  }
0xf: {  	vm0 =	vmmov $0xffff;
	v2 =	vor.u32 $0x500, v0;
	v4 =	vshrl.u32 v0, $0x3;
	s3 =	sshrl.u32 s30, $0x3;
	s8 =	sadd.s32 s31, s0;
	[dreg:$0x3] =	wrdreg s6  }
0x10: {  	v3 =	vand.u32 $0x7, v0;
	v5 =	vor.u32 $0x8, v0;
	v4 =	vmul.u32 $0x8, v4;
	s7 =	sadd.s32 s3, s0;
	s6 =	simm.s32 $0xED80;
	s3 =	simm.s32 $0x0  }
.LBB2_11:
0x11: {  	s3 =	rddreg [dreg:$0x4]  }
0x12: {  	s0 =	rddreg [dreg:$0x3];
	s3 =	sadd.s32 $0x1, s3  }
0x13: {  	p0 =	sne.s32 s3, s0  }
.Ltmp1:
0x14: {  	_ = 	snop;
	(pc) =	sbr.rel @!p0 .LBB2_12-.Ltmp1, $1  }
0x15: {  	_ =	sdelay $0x3  }
.LBB2_1:
0x16: {  	[dreg:$0x4] =	wrdreg s3;
	s24 =	simm.s32 $0x0  }
.LBB2_2:
0x17: {  	s25 =	sshll.u32 s24, $0x3  }
0x18: {  	s26 =	sadd.s32 s5, s25  }
0x19: {  	s26 =	sshll.u32 s26, $0x8  }
0x1a: {  	s30 =	sadd.s32 s4, s26;
	s26 =	simm.s32 $0x0  }
0x1b: {  	[tilespmem:s26], [sflag:$0x3] =	stream.linear.gather [hbm4b:s30+s26], $0x4000, $0x38;
	[tilespmem:$0x14580] =	vst v63  }
0x1c: {  	_ =	swait.ge [sflag:s9], $0x4000  }
0x1d: {  	[sflag:s9] =	ssyncset.done $0x0  }
0x1e: {  	[sflag:s9] =	ssyncadd.s32 $0xFFFFC000  }
.LBB2_3:
0x1f: {  	s30 =	sor.u32 s25, s26  }
0x20: {  	v6 =	vmov s30;
	s30 =	sshll.u32 s26, $0x7  }
0x21: {  	v7 =	vmov s30  }
0x22: {  	v6 =	vadd.s32 $0xFFFFFFC0, v6  }
0x23: {  	v8 =	vimm.s32 $0x0;
	s31 =	simm.s32 $0x0;
	s30 =	simm.s32 $0x0;
	v6 =	vbroadcast v6, $0x0  }
.LBB2_4:
0x24: {  	s0 =	sand.u32 $0x40, s31;
	s3 =	sand.u32 $0x3C00, s30  }
0x25: {  	s0 =	sor.u32 s0, s3  }
0x26: {  	v9 =	vld.idx.msk [tilespmem:v7+s0+$0x0 ss:$0x1], $0xffff;
	_ =	sdelay $0x4  }
0x27: {  	vm1 =	vgt.s32 v9, $0x0  }
0x28: {  	v9 =	vsel vm1, $0x1, v1  }
0x29: {  	(xrf0) =	vadd.scan.msk.s32 $0xffff, v9;
	_ =	sdelay $0x5  }
0x2a: {  	v9, _, _ =	vpop (xrf0)  }
0x2b: {  	v9 =	vadd.s32 v8, v9  }
0x2c: {  	v9 =	vshll.u32 v9, $0x6  }
0x2d: {  	v9 =	vadd.s32 v6, v9  }
0x2e: {  	v9 =	vsel vm1, v9, v2;
	_ =	sdelay $0x2  }
0x2f: {  	s3 =	sadd.s32 $0x800, s31  }
0x30: {  	v10 =	vor.u32 s3, v0  }
0x31: {  	[tilespmem:v9+s10+$0x0] =	vst.idx.msk $0xffff, v10  }
0x32: {  	v9 =	vld.idx.msk [tilespmem:v7+s0+$0x10 ss:$0x1], $0xffff;
	_ =	sdelay $0x4  }
0x33: {  	vm2 =	vgt.s32 v9, $0x0  }
0x34: {  	v9 =	vsel vm2, $0x1, v1  }
0x35: {  	(xrf0) =	vadd.scan.msk.s32 $0xffff, v9;
	_ =	sdelay $0x1  }
0x36: {  	v9 =	vmpcnt.ones.xlane vm1;
	_ =	sdelay $0x3  }
0x37: {  	v8 =	vadd.s32 v8, v9;
	v9, _, _ =	vpop (xrf0)  }
0x38: {  	v9 =	vadd.s32 v8, v9  }
0x39: {  	v9 =	vshll.u32 v9, $0x6  }
0x3a: {  	v9 =	vadd.s32 v6, v9  }
0x3b: {  	v9 =	vsel vm2, v9, v2;
	_ =	sdelay $0x2  }
0x3c: {  	s3 =	sadd.s32 $0x810, s31  }
0x3d: {  	v10 =	vor.u32 s3, v0  }
0x3e: {  	[tilespmem:v9+s10+$0x0] =	vst.idx.msk $0xffff, v10  }
0x3f: {  	v9 =	vld.idx.msk [tilespmem:v7+s0+$0x20 ss:$0x1], $0xffff;
	_ =	sdelay $0x4  }
0x40: {  	vm1 =	vgt.s32 v9, $0x0  }
0x41: {  	v9 =	vsel vm1, $0x1, v1  }
0x42: {  	(xrf0) =	vadd.scan.msk.s32 $0xffff, v9;
	_ =	sdelay $0x1  }
0x43: {  	v9 =	vmpcnt.ones.xlane vm2;
	_ =	sdelay $0x3  }
0x44: {  	v8 =	vadd.s32 v8, v9;
	v9, _, _ =	vpop (xrf0)  }
0x45: {  	v9 =	vadd.s32 v8, v9  }
0x46: {  	v9 =	vshll.u32 v9, $0x6  }
0x47: {  	v9 =	vadd.s32 v6, v9  }
0x48: {  	v9 =	vsel vm1, v9, v2;
	_ =	sdelay $0x2  }
0x49: {  	s3 =	sadd.s32 $0x820, s31  }
0x4a: {  	v10 =	vor.u32 s3, v0  }
0x4b: {  	[tilespmem:v9+s10+$0x0] =	vst.idx.msk $0xffff, v10  }
0x4c: {  	v9 =	vld.idx.msk [tilespmem:v7+s0+$0x30 ss:$0x1], $0xffff;
	_ =	sdelay $0x4  }
0x4d: {  	vm2 =	vgt.s32 v9, $0x0  }
0x4e: {  	v9 =	vsel vm2, $0x1, v1  }
0x4f: {  	(xrf0) =	vadd.scan.msk.s32 $0xffff, v9;
	_ =	sdelay $0x1  }
0x50: {  	v9 =	vmpcnt.ones.xlane vm1;
	_ =	sdelay $0x3  }
0x51: {  	v8 =	vadd.s32 v8, v9;
	v9, _, _ =	vpop (xrf0)  }
0x52: {  	v9 =	vadd.s32 v8, v9  }
0x53: {  	v9 =	vshll.u32 v9, $0x6  }
0x54: {  	v9 =	vadd.s32 v6, v9  }
0x55: {  	p0 =	sne.s32 s31, $0x7C0;
	v9 =	vsel vm2, v9, v2  }
.Ltmp2:
0x56: {  	_ = 	snop;
	(pc) =	sbr.rel @p0 .LBB2_4-.Ltmp2, $4  }
0x57: {  	_ = 	snop  }
0x58: {  	s3 =	sadd.s32 $0x830, s31;
	v10 =	vmpcnt.ones.xlane vm2  }
0x59: {  	v11 =	vor.u32 s3, v0  }
0x5a: {  	s30 =	sadd.s32 $0x200, s30;
	s31 =	sadd.s32 $0x40, s31;
	v8 =	vadd.s32 v8, v10;
	[tilespmem:v9+s10+$0x0] =	vst.idx.msk $0xffff, v11  }
0x5b: {  	s26 =	sadd.s32 $0x1, s26  }
0x5c: {  	p0 =	sne.s32 s26, $0x8  }
.Ltmp3:
0x5d: {  	_ = 	snop;
	(pc) =	sbr.rel @p0 .LBB2_3-.Ltmp3, $1  }
0x5e: {  	_ =	sdelay $0x3  }
0x5f: {  	s24 =	sadd.s32 $0x1, s24  }
0x60: {  	p0 =	sne.s32 s24, $0x8  }
.Ltmp4:
0x61: {  	_ = 	snop;
	(pc) =	sbr.rel @p0 .LBB2_2-.Ltmp4, $1  }
0x62: {  	_ =	sdelay $0x3  }
0x63: {  	v6 =	vld [tilespmem:$0x4000];
	_ =	sdelay $0x4  }
0x64: {  	v7 =	vshll.u32 v6, $0x1  }
0x65: {  	v6 =	vand.u32 $0x7, v6;
	v7 =	vand.u32 $0xFFFFFFF0, v7  }
0x66: {  	v6 =	vor.u32 v6, v7  }
0x67: {  	v7 =	vperm.xlane v6, v3;
	_ =	sdelay $0x1  }
0x68: {  	v6 =	vperm.xlane v6, v5;
	v7 =	vadd.s32 v4, v7;
	_ =	sdelay $0x1  }
0x69: {  	v6 =	vadd.s32 v4, v6;
	_ =	sdelay $0x1  }
0x6a: {  	s24 =	simm.s32 $0x0  }
0x6b: {  	[tilespmem:s11], [sflag:$0x1] =	stream.indirect_vreg.gather [hbm4b:s1+s24], $0x80, v7, vm0, $0xb8;
	[tilespmem:$0x14580] =	vst v63  }
0x6c: {  	s3 =	simm.s32 $0x4D80  }
0x6d: {  	[tilespmem:s3], [sflag:$0x1] =	stream.indirect_vreg.gather [hbm4b:s1+s24], $0x80, v6, vm0, $0xb8;
	[tilespmem:$0x14580] =	vst v63  }
0x6e: {  	v6 =	vld [tilespmem:$0x4010];
	_ =	sdelay $0x4  }
0x6f: {  	v7 =	vshll.u32 v6, $0x1  }
0x70: {  	v6 =	vand.u32 $0x7, v6;
	v7 =	vand.u32 $0xFFFFFFF0, v7  }
0x71: {  	v6 =	vor.u32 v6, v7  }
0x72: {  	v7 =	vperm.xlane v6, v3;
	_ =	sdelay $0x1  }
0x73: {  	v6 =	vperm.xlane v6, v5;
	v7 =	vadd.s32 v4, v7;
	_ =	sdelay $0x1  }
0x74: {  	v6 =	vadd.s32 v4, v6;
	_ =	sdelay $0x1  }
0x75: {  	s26 =	simm.s32 $0x5580  }
0x76: {  	[tilespmem:s26], [sflag:$0x1] =	stream.indirect_vreg.gather [hbm4b:s1+s24], $0x80, v7, vm0, $0xb8;
	[tilespmem:$0x14580] =	vst v63  }
0x77: {  	s30 =	simm.s32 $0x5D80  }
0x78: {  	[tilespmem:s30], [sflag:$0x1] =	stream.indirect_vreg.gather [hbm4b:s1+s24], $0x80, v6, vm0, $0xb8;
	[tilespmem:$0x14580] =	vst v63  }
0x79: {  	v6 =	vld [tilespmem:$0x4020];
	_ =	sdelay $0x4  }
0x7a: {  	v7 =	vshll.u32 v6, $0x1  }
0x7b: {  	v6 =	vand.u32 $0x7, v6;
	v7 =	vand.u32 $0xFFFFFFF0, v7  }
0x7c: {  	v6 =	vor.u32 v6, v7  }
0x7d: {  	v7 =	vperm.xlane v6, v3;
	_ =	sdelay $0x1  }
0x7e: {  	v6 =	vperm.xlane v6, v5;
	v7 =	vadd.s32 v4, v7;
	_ =	sdelay $0x1  }
0x7f: {  	v6 =	vadd.s32 v4, v6;
	_ =	sdelay $0x1  }
0x80: {  	s31 =	simm.s32 $0x6580  }
0x81: {  	[tilespmem:s31], [sflag:$0x1] =	stream.indirect_vreg.gather [hbm4b:s1+s24], $0x80, v7, vm0, $0xb8;
	[tilespmem:$0x14580] =	vst v63  }
0x82: {  	s0 =	simm.s32 $0x6D80  }
0x83: {  	[tilespmem:s0], [sflag:$0x1] =	stream.indirect_vreg.gather [hbm4b:s1+s24], $0x80, v6, vm0, $0xb8;
	[tilespmem:$0x14580] =	vst v63  }
0x84: {  	v6 =	vld [tilespmem:$0x4030];
	_ =	sdelay $0x4  }
0x85: {  	v7 =	vshll.u32 v6, $0x1  }
0x86: {  	v6 =	vand.u32 $0x7, v6;
	v7 =	vand.u32 $0xFFFFFFF0, v7  }
0x87: {  	v6 =	vor.u32 v6, v7  }
0x88: {  	v7 =	vperm.xlane v6, v3;
	_ =	sdelay $0x1  }
0x89: {  	v6 =	vperm.xlane v6, v5;
	v7 =	vadd.s32 v4, v7;
	_ =	sdelay $0x1  }
0x8a: {  	v6 =	vadd.s32 v4, v6;
	_ =	sdelay $0x1  }
0x8b: {  	s25 =	simm.s32 $0x7580  }
0x8c: {  	[tilespmem:s25], [sflag:$0x1] =	stream.indirect_vreg.gather [hbm4b:s1+s24], $0x80, v7, vm0, $0xb8;
	[tilespmem:$0x14580] =	vst v63  }
0x8d: {  	s25 =	simm.s32 $0x7D80  }
0x8e: {  	[tilespmem:s25], [sflag:$0x1] =	stream.indirect_vreg.gather [hbm4b:s1+s24], $0x80, v6, vm0, $0xb8;
	[tilespmem:$0x14580] =	vst v63  }
0x8f: {  	v6 =	vld [tilespmem:$0x4040];
	_ =	sdelay $0x4  }
0x90: {  	v7 =	vshll.u32 v6, $0x1  }
0x91: {  	v6 =	vand.u32 $0x7, v6;
	v7 =	vand.u32 $0xFFFFFFF0, v7  }
0x92: {  	v6 =	vor.u32 v6, v7  }
0x93: {  	v7 =	vperm.xlane v6, v3;
	_ =	sdelay $0x1  }
0x94: {  	v6 =	vperm.xlane v6, v5;
	v7 =	vadd.s32 v4, v7;
	_ =	sdelay $0x1  }
0x95: {  	v6 =	vadd.s32 v4, v6;
	_ =	sdelay $0x2  }
0x96: {  	[tilespmem:s19], [sflag:$0x1] =	stream.indirect_vreg.gather [hbm4b:s1+s24], $0x80, v7, vm0, $0xb8;
	[tilespmem:$0x14580] =	vst v63  }
0x97: {  	s25 =	simm.s32 $0x8D80  }
0x98: {  	[tilespmem:s25], [sflag:$0x1] =	stream.indirect_vreg.gather [hbm4b:s1+s24], $0x80, v6, vm0, $0xb8;
	[tilespmem:$0x14580] =	vst v63  }
0x99: {  	v6 =	vld [tilespmem:$0x4050];
	_ =	sdelay $0x4  }
0x9a: {  	v7 =	vshll.u32 v6, $0x1  }
0x9b: {  	v6 =	vand.u32 $0x7, v6;
	v7 =	vand.u32 $0xFFFFFFF0, v7  }
0x9c: {  	v6 =	vor.u32 v6, v7  }
0x9d: {  	v7 =	vperm.xlane v6, v3;
	_ =	sdelay $0x1  }
0x9e: {  	v6 =	vperm.xlane v6, v5;
	v7 =	vadd.s32 v4, v7;
	_ =	sdelay $0x1  }
0x9f: {  	v6 =	vadd.s32 v4, v6;
	_ =	sdelay $0x1  }
0xa0: {  	s25 =	simm.s32 $0x9580  }
0xa1: {  	[tilespmem:s25], [sflag:$0x1] =	stream.indirect_vreg.gather [hbm4b:s1+s24], $0x80, v7, vm0, $0xb8;
	[tilespmem:$0x14580] =	vst v63  }
0xa2: {  	s25 =	simm.s32 $0x9D80  }
0xa3: {  	[tilespmem:s25], [sflag:$0x1] =	stream.indirect_vreg.gather [hbm4b:s1+s24], $0x80, v6, vm0, $0xb8;
	[tilespmem:$0x14580] =	vst v63  }
0xa4: {  	v6 =	vld [tilespmem:$0x4060];
	_ =	sdelay $0x4  }
0xa5: {  	v7 =	vshll.u32 v6, $0x1  }
0xa6: {  	v6 =	vand.u32 $0x7, v6;
	v7 =	vand.u32 $0xFFFFFFF0, v7  }
0xa7: {  	v6 =	vor.u32 v6, v7  }
0xa8: {  	v7 =	vperm.xlane v6, v3;
	_ =	sdelay $0x1  }
0xa9: {  	v6 =	vperm.xlane v6, v5;
	v7 =	vadd.s32 v4, v7;
	_ =	sdelay $0x1  }
0xaa: {  	v6 =	vadd.s32 v4, v6;
	_ =	sdelay $0x1  }
0xab: {  	s25 =	simm.s32 $0xA580  }
0xac: {  	[tilespmem:s25], [sflag:$0x1] =	stream.indirect_vreg.gather [hbm4b:s1+s24], $0x80, v7, vm0, $0xb8;
	[tilespmem:$0x14580] =	vst v63  }
0xad: {  	s25 =	simm.s32 $0xAD80  }
0xae: {  	[tilespmem:s25], [sflag:$0x1] =	stream.indirect_vreg.gather [hbm4b:s1+s24], $0x80, v6, vm0, $0xb8;
	[tilespmem:$0x14580] =	vst v63  }
0xaf: {  	v6 =	vld [tilespmem:$0x4070];
	_ =	sdelay $0x4  }
0xb0: {  	v7 =	vshll.u32 v6, $0x1  }
0xb1: {  	v6 =	vand.u32 $0x7, v6;
	v7 =	vand.u32 $0xFFFFFFF0, v7  }
0xb2: {  	v6 =	vor.u32 v6, v7  }
0xb3: {  	v7 =	vperm.xlane v6, v3;
	_ =	sdelay $0x1  }
0xb4: {  	v6 =	vperm.xlane v6, v5;
	v7 =	vadd.s32 v4, v7;
	_ =	sdelay $0x1  }
0xb5: {  	v6 =	vadd.s32 v4, v6;
	_ =	sdelay $0x1  }
.Ltmp5:
0xb6: {  	s25 =	simm.s32 $0xB580;
	(pc) =	sbr.rel .LBB2_8-.Ltmp5, $4  }
0xb7: {  	[tilespmem:s25], [sflag:$0x1] =	stream.indirect_vreg.gather [hbm4b:s1+s24], $0x80, v7, vm0, $0xb8;
	[tilespmem:$0x14580] =	vst v63  }
0xb8: {  	s25 =	simm.s32 $0xBD80  }
0xb9: {  	[tilespmem:s25], [sflag:$0x1] =	stream.indirect_vreg.gather [hbm4b:s1+s24], $0x80, v6, vm0, $0xb8;
	[tilespmem:$0x14580] =	vst v63  }
0xba: {  	s25 =	simm.s32 $0x40C0  }
.LBB2_10:
0xbb: {  	s0 =	sadd.s32 s24, s7  }
0xbc: {  	[hbm4b:s0+s2] =	stream.linear.scatter [tilespmem:s29], [sflag:$0x3], $0x4000, $0x38;
	[tilespmem:$0x14580] =	vst v63  }
0xbd: {  	s24 =	sadd.s32 $0x40000, s24;
	_ =	swait.ge [sflag:s9], $0x4000  }
0xbe: {  	p0 =	sne.s32 s24, $0x140000;
	[sflag:s9] =	ssyncset.done $0x0  }
.Ltmp6:
0xbf: {  	s0 =	sadd.s32 $0x10000, s0;
	[sflag:s9] =	ssyncadd.s32 $0xFFFFC000;
	(pc) =	sbr.rel @!p0 .LBB2_11-.Ltmp6, $4  }
0xc0: {  	[hbm4b:s0+s2] =	stream.linear.scatter [tilespmem:s14], [sflag:$0x3], $0x4000, $0x38;
	[tilespmem:$0x14580] =	vst v63  }
0xc1: {  	_ =	swait.ge [sflag:s9], $0x4000  }
0xc2: {  	[sflag:s9] =	ssyncset.done $0x0  }
0xc3: {  	s25 =	sadd.s32 $0x100, s25;
	[sflag:s9] =	ssyncadd.s32 $0xFFFFC000  }
.LBB2_8:
0xc4: {  	_ =	swait.ge [sflag:s28], $0x8000  }
0xc5: {  	[sflag:s28] =	ssyncset.done $0x0  }
0xc6: {  	[sflag:s28] =	ssyncadd.s32 $0xFFFF8000  }
0xc7: {  	v6 =	vld [tilespmem:s25+$0xFFFFFFC0];
	_ =	sdelay $0x4  }
0xc8: {  	v7 =	vshll.u32 v6, $0x1  }
0xc9: {  	v6 =	vand.u32 $0x7, v6;
	v7 =	vand.u32 $0xFFFFFFF0, v7  }
0xca: {  	v6 =	vor.u32 v6, v7  }
0xcb: {  	v7 =	vperm.xlane v6, v3;
	_ =	sdelay $0x1  }
0xcc: {  	v6 =	vperm.xlane v6, v5;
	v7 =	vadd.s32 v4, v7;
	_ =	sdelay $0x1  }
0xcd: {  	v6 =	vadd.s32 v4, v6;
	_ =	sdelay $0x2  }
0xce: {  	[tilespmem:s29], [sflag:$0x2] =	stream.indirect_vreg.gather [hbm4b:s1+s2], $0x80, v7, vm0, $0xb8;
	[tilespmem:$0x14580] =	vst v63  }
0xcf: {  	s0 =	simm.s32 $0xCD80  }
0xd0: {  	[tilespmem:s0], [sflag:$0x2] =	stream.indirect_vreg.gather [hbm4b:s1+s2], $0x80, v6, vm0, $0xb8;
	[tilespmem:$0x14580] =	vst v63  }
0xd1: {  	v6 =	vld [tilespmem:s25+$0xFFFFFFD0];
	_ =	sdelay $0x4  }
0xd2: {  	v7 =	vshll.u32 v6, $0x1  }
0xd3: {  	v6 =	vand.u32 $0x7, v6;
	v7 =	vand.u32 $0xFFFFFFF0, v7  }
0xd4: {  	v6 =	vor.u32 v6, v7  }
0xd5: {  	v7 =	vperm.xlane v6, v3;
	_ =	sdelay $0x1  }
0xd6: {  	v6 =	vperm.xlane v6, v5;
	v7 =	vadd.s32 v4, v7;
	_ =	sdelay $0x1  }
0xd7: {  	v6 =	vadd.s32 v4, v6;
	_ =	sdelay $0x1  }
0xd8: {  	s0 =	simm.s32 $0xD580  }
0xd9: {  	[tilespmem:s0], [sflag:$0x2] =	stream.indirect_vreg.gather [hbm4b:s1+s2], $0x80, v7, vm0, $0xb8;
	[tilespmem:$0x14580] =	vst v63  }
0xda: {  	s0 =	simm.s32 $0xDD80  }
0xdb: {  	[tilespmem:s0], [sflag:$0x2] =	stream.indirect_vreg.gather [hbm4b:s1+s2], $0x80, v6, vm0, $0xb8;
	[tilespmem:$0x14580] =	vst v63  }
0xdc: {  	v6 =	vld [tilespmem:s25+$0xFFFFFFE0];
	_ =	sdelay $0x4  }
0xdd: {  	v7 =	vshll.u32 v6, $0x1  }
0xde: {  	v6 =	vand.u32 $0x7, v6;
	v7 =	vand.u32 $0xFFFFFFF0, v7  }
0xdf: {  	v6 =	vor.u32 v6, v7  }
0xe0: {  	v7 =	vperm.xlane v6, v3;
	_ =	sdelay $0x1  }
0xe1: {  	v6 =	vperm.xlane v6, v5;
	v7 =	vadd.s32 v4, v7;
	_ =	sdelay $0x1  }
0xe2: {  	v6 =	vadd.s32 v4, v6;
	_ =	sdelay $0x1  }
0xe3: {  	s0 =	simm.s32 $0xE580  }
0xe4: {  	[tilespmem:s0], [sflag:$0x2] =	stream.indirect_vreg.gather [hbm4b:s1+s2], $0x80, v7, vm0, $0xb8;
	[tilespmem:$0x14580] =	vst v63  }
0xe5: {  	_ = 	snop  }
0xe6: {  	[tilespmem:s6], [sflag:$0x2] =	stream.indirect_vreg.gather [hbm4b:s1+s2], $0x80, v6, vm0, $0xb8;
	[tilespmem:$0x14580] =	vst v63  }
0xe7: {  	v6 =	vld [tilespmem:s25+$0xFFFFFFF0];
	_ =	sdelay $0x4  }
0xe8: {  	v7 =	vshll.u32 v6, $0x1  }
0xe9: {  	v6 =	vand.u32 $0x7, v6;
	v7 =	vand.u32 $0xFFFFFFF0, v7  }
0xea: {  	v6 =	vor.u32 v6, v7  }
0xeb: {  	v7 =	vperm.xlane v6, v3;
	_ =	sdelay $0x1  }
0xec: {  	v6 =	vperm.xlane v6, v5;
	v7 =	vadd.s32 v4, v7;
	_ =	sdelay $0x1  }
0xed: {  	v6 =	vadd.s32 v4, v6;
	_ =	sdelay $0x2  }
0xee: {  	[tilespmem:s12], [sflag:$0x2] =	stream.indirect_vreg.gather [hbm4b:s1+s2], $0x80, v7, vm0, $0xb8;
	[tilespmem:$0x14580] =	vst v63  }
0xef: {  	_ = 	snop  }
0xf0: {  	[tilespmem:s13], [sflag:$0x2] =	stream.indirect_vreg.gather [hbm4b:s1+s2], $0x80, v6, vm0, $0xb8;
	[tilespmem:$0x14580] =	vst v63  }
0xf1: {  	v6 =	vld [tilespmem:s25+$0x0];
	_ =	sdelay $0x4  }
0xf2: {  	v7 =	vshll.u32 v6, $0x1  }
0xf3: {  	v6 =	vand.u32 $0x7, v6;
	v7 =	vand.u32 $0xFFFFFFF0, v7  }
0xf4: {  	v6 =	vor.u32 v6, v7  }
0xf5: {  	v7 =	vperm.xlane v6, v3;
	_ =	sdelay $0x1  }
0xf6: {  	v6 =	vperm.xlane v6, v5;
	v7 =	vadd.s32 v4, v7;
	_ =	sdelay $0x1  }
0xf7: {  	v6 =	vadd.s32 v4, v6;
	_ =	sdelay $0x2  }
0xf8: {  	[tilespmem:s14], [sflag:$0x2] =	stream.indirect_vreg.gather [hbm4b:s1+s2], $0x80, v7, vm0, $0xb8;
	[tilespmem:$0x14580] =	vst v63  }
0xf9: {  	_ = 	snop  }
0xfa: {  	[tilespmem:s15], [sflag:$0x2] =	stream.indirect_vreg.gather [hbm4b:s1+s2], $0x80, v6, vm0, $0xb8;
	[tilespmem:$0x14580] =	vst v63  }
0xfb: {  	v6 =	vld [tilespmem:s25+$0x10];
	_ =	sdelay $0x4  }
0xfc: {  	v7 =	vshll.u32 v6, $0x1  }
0xfd: {  	v6 =	vand.u32 $0x7, v6;
	v7 =	vand.u32 $0xFFFFFFF0, v7  }
0xfe: {  	v6 =	vor.u32 v6, v7  }
0xff: {  	v7 =	vperm.xlane v6, v3;
	_ =	sdelay $0x1  }
0x100: {  	v6 =	vperm.xlane v6, v5;
	v7 =	vadd.s32 v4, v7;
	_ =	sdelay $0x1  }
0x101: {  	v6 =	vadd.s32 v4, v6;
	_ =	sdelay $0x2  }
0x102: {  	[tilespmem:s16], [sflag:$0x2] =	stream.indirect_vreg.gather [hbm4b:s1+s2], $0x80, v7, vm0, $0xb8;
	[tilespmem:$0x14580] =	vst v63  }
0x103: {  	_ = 	snop  }
0x104: {  	[tilespmem:s17], [sflag:$0x2] =	stream.indirect_vreg.gather [hbm4b:s1+s2], $0x80, v6, vm0, $0xb8;
	[tilespmem:$0x14580] =	vst v63  }
0x105: {  	v6 =	vld [tilespmem:s25+$0x20];
	_ =	sdelay $0x4  }
0x106: {  	v7 =	vshll.u32 v6, $0x1  }
0x107: {  	v6 =	vand.u32 $0x7, v6;
	v7 =	vand.u32 $0xFFFFFFF0, v7  }
0x108: {  	v6 =	vor.u32 v6, v7  }
0x109: {  	v7 =	vperm.xlane v6, v3;
	_ =	sdelay $0x1  }
0x10a: {  	v6 =	vperm.xlane v6, v5;
	v7 =	vadd.s32 v4, v7;
	_ =	sdelay $0x1  }
0x10b: {  	v6 =	vadd.s32 v4, v6;
	_ =	sdelay $0x2  }
0x10c: {  	[tilespmem:s18], [sflag:$0x2] =	stream.indirect_vreg.gather [hbm4b:s1+s2], $0x80, v7, vm0, $0xb8;
	[tilespmem:$0x14580] =	vst v63  }
0x10d: {  	_ = 	snop  }
0x10e: {  	[tilespmem:s20], [sflag:$0x2] =	stream.indirect_vreg.gather [hbm4b:s1+s2], $0x80, v6, vm0, $0xb8;
	[tilespmem:$0x14580] =	vst v63  }
0x10f: {  	v6 =	vld [tilespmem:s25+$0x30];
	_ =	sdelay $0x4  }
0x110: {  	v7 =	vshll.u32 v6, $0x1  }
0x111: {  	v6 =	vand.u32 $0x7, v6;
	v7 =	vand.u32 $0xFFFFFFF0, v7  }
0x112: {  	v6 =	vor.u32 v6, v7  }
0x113: {  	v7 =	vperm.xlane v6, v3;
	_ =	sdelay $0x1  }
0x114: {  	v6 =	vperm.xlane v6, v5;
	v7 =	vadd.s32 v4, v7;
	_ =	sdelay $0x1  }
0x115: {  	v6 =	vadd.s32 v4, v6;
	_ =	sdelay $0x2  }
0x116: {  	[tilespmem:s21], [sflag:$0x2] =	stream.indirect_vreg.gather [hbm4b:s1+s2], $0x80, v7, vm0, $0xb8;
	[tilespmem:$0x14580] =	vst v63  }
0x117: {  	_ = 	snop  }
0x118: {  	[tilespmem:s22], [sflag:$0x2] =	stream.indirect_vreg.gather [hbm4b:s1+s2], $0x80, v6, vm0, $0xb8;
	[tilespmem:$0x14580] =	vst v63  }
0x119: {  	s0 =	sadd.s32 s24, s8  }
0x11a: {  	[hbm4b:s0+s2] =	stream.linear.scatter [tilespmem:s11], [sflag:$0x3], $0x4000, $0x38;
	[tilespmem:$0x14580] =	vst v63  }
0x11b: {  	_ =	swait.ge [sflag:s9], $0x4000  }
0x11c: {  	[sflag:s9] =	ssyncset.done $0x0  }
0x11d: {  	s0 =	sadd.s32 $0x10000, s0;
	[sflag:s9] =	ssyncadd.s32 $0xFFFFC000  }
0x11e: {  	[hbm4b:s0+s2] =	stream.linear.scatter [tilespmem:s19], [sflag:$0x3], $0x4000, $0x38;
	[tilespmem:$0x14580] =	vst v63  }
0x11f: {  	p0 =	seq.s32 s24, $0x100000;
	_ =	swait.ge [sflag:s9], $0x4000  }
.Ltmp7:
0x120: {  	[sflag:s9] =	ssyncset.done $0x0;
	(pc) =	sbr.rel @p0 .LBB2_10-.Ltmp7, $4  }
0x121: {  	[sflag:s9] =	ssyncadd.s32 $0xFFFFC000  }
0x122: {  	_ =	swait.ge [sflag:s23], $0x8000  }
0x123: {  	[sflag:s23] =	ssyncset.done $0x0  }
0x124: {  	[sflag:s23] =	ssyncadd.s32 $0xFFFF8000  }
0x125: {  	v6 =	vld [tilespmem:s25+$0x40];
	_ =	sdelay $0x4  }
0x126: {  	v7 =	vshll.u32 v6, $0x1  }
0x127: {  	v6 =	vand.u32 $0x7, v6;
	v7 =	vand.u32 $0xFFFFFFF0, v7  }
0x128: {  	v6 =	vor.u32 v6, v7  }
0x129: {  	v7 =	vperm.xlane v6, v3;
	_ =	sdelay $0x1  }
0x12a: {  	v6 =	vperm.xlane v6, v5;
	v7 =	vadd.s32 v4, v7;
	_ =	sdelay $0x1  }
0x12b: {  	v6 =	vadd.s32 v4, v6;
	_ =	sdelay $0x2  }
0x12c: {  	[tilespmem:s11], [sflag:$0x1] =	stream.indirect_vreg.gather [hbm4b:s1+s2], $0x80, v7, vm0, $0xb8;
	[tilespmem:$0x14580] =	vst v63  }
0x12d: {  	_ = 	snop  }
0x12e: {  	[tilespmem:s3], [sflag:$0x1] =	stream.indirect_vreg.gather [hbm4b:s1+s2], $0x80, v6, vm0, $0xb8;
	[tilespmem:$0x14580] =	vst v63  }
0x12f: {  	v6 =	vld [tilespmem:s25+$0x50];
	_ =	sdelay $0x4  }
0x130: {  	v7 =	vshll.u32 v6, $0x1  }
0x131: {  	v6 =	vand.u32 $0x7, v6;
	v7 =	vand.u32 $0xFFFFFFF0, v7  }
0x132: {  	v6 =	vor.u32 v6, v7  }
0x133: {  	v7 =	vperm.xlane v6, v3;
	_ =	sdelay $0x1  }
0x134: {  	v6 =	vperm.xlane v6, v5;
	v7 =	vadd.s32 v4, v7;
	_ =	sdelay $0x1  }
0x135: {  	v6 =	vadd.s32 v4, v6;
	_ =	sdelay $0x2  }
0x136: {  	[tilespmem:s26], [sflag:$0x1] =	stream.indirect_vreg.gather [hbm4b:s1+s2], $0x80, v7, vm0, $0xb8;
	[tilespmem:$0x14580] =	vst v63  }
0x137: {  	_ = 	snop  }
0x138: {  	[tilespmem:s30], [sflag:$0x1] =	stream.indirect_vreg.gather [hbm4b:s1+s2], $0x80, v6, vm0, $0xb8;
	[tilespmem:$0x14580] =	vst v63  }
0x139: {  	v6 =	vld [tilespmem:s25+$0x60];
	_ =	sdelay $0x4  }
0x13a: {  	v7 =	vshll.u32 v6, $0x1  }
0x13b: {  	v6 =	vand.u32 $0x7, v6;
	v7 =	vand.u32 $0xFFFFFFF0, v7  }
0x13c: {  	v6 =	vor.u32 v6, v7  }
0x13d: {  	v7 =	vperm.xlane v6, v3;
	_ =	sdelay $0x1  }
0x13e: {  	v6 =	vperm.xlane v6, v5;
	v7 =	vadd.s32 v4, v7;
	_ =	sdelay $0x1  }
0x13f: {  	v6 =	vadd.s32 v4, v6;
	_ =	sdelay $0x2  }
0x140: {  	[tilespmem:s31], [sflag:$0x1] =	stream.indirect_vreg.gather [hbm4b:s1+s2], $0x80, v7, vm0, $0xb8;
	[tilespmem:$0x14580] =	vst v63  }
0x141: {  	s0 =	simm.s32 $0x6D80  }
0x142: {  	[tilespmem:s0], [sflag:$0x1] =	stream.indirect_vreg.gather [hbm4b:s1+s2], $0x80, v6, vm0, $0xb8;
	[tilespmem:$0x14580] =	vst v63  }
0x143: {  	v6 =	vld [tilespmem:s25+$0x70];
	_ =	sdelay $0x4  }
0x144: {  	v7 =	vshll.u32 v6, $0x1  }
0x145: {  	v6 =	vand.u32 $0x7, v6;
	v7 =	vand.u32 $0xFFFFFFF0, v7  }
0x146: {  	v6 =	vor.u32 v6, v7  }
0x147: {  	v7 =	vperm.xlane v6, v3;
	_ =	sdelay $0x1  }
0x148: {  	v6 =	vperm.xlane v6, v5;
	v7 =	vadd.s32 v4, v7;
	_ =	sdelay $0x1  }
0x149: {  	v6 =	vadd.s32 v4, v6;
	_ =	sdelay $0x1  }
0x14a: {  	s0 =	simm.s32 $0x7580  }
0x14b: {  	[tilespmem:s0], [sflag:$0x1] =	stream.indirect_vreg.gather [hbm4b:s1+s2], $0x80, v7, vm0, $0xb8;
	[tilespmem:$0x14580] =	vst v63  }
0x14c: {  	s0 =	simm.s32 $0x7D80  }
0x14d: {  	[tilespmem:s0], [sflag:$0x1] =	stream.indirect_vreg.gather [hbm4b:s1+s2], $0x80, v6, vm0, $0xb8;
	[tilespmem:$0x14580] =	vst v63  }
0x14e: {  	v6 =	vld [tilespmem:s25+$0x80];
	_ =	sdelay $0x4  }
0x14f: {  	v7 =	vshll.u32 v6, $0x1  }
0x150: {  	v6 =	vand.u32 $0x7, v6;
	v7 =	vand.u32 $0xFFFFFFF0, v7  }
0x151: {  	v6 =	vor.u32 v6, v7  }
0x152: {  	v7 =	vperm.xlane v6, v3;
	_ =	sdelay $0x1  }
0x153: {  	v6 =	vperm.xlane v6, v5;
	v7 =	vadd.s32 v4, v7;
	_ =	sdelay $0x1  }
0x154: {  	v6 =	vadd.s32 v4, v6;
	_ =	sdelay $0x2  }
0x155: {  	[tilespmem:s19], [sflag:$0x1] =	stream.indirect_vreg.gather [hbm4b:s1+s2], $0x80, v7, vm0, $0xb8;
	[tilespmem:$0x14580] =	vst v63  }
0x156: {  	s0 =	simm.s32 $0x8D80  }
0x157: {  	[tilespmem:s0], [sflag:$0x1] =	stream.indirect_vreg.gather [hbm4b:s1+s2], $0x80, v6, vm0, $0xb8;
	[tilespmem:$0x14580] =	vst v63  }
0x158: {  	v6 =	vld [tilespmem:s25+$0x90];
	_ =	sdelay $0x4  }
0x159: {  	v7 =	vshll.u32 v6, $0x1  }
0x15a: {  	v6 =	vand.u32 $0x7, v6;
	v7 =	vand.u32 $0xFFFFFFF0, v7  }
0x15b: {  	v6 =	vor.u32 v6, v7  }
0x15c: {  	v7 =	vperm.xlane v6, v3;
	_ =	sdelay $0x1  }
0x15d: {  	v6 =	vperm.xlane v6, v5;
	v7 =	vadd.s32 v4, v7;
	_ =	sdelay $0x1  }
0x15e: {  	v6 =	vadd.s32 v4, v6;
	_ =	sdelay $0x1  }
0x15f: {  	s0 =	simm.s32 $0x9580  }
0x160: {  	[tilespmem:s0], [sflag:$0x1] =	stream.indirect_vreg.gather [hbm4b:s1+s2], $0x80, v7, vm0, $0xb8;
	[tilespmem:$0x14580] =	vst v63  }
0x161: {  	s0 =	simm.s32 $0x9D80  }
0x162: {  	[tilespmem:s0], [sflag:$0x1] =	stream.indirect_vreg.gather [hbm4b:s1+s2], $0x80, v6, vm0, $0xb8;
	[tilespmem:$0x14580] =	vst v63  }
0x163: {  	v6 =	vld [tilespmem:s25+$0xA0];
	_ =	sdelay $0x4  }
0x164: {  	v7 =	vshll.u32 v6, $0x1  }
0x165: {  	v6 =	vand.u32 $0x7, v6;
	v7 =	vand.u32 $0xFFFFFFF0, v7  }
0x166: {  	v6 =	vor.u32 v6, v7  }
0x167: {  	v7 =	vperm.xlane v6, v3;
	_ =	sdelay $0x1  }
0x168: {  	v6 =	vperm.xlane v6, v5;
	v7 =	vadd.s32 v4, v7;
	_ =	sdelay $0x1  }
0x169: {  	v6 =	vadd.s32 v4, v6;
	_ =	sdelay $0x1  }
0x16a: {  	s0 =	simm.s32 $0xA580  }
0x16b: {  	[tilespmem:s0], [sflag:$0x1] =	stream.indirect_vreg.gather [hbm4b:s1+s2], $0x80, v7, vm0, $0xb8;
	[tilespmem:$0x14580] =	vst v63  }
0x16c: {  	s0 =	simm.s32 $0xAD80  }
0x16d: {  	[tilespmem:s0], [sflag:$0x1] =	stream.indirect_vreg.gather [hbm4b:s1+s2], $0x80, v6, vm0, $0xb8;
	[tilespmem:$0x14580] =	vst v63  }
0x16e: {  	v6 =	vld [tilespmem:s25+$0xB0];
	_ =	sdelay $0x4  }
0x16f: {  	v7 =	vshll.u32 v6, $0x1  }
0x170: {  	v6 =	vand.u32 $0x7, v6;
	v7 =	vand.u32 $0xFFFFFFF0, v7  }
0x171: {  	v6 =	vor.u32 v6, v7  }
0x172: {  	v7 =	vperm.xlane v6, v3;
	_ =	sdelay $0x1  }
0x173: {  	v6 =	vperm.xlane v6, v5;
	v7 =	vadd.s32 v4, v7;
	_ =	sdelay $0x1  }
0x174: {  	v6 =	vadd.s32 v4, v6  }
.Ltmp8:
0x175: {  	_ = 	snop;
	(pc) =	sbr.rel .LBB2_10-.Ltmp8, $4  }
0x176: {  	s0 =	simm.s32 $0xB580  }
0x177: {  	[tilespmem:s0], [sflag:$0x1] =	stream.indirect_vreg.gather [hbm4b:s1+s2], $0x80, v7, vm0, $0xb8;
	[tilespmem:$0x14580] =	vst v63  }
0x178: {  	s0 =	simm.s32 $0xBD80  }
0x179: {  	[tilespmem:s0], [sflag:$0x1] =	stream.indirect_vreg.gather [hbm4b:s1+s2], $0x80, v6, vm0, $0xb8;
	[tilespmem:$0x14580] =	vst v63  }
.LBB2_12:
0x17a: {  	_ =	sfence.sel $0x180000  }
0x17b: {  	[bflag:$0x0] =	sbarrier.arrive $0xFFFF  }
0x17c: {  	_ =	strace $0x9000004A  }
0x17d: {  	s0 =	stileid.u32;
	[bflag:$0x2] =	sbarrier.arrive $0xFFFF  }
0x17e: {  	p0 =	sne.s32 s0, $0x0;
	s0 =	rddreg [dreg:$0x2]  }
0x17f: {  	s0 =	sadd.s32 @!p0 $0x100000, s0  }
0x180: {  	[sflag:s0] =	ssyncadd.tile.s32 @!p0 $0x1;
	_ =	shalt  }
.Lfunc_end2:
_tile_overlayer_lowered:
.L_overlay_start_2:
0x181: {  	(tag) =	ssettag $0x2  }
0x182: {  	s0 =	rddreg [dreg:$0x0];
	s2 =	stileid.u32  }
0x183: {  	s1 =	rddreg [dreg:$0x1];
	p0 =	sne.s32 s2, $0x0  }
0x184: {  	s3 =	rddreg [dreg:$0x2];
	[bflag:$0x3] =	sbarrier.arrive $0xFFFF;
	s2 =	simm.s32 @!p0 $0x1C03  }
0x185: {  	[timem:s3], [sflag:s2] =	dma.local @!p0 [hbm:s0], s1  }
0x186: {  	s0 =	simm.s32 @!p0 $0x3  }
0x187: {  	_ =	swait.ge @!p0 [sflag:s0], s1  }
0x188: {  	s1 =	ssub.s32 @!p0 $0x0, s1;
	[sflag:s0] =	ssyncset.done @!p0 $0x0  }
0x189: {  	[sflag:s0] =	ssyncadd.s32 @!p0 s1  }
0x18a: {  	[bflag:$0x3] =	sbarrier.arrive $0xFFFF  }
0x18b: {  	_ =	shalt  }

// kernel: kernel.7.cloned.1.call-start
scs
__scs_entry_jumppad:
0x0: {  	(pc) =	sbr.rel $0x88, $3  }
0x1: {  	(tag) =	ssettag $0x0;
	lr =	simm.s32 $0x1  }
0x2: {  	[smem:$0x3F3C] =	sst lr;
	_ =	strace $0xD0000000  }
0x3: {  	_ = 	snop  }
0x4: {  	_ = 	snop  }
0x5: {  	_ = 	snop  }
0x6: {  	_ = 	snop  }
0x7: {  	_ = 	snop  }
__scs_overlays_trampoline_lowered:
0x8: {  	[smem:$0x3F4B] =	sst s0  }
0x9: {  	[smem:$0x3F4C] =	sst s1  }
0xa: {  	[smem:$0x3F4D] =	sst s2  }
0xb: {  	[smem:$0x3F4E] =	sst s3  }
0xc: {  	[smem:$0x3F4F] =	sst s4  }
0xd: {  	[smem:$0x3F50] =	sst s5  }
0xe: {  	[smem:$0x3F51] =	sst s6  }
0xf: {  	[smem:$0x3F52] =	sst s7  }
0x10: {  	[smem:$0x3F53] =	sst s8  }
0x11: {  	[smem:$0x3F54] =	sst s9;
	s0 =	simm.s32 @!p0 $0x0  }
0x12: {  	s1 =	sld [smem:$0x3F3A];
	s0 =	simm.s32 @p0 $0x1  }
0x13: {  	[smem:$0x3F55] =	sst s0;
	s0 =	simm.s32 @!p1 $0x0  }
0x14: {  	s2 =	sld [smem:$0x3F39];
	s0 =	simm.s32 @p1 $0x1  }
0x15: {  	[smem:$0x3F56] =	sst s0;
	s0 =	simm.s32 @!p2 $0x0  }
0x16: {  	s3 =	sld [smem:$0x3FDB];
	s0 =	simm.s32 @p2 $0x1  }
0x17: {  	s4 =	simm.s32 $0x1BF5;
	[smem:$0x3F58] =	sst s0  }
0x18: {  	s0 =	sld [smem:$0x3F3B];
	_ =	swait.ge [sflag:s4], $0x0  }
0x19: {  	s7 =	sld [smem:$0x3F3C]  }
0x1a: {  	s8 =	sadd.s32 $0xFFFFE003, lr  }
0x1b: {  	s9 =	sadd.s32 $0xFFFFFEF7, lr;
	s5 =	simm.s32 $0xFFFFFFFF;
	p2 =	slt.u32 s8, $0xFFFFF086  }
0x1c: {  	p1 =	slt.u32 s9, $0xF7A;
	s5 =	simm.s32 @!p2 $0x0  }
0x1d: {  	s5 =	simm.s32 @p1 $0x1;
	p0 =	seq.s32 s7, s2  }
0x1e: {  	s7 =	smul.u32 @!p0 $0xF7A, s2;
	p2 =	seq.s32 @!p0 s5, $0x0  }
0x1f: {  	s9 =	smul.u32 $0xF7A, s1;
	s8 =	simm.s32 @!p0 $0x1BF5;
	p2 =	por !p2, p0  }
0x20: {  	[sflag:s8] =	ssyncset.s32 @!p0 $0xFFFFF086;
	s6 =	sadd.s32 @!p0 s3, s7;
	s7 =	simm.s32 @!p0 $0x108  }
0x21: {  	s3 =	sadd.s32 s3, s9;
	s6 =	sadd.s32 @!p0 $0x88, s6;
	s7 =	simm.s32 @p2 $0x1082  }
0x22: {  	[simem:s7], [sflag:s8] =	dma.local @!p0 [hbm:s6], $0xF7A  }
0x23: {  	s9 =	sor.u32 $0xD0000000, s2;
	s6 =	simm.s32 $0x108;
	_ =	swait.ge @!p0 [sflag:s8], $0x0  }
0x24: {  	s3 =	sadd.s32 $0x88, s3;
	s6 =	simm.s32 @!p1 $0x1082;
	[sflag:s4] =	ssyncset.s32 $0xFFFFF086  }
0x25: {  	[simem:s6], [sflag:s4] =	dma.local [hbm:s3], $0xF7A  }
0x26: {  	[smem:$0x3F3C] =	sst s1;
	(tag) =	ssettag s2;
	_ =	strace s9  }
0x27: {  	s1 =	sld [smem:$0x3F4C]  }
0x28: {  	s2 =	sld [smem:$0x3F4D]  }
0x29: {  	s4 =	sld [smem:$0x3F4F]  }
0x2a: {  	p0 =	seq.s32 s5, $0x0;
	s5 =	sld [smem:$0x3F50]  }
0x2b: {  	s6 =	sld [smem:$0x3F51]  }
0x2c: {  	s7 =	sld [smem:$0x3F52]  }
0x2d: {  	s3 =	simm.s32 $0x108;
	s8 =	sld [smem:$0x3F53]  }
0x2e: {  	s3 =	simm.s32 @!p0 $0x1082;
	s9 =	sld [smem:$0x3F54]  }
0x2f: {  	lr =	sadd.s32 s0, s3;
	s0 =	sld [smem:$0x3F4B]  }
0x30: {  	s3 =	sld [smem:$0x3F4E]  }
0x31: {  	[smem:$0x3F57] =	sst s10  }
0x32: {  	s10 =	sld [smem:$0x3F55];
	_ =	sdelay $0x3  }
0x33: {  	p0 =	seq.s32 s10, $0x1;
	s10 =	sld [smem:$0x3F57];
	_ =	sdelay $0x3  }
0x34: {  	[smem:$0x3F57] =	sst s10  }
0x35: {  	s10 =	sld [smem:$0x3F56];
	_ =	sdelay $0x3  }
0x36: {  	p1 =	seq.s32 s10, $0x1;
	s10 =	sld [smem:$0x3F57];
	_ =	sdelay $0x3  }
0x37: {  	[smem:$0x3F57] =	sst s10  }
0x38: {  	s10 =	sld [smem:$0x3F58]  }
0x39: {  	_ = 	snop;
	(pc) =	sbr.ind lr, $3  }
0x3a: {  	_ = 	snop  }
0x3b: {  	_ = 	snop  }
0x3c: {  	p2 =	seq.s32 s10, $0x1;
	s10 =	sld [smem:$0x3F57]  }
0x3d: {  	_ =	shalt  }
0x3e: {  	_ =	shalt  }
0x3f: {  	_ =	shalt  }
0x40: {  	_ =	shalt  }
0x41: {  	_ =	shalt  }
0x42: {  	_ =	shalt  }
0x43: {  	_ =	shalt  }
0x44: {  	_ =	shalt  }
0x45: {  	_ =	shalt  }
0x46: {  	_ =	shalt  }
0x47: {  	_ =	shalt  }
0x48: {  	_ =	shalt  }
0x49: {  	_ =	shalt  }
0x4a: {  	_ =	shalt  }
0x4b: {  	_ =	shalt  }
0x4c: {  	_ =	shalt  }
0x4d: {  	_ =	shalt  }
0x4e: {  	_ =	shalt  }
0x4f: {  	_ =	shalt  }
0x50: {  	_ =	shalt  }
0x51: {  	_ =	shalt  }
0x52: {  	_ =	shalt  }
0x53: {  	_ =	shalt  }
0x54: {  	_ =	shalt  }
0x55: {  	_ =	shalt  }
0x56: {  	_ =	shalt  }
0x57: {  	_ =	shalt  }
0x58: {  	_ =	shalt  }
0x59: {  	_ =	shalt  }
0x5a: {  	_ =	shalt  }
0x5b: {  	_ =	shalt  }
0x5c: {  	_ =	shalt  }
0x5d: {  	_ =	shalt  }
0x5e: {  	_ =	shalt  }
0x5f: {  	_ =	shalt  }
0x60: {  	_ =	shalt  }
0x61: {  	_ =	shalt  }
0x62: {  	_ =	shalt  }
0x63: {  	_ =	shalt  }
0x64: {  	_ =	shalt  }
0x65: {  	_ =	shalt  }
0x66: {  	_ =	shalt  }
0x67: {  	_ =	shalt  }
0x68: {  	_ =	shalt  }
0x69: {  	_ =	shalt  }
0x6a: {  	_ =	shalt  }
0x6b: {  	_ =	shalt  }
0x6c: {  	_ =	shalt  }
0x6d: {  	_ =	shalt  }
0x6e: {  	_ =	shalt  }
0x6f: {  	_ =	shalt  }
0x70: {  	_ =	shalt  }
0x71: {  	_ =	shalt  }
0x72: {  	_ =	shalt  }
0x73: {  	_ =	shalt  }
0x74: {  	_ =	shalt  }
0x75: {  	_ =	shalt  }
0x76: {  	_ =	shalt  }
0x77: {  	_ =	shalt  }
0x78: {  	_ =	shalt  }
0x79: {  	_ =	shalt  }
0x7a: {  	_ =	shalt  }
0x7b: {  	_ =	shalt  }
0x7c: {  	_ =	shalt  }
0x7d: {  	_ =	shalt  }
0x7e: {  	_ =	shalt  }
0x7f: {  	_ =	shalt  }
0x80: {  	_ =	shalt  }
0x81: {  	_ =	shalt  }
0x82: {  	_ =	shalt  }
0x83: {  	_ =	shalt  }
0x84: {  	_ =	shalt  }
0x85: {  	_ =	shalt  }
0x86: {  	_ =	shalt  }
0x87: {  	_ =	shalt  }
.Lfunc_end0:
.L_simem_size_0:
called_computation_lowered:
.L_overlay_start_0:
0x88: {  	s2 =	sld [smem:$0x3FD9]  }
0x89: {  	s3 =	sld [smem:$0x3FFE];
	_ =	sdelay $0x1  }
0x8a: {  	s1 =	srdreg.scid  }
0x8b: {  	s0 =	sand.u32 $0x1, s1  }
0x8c: {  	s14 =	sshll.u32 s0, $0xA;
	s2 =	sadd.s32 s3, s2  }
0x8d: {  	s2 =	sadd.s32 s2, s14  }
0x8e: {  	[smem:$0x3F63] =	sst s2  }
0x8f: {  	_ = 	snop  }
0x90: {  	s2 =	sld [smem:$0x3FD0];
	_ =	sdelay $0x2  }
0x91: {  	s15 =	simm.s32 $0xB;
	s4 =	simm.s32 $0x10  }
0x92: {  	[smem:s4], [sflag:s15] =	dma.local [hbm:s2], $0x1  }
0x93: {  	_ =	swait.eq [sflag:s15], $0x1  }
0x94: {  	[sflag:s15] =	ssyncset.done $0x0  }
0x95: {  	[sflag:s15] =	ssyncadd.s32 $0xFFFFFFFF  }
0x96: {  	s16 =	sld [smem:$0x10];
	(tm) =	ssettm $0x1  }
0x97: {  	s17 =	sld [smem:$0x3FFB];
	_ =	sdelay $0x3  }
0x98: {  	_ =	strace s17  }
0x99: {  	s3 =	sld [smem:$0x3FFC];
	_ =	sdelay $0x3  }
0x9a: {  	_ =	strace s3  }
0x9b: {  	s3 =	sld [smem:$0x3FFD];
	_ =	sdelay $0x3  }
0x9c: {  	_ =	strace s3  }
0x9d: {  	_ =	strace $0x8FFFFFFF  }
0x9e: {  	s18 =	sld [smem:$0x3FDB];
	_ =	sdelay $0x1  }
0x9f: {  	s19 =	simm.s32 $_scs_section_size  }
0xa0: {  	s5 =	simm.s32 $_size__tile_overlayer_lowered;
	s6 =	simm.s32 $_tile_overlayer_lowered  }
0xa1: {  	s22 =	simm.s32 $0x1BFF;
	s21 =	sshll.u32 s6, $0x1;
	s3 =	sadd.s32 s19, s18  }
0xa2: {  	s7 =	simm.s32 $0x0;
	s20 =	sshll.u32 s5, $0x1;
	s5 =	sadd.s32 s21, s3  }
0xa3: {  	[timem:s7], [sflag:s22] =	dma.local [hbm:s5], s20  }
0xa4: {  	_ =	swait.ge [sflag:s22], s20  }
0xa5: {  	s4 =	ssub.s32 $0x0, s20;
	[sflag:s22] =	ssyncset.done $0x0  }
0xa6: {  	[sflag:s22] =	ssyncadd.s32 s4;
	_ =	sdelay $0x1  }
0xa7: {  	s23 =	simm.s32 $0x1B8B  }
0xa8: {  	_ =	swait.ge [sflag:s23], $0x1  }
0xa9: {  	[sflag:s23] =	ssyncset.done $0x0  }
0xaa: {  	s25 =	simm.s32 $0x1B8E;
	s24 =	sld [smem:$0x3FFE];
	[sflag:s23] =	ssyncadd.s32 $0xFFFFFFFF  }
0xab: {  	s26 =	simm.s32 $execute0_lowered;
	[smem:$0x3FD2] =	sst s25  }
0xac: {  	s5 =	sshll.u32 s26, $0x1;
	_ =	strace $0x80000046;
	[dreg:$0x1] =	wrdreg $0xFFFFFFFF  }
0xad: {  	s28 =	simm.s32 $_size_execute0_lowered;
	s3 =	sadd.s32 s3, s5;
	[dreg:$0x0] =	wrdreg $0x0  }
0xae: {  	s5 =	sshll.u32 s28, $0x1;
	[dreg:$0x2] =	wrdreg s3  }
0xaf: {  	[dreg:$0x3] =	wrdreg s5  }
0xb0: {  	[dreg:$0x4] =	wrdreg $0xC0  }
0xb1: {  	_ =	task [dreg:s7], $0x5FFFF  }
0xb2: {  	[dreg:$0x1] =	wrdreg $0xFFFFFFFF  }
0xb3: {  	[dreg:$0x0] =	wrdreg $0x60  }
0xb4: {  	[dreg:$0x2] =	wrdreg s24  }
0xb5: {  	[dreg:$0x3] =	wrdreg s16  }
0xb6: {  	[dreg:$0x4] =	wrdreg $0x9  }
0xb7: {  	_ =	task.clear_ibuf [dreg:s7], $0x5FFFF;
	_ =	strace $0x90000046  }
0xb8: {  	s29 =	simm.s32 $0x9;
	_ =	strace $0x80000048  }
0xb9: {  	_ =	swait.ge [sflag:s29], $0x1  }
0xba: {  	[sflag:s29] =	ssyncadd.s32 $0xFFFFFFFF  }
0xbb: {  	_ =	strace $0x90000048  }
0xbc: {  	_ =	sfence  }
0xbd: {  	s30 =	sld [smem:$0x0];
	_ =	sdelay $0x2  }
0xbe: {  	s31 =	sshll.u32 s1, $0xD;
	s1 =	sshrl.u32 s1, $0x2  }
0xbf: {  	s3 =	sand.u32 $0x4000, s31;
	s1 =	sadd.s32 s1, s30  }
0xc0: {  	s0 =	sor.u32 s3, s0;
	s1 =	sshll.u32 s1, $0x11  }
0xc1: {  	s0 =	sor.u32 s1, s0  }
0xc2: {  	s0 =	sadd.s32 $0x8F2B, s0  }
0xc3: {  	[sflag:s0] =	ssyncadd.remote.s32 $0x1  }
0xc4: {  	_ =	sfence.sel $0xFFFF  }
0xc5: {  	[dreg:$0x0] =	wrdreg $0xFFFFFFFF;
	(pc) =	sbr.abs _section_cstart, $3  }
0xc6: {  	[dreg:$0x1] =	wrdreg $0xFFFFFFFF  }
0xc7: {  	_ =	task.clear_ibuf [dreg:s7], $0x2FFFF;
	_ =	strace $0x9FFFFFFF  }
0xc8: {  	(tm) =	ssettm $0x7FFFFFFF  }
0xc9: {  	_ =	shalt  }
tec
execute0_lowered:
.L_overlay_start_1:
0x0: {  	(tag) =	ssettag $0x1  }
0x1: {  	s0 =	rddreg [dreg:$0x0]  }
0x2: {  	s1 =	rddreg [dreg:$0x1];
	s2 =	simm.s32 $0x0  }
0x3: {  	s3 =	srdreg.scid;
	s9 =	stileid.u32;
	s10 =	simm.s32 $0x4000  }
0x4: {  	s11 =	simm.s32 $0x4580;
	s19 =	simm.s32 $0x8580;
	s28 =	simm.s32 $0x1  }
0x5: {  	s29 =	simm.s32 $0xC580;
	s12 =	simm.s32 $0xF580;
	s13 =	simm.s32 $0xFD80  }
0x6: {  	s14 =	simm.s32 $0x10580;
	s15 =	simm.s32 $0x10D80;
	s16 =	simm.s32 $0x11580  }
0x7: {  	s17 =	simm.s32 $0x11D80;
	s18 =	simm.s32 $0x12580;
	s20 =	simm.s32 $0x12D80  }
0x8: {  	s21 =	simm.s32 $0x13580;
	s22 =	simm.s32 $0x13D80;
	s23 =	simm.s32 $0x2  }
0x9: {  	[smem:$0x7FF] =	sst s2;
	s4 =	sadd.s32 $0x10D200, s0;
	s3 =	sand.u32 $0x1, s3  }
0xa: {  	s0 =	sadd.s32 $0x18D200, s0;
	s7 =	sshll.u32 s9, $0xF;
	s9 =	sshll.u32 s9, $0x7  }
0xb: {  	_ =	strace $0x80000047;
	s5 =	ssub.s32 $0x2, s3;
	s8 =	sshll.u32 s3, $0xE  }
.Ltmp0:
0xc: {  	s3 =	sshll.u32 s3, $0x6;
	s6 =	sshrl.u32 s5, $0x1;
	(pc) =	sbr.rel .LBB2_1-.Ltmp0, $4  }
0xd: {  	s7 =	sor.u32 s8, s7;
	s6 =	ssub.s32 s5, s6;
	s5 =	sor.u32 s3, s9  }
0xe: {  	v0 =	vlaneseq.u32;
	v1 =	vimm.s32 $0x0;
	s30 =	sor.u32 $0x100000, s7;
	s31 =	sshrl.u32 s7, $0x3;
	s9 =	simm.s32 $0x3  }
0xf: {  	vm0 =	vmmov $0xffff;
	v2 =	vor.u32 $0x500, v0;
	v4 =	vshrl.u32 v0, $0x3;
	s6 =	smax.u32 s6, $0x1;
	s3 =	sshrl.u32 s30, $0x3;
	s8 =	sadd.s32 s31, s0  }
0x10: {  	v3 =	vand.u32 $0x7, v0;
	v5 =	vor.u32 $0x8, v0;
	v4 =	vmul.u32 $0x8, v4;
	[dreg:$0x3] =	wrdreg s6;
	s7 =	sadd.s32 s3, s0;
	s3 =	simm.s32 $0x0  }
.LBB2_11:
0x11: {  	s3 =	rddreg [dreg:$0x4]  }
0x12: {  	s0 =	rddreg [dreg:$0x3];
	s3 =	sadd.s32 $0x1, s3  }
0x13: {  	p0 =	sne.s32 s3, s0  }
.Ltmp1:
0x14: {  	_ = 	snop;
	(pc) =	sbr.rel @!p0 .LBB2_12-.Ltmp1, $1  }
0x15: {  	_ =	sdelay $0x3  }
.LBB2_1:
0x16: {  	[dreg:$0x4] =	wrdreg s3;
	s24 =	simm.s32 $0x0  }
.LBB2_2:
0x17: {  	s25 =	sshll.u32 s24, $0x3  }
0x18: {  	s26 =	sadd.s32 s5, s25  }
0x19: {  	s26 =	sshll.u32 s26, $0x8  }
0x1a: {  	s30 =	sadd.s32 s4, s26;
	s26 =	simm.s32 $0x0  }
0x1b: {  	[tilespmem:s26], [sflag:$0x3] =	stream.linear.gather [hbm4b:s30+s26], $0x4000, $0x38;
	[tilespmem:$0x14580] =	vst v63  }
0x1c: {  	_ =	swait.ge [sflag:s9], $0x4000  }
0x1d: {  	[sflag:s9] =	ssyncset.done $0x0  }
0x1e: {  	[sflag:s9] =	ssyncadd.s32 $0xFFFFC000  }
.LBB2_3:
0x1f: {  	s30 =	sor.u32 s25, s26  }
0x20: {  	v6 =	vmov s30;
	s30 =	sshll.u32 s26, $0x7  }
0x21: {  	v7 =	vmov s30  }
0x22: {  	v6 =	vadd.s32 $0xFFFFFFC0, v6  }
0x23: {  	v8 =	vimm.s32 $0x0;
	s31 =	simm.s32 $0x0;
	s30 =	simm.s32 $0x0;
	v6 =	vbroadcast v6, $0x0  }
.LBB2_4:
0x24: {  	s0 =	sand.u32 $0x40, s31;
	s3 =	sand.u32 $0x3C00, s30  }
0x25: {  	s0 =	sor.u32 s0, s3  }
0x26: {  	v9 =	vld.idx.msk [tilespmem:v7+s0+$0x0 ss:$0x1], $0xffff;
	_ =	sdelay $0x4  }
0x27: {  	vm1 =	vgt.s32 v9, $0x0  }
0x28: {  	v9 =	vsel vm1, $0x1, v1  }
0x29: {  	(xrf0) =	vadd.scan.msk.s32 $0xffff, v9;
	_ =	sdelay $0x5  }
0x2a: {  	v9, _, _ =	vpop (xrf0)  }
0x2b: {  	v9 =	vadd.s32 v8, v9  }
0x2c: {  	v9 =	vshll.u32 v9, $0x6  }
0x2d: {  	v9 =	vadd.s32 v6, v9  }
0x2e: {  	v9 =	vsel vm1, v9, v2;
	_ =	sdelay $0x2  }
0x2f: {  	s0 =	sadd.s32 $0x10, s31  }
0x30: {  	v10 =	vor.u32 s31, v0;
	s6 =	sand.u32 $0x50, s0  }
0x31: {  	s6 =	sor.u32 s6, s3;
	[tilespmem:v9+s10+$0x0] =	vst.idx.msk $0xffff, v10  }
0x32: {  	v9 =	vld.idx.msk [tilespmem:v7+s6+$0x0 ss:$0x1], $0xffff;
	_ =	sdelay $0x4  }
0x33: {  	vm2 =	vgt.s32 v9, $0x0  }
0x34: {  	v9 =	vsel vm2, $0x1, v1  }
0x35: {  	(xrf0) =	vadd.scan.msk.s32 $0xffff, v9;
	_ =	sdelay $0x1  }
0x36: {  	v9 =	vmpcnt.ones.xlane vm1;
	_ =	sdelay $0x3  }
0x37: {  	v8 =	vadd.s32 v8, v9;
	v9, _, _ =	vpop (xrf0)  }
0x38: {  	v9 =	vadd.s32 v8, v9  }
0x39: {  	v9 =	vshll.u32 v9, $0x6  }
0x3a: {  	v9 =	vadd.s32 v6, v9  }
0x3b: {  	v9 =	vsel vm2, v9, v2;
	_ =	sdelay $0x2  }
0x3c: {  	s6 =	sadd.s32 $0x20, s31  }
0x3d: {  	v10 =	vor.u32 s0, v0;
	s0 =	sand.u32 $0x60, s6  }
0x3e: {  	s0 =	sor.u32 s0, s3;
	[tilespmem:v9+s10+$0x0] =	vst.idx.msk $0xffff, v10  }
0x3f: {  	v9 =	vld.idx.msk [tilespmem:v7+s0+$0x0 ss:$0x1], $0xffff;
	_ =	sdelay $0x4  }
0x40: {  	vm1 =	vgt.s32 v9, $0x0  }
0x41: {  	v9 =	vsel vm1, $0x1, v1  }
0x42: {  	(xrf0) =	vadd.scan.msk.s32 $0xffff, v9;
	_ =	sdelay $0x1  }
0x43: {  	v9 =	vmpcnt.ones.xlane vm2;
	_ =	sdelay $0x3  }
0x44: {  	v8 =	vadd.s32 v8, v9;
	v9, _, _ =	vpop (xrf0)  }
0x45: {  	v9 =	vadd.s32 v8, v9  }
0x46: {  	v9 =	vshll.u32 v9, $0x6  }
0x47: {  	v9 =	vadd.s32 v6, v9  }
0x48: {  	v9 =	vsel vm1, v9, v2;
	_ =	sdelay $0x2  }
0x49: {  	s0 =	sadd.s32 $0x30, s31  }
0x4a: {  	v10 =	vor.u32 s6, v0;
	s6 =	sand.u32 $0x70, s0  }
0x4b: {  	s3 =	sor.u32 s6, s3;
	[tilespmem:v9+s10+$0x0] =	vst.idx.msk $0xffff, v10  }
0x4c: {  	v9 =	vld.idx.msk [tilespmem:v7+s3+$0x0 ss:$0x1], $0xffff;
	_ =	sdelay $0x4  }
0x4d: {  	vm2 =	vgt.s32 v9, $0x0  }
0x4e: {  	v9 =	vsel vm2, $0x1, v1  }
0x4f: {  	(xrf0) =	vadd.scan.msk.s32 $0xffff, v9;
	_ =	sdelay $0x1  }
0x50: {  	v9 =	vmpcnt.ones.xlane vm1;
	_ =	sdelay $0x3  }
0x51: {  	v8 =	vadd.s32 v8, v9;
	v9, _, _ =	vpop (xrf0)  }
0x52: {  	v9 =	vadd.s32 v8, v9  }
0x53: {  	v9 =	vshll.u32 v9, $0x6  }
0x54: {  	v9 =	vadd.s32 v6, v9  }
0x55: {  	p0 =	sne.s32 s31, $0x7C0;
	v9 =	vsel vm2, v9, v2  }
.Ltmp2:
0x56: {  	_ = 	snop;
	(pc) =	sbr.rel @p0 .LBB2_4-.Ltmp2, $4  }
0x57: {  	_ = 	snop  }
0x58: {  	v10 =	vmpcnt.ones.xlane vm2  }
0x59: {  	v11 =	vor.u32 s0, v0  }
0x5a: {  	s30 =	sadd.s32 $0x200, s30;
	s31 =	sadd.s32 $0x40, s31;
	v8 =	vadd.s32 v8, v10;
	[tilespmem:v9+s10+$0x0] =	vst.idx.msk $0xffff, v11  }
0x5b: {  	s26 =	sadd.s32 $0x1, s26  }
0x5c: {  	p0 =	sne.s32 s26, $0x8  }
.Ltmp3:
0x5d: {  	_ = 	snop;
	(pc) =	sbr.rel @p0 .LBB2_3-.Ltmp3, $1  }
0x5e: {  	_ =	sdelay $0x3  }
0x5f: {  	s24 =	sadd.s32 $0x1, s24  }
0x60: {  	p0 =	sne.s32 s24, $0x8  }
.Ltmp4:
0x61: {  	_ = 	snop;
	(pc) =	sbr.rel @p0 .LBB2_2-.Ltmp4, $1  }
0x62: {  	_ =	sdelay $0x3  }
0x63: {  	v6 =	vld [tilespmem:$0x4000];
	_ =	sdelay $0x4  }
0x64: {  	v7 =	vshll.u32 v6, $0x1  }
0x65: {  	v6 =	vand.u32 $0x7, v6;
	v7 =	vand.u32 $0xFFFFFFF0, v7  }
0x66: {  	v6 =	vor.u32 v6, v7  }
0x67: {  	v7 =	vperm.xlane v6, v3;
	_ =	sdelay $0x1  }
0x68: {  	v6 =	vperm.xlane v6, v5;
	v7 =	vadd.s32 v4, v7;
	_ =	sdelay $0x1  }
0x69: {  	v6 =	vadd.s32 v4, v6;
	_ =	sdelay $0x1  }
0x6a: {  	s24 =	simm.s32 $0x0  }
0x6b: {  	[tilespmem:s11], [sflag:$0x1] =	stream.indirect_vreg.gather [hbm4b:s1+s24], $0x80, v7, vm0, $0xb8;
	[tilespmem:$0x14580] =	vst v63  }
0x6c: {  	s3 =	simm.s32 $0x4D80  }
0x6d: {  	[tilespmem:s3], [sflag:$0x1] =	stream.indirect_vreg.gather [hbm4b:s1+s24], $0x80, v6, vm0, $0xb8;
	[tilespmem:$0x14580] =	vst v63  }
0x6e: {  	v6 =	vld [tilespmem:$0x4010];
	_ =	sdelay $0x4  }
0x6f: {  	v7 =	vshll.u32 v6, $0x1  }
0x70: {  	v6 =	vand.u32 $0x7, v6;
	v7 =	vand.u32 $0xFFFFFFF0, v7  }
0x71: {  	v6 =	vor.u32 v6, v7  }
0x72: {  	v7 =	vperm.xlane v6, v3;
	_ =	sdelay $0x1  }
0x73: {  	v6 =	vperm.xlane v6, v5;
	v7 =	vadd.s32 v4, v7;
	_ =	sdelay $0x1  }
0x74: {  	v6 =	vadd.s32 v4, v6;
	_ =	sdelay $0x1  }
0x75: {  	s6 =	simm.s32 $0x5580  }
0x76: {  	[tilespmem:s6], [sflag:$0x1] =	stream.indirect_vreg.gather [hbm4b:s1+s24], $0x80, v7, vm0, $0xb8;
	[tilespmem:$0x14580] =	vst v63  }
0x77: {  	s26 =	simm.s32 $0x5D80  }
0x78: {  	[tilespmem:s26], [sflag:$0x1] =	stream.indirect_vreg.gather [hbm4b:s1+s24], $0x80, v6, vm0, $0xb8;
	[tilespmem:$0x14580] =	vst v63  }
0x79: {  	v6 =	vld [tilespmem:$0x4020];
	_ =	sdelay $0x4  }
0x7a: {  	v7 =	vshll.u32 v6, $0x1  }
0x7b: {  	v6 =	vand.u32 $0x7, v6;
	v7 =	vand.u32 $0xFFFFFFF0, v7  }
0x7c: {  	v6 =	vor.u32 v6, v7  }
0x7d: {  	v7 =	vperm.xlane v6, v3;
	_ =	sdelay $0x1  }
0x7e: {  	v6 =	vperm.xlane v6, v5;
	v7 =	vadd.s32 v4, v7;
	_ =	sdelay $0x1  }
0x7f: {  	v6 =	vadd.s32 v4, v6;
	_ =	sdelay $0x1  }
0x80: {  	s30 =	simm.s32 $0x6580  }
0x81: {  	[tilespmem:s30], [sflag:$0x1] =	stream.indirect_vreg.gather [hbm4b:s1+s24], $0x80, v7, vm0, $0xb8;
	[tilespmem:$0x14580] =	vst v63  }
0x82: {  	s31 =	simm.s32 $0x6D80  }
0x83: {  	[tilespmem:s31], [sflag:$0x1] =	stream.indirect_vreg.gather [hbm4b:s1+s24], $0x80, v6, vm0, $0xb8;
	[tilespmem:$0x14580] =	vst v63  }
0x84: {  	v6 =	vld [tilespmem:$0x4030];
	_ =	sdelay $0x4  }
0x85: {  	v7 =	vshll.u32 v6, $0x1  }
0x86: {  	v6 =	vand.u32 $0x7, v6;
	v7 =	vand.u32 $0xFFFFFFF0, v7  }
0x87: {  	v6 =	vor.u32 v6, v7  }
0x88: {  	v7 =	vperm.xlane v6, v3;
	_ =	sdelay $0x1  }
0x89: {  	v6 =	vperm.xlane v6, v5;
	v7 =	vadd.s32 v4, v7;
	_ =	sdelay $0x1  }
0x8a: {  	v6 =	vadd.s32 v4, v6;
	_ =	sdelay $0x1  }
0x8b: {  	s0 =	simm.s32 $0x7580  }
0x8c: {  	[tilespmem:s0], [sflag:$0x1] =	stream.indirect_vreg.gather [hbm4b:s1+s24], $0x80, v7, vm0, $0xb8;
	[tilespmem:$0x14580] =	vst v63  }
0x8d: {  	s25 =	simm.s32 $0x7D80  }
0x8e: {  	[tilespmem:s25], [sflag:$0x1] =	stream.indirect_vreg.gather [hbm4b:s1+s24], $0x80, v6, vm0, $0xb8;
	[tilespmem:$0x14580] =	vst v63  }
0x8f: {  	v6 =	vld [tilespmem:$0x4040];
	_ =	sdelay $0x4  }
0x90: {  	v7 =	vshll.u32 v6, $0x1  }
0x91: {  	v6 =	vand.u32 $0x7, v6;
	v7 =	vand.u32 $0xFFFFFFF0, v7  }
0x92: {  	v6 =	vor.u32 v6, v7  }
0x93: {  	v7 =	vperm.xlane v6, v3;
	_ =	sdelay $0x1  }
0x94: {  	v6 =	vperm.xlane v6, v5;
	v7 =	vadd.s32 v4, v7;
	_ =	sdelay $0x1  }
0x95: {  	v6 =	vadd.s32 v4, v6;
	_ =	sdelay $0x2  }
0x96: {  	[tilespmem:s19], [sflag:$0x1] =	stream.indirect_vreg.gather [hbm4b:s1+s24], $0x80, v7, vm0, $0xb8;
	[tilespmem:$0x14580] =	vst v63  }
0x97: {  	s25 =	simm.s32 $0x8D80  }
0x98: {  	[tilespmem:s25], [sflag:$0x1] =	stream.indirect_vreg.gather [hbm4b:s1+s24], $0x80, v6, vm0, $0xb8;
	[tilespmem:$0x14580] =	vst v63  }
0x99: {  	v6 =	vld [tilespmem:$0x4050];
	_ =	sdelay $0x4  }
0x9a: {  	v7 =	vshll.u32 v6, $0x1  }
0x9b: {  	v6 =	vand.u32 $0x7, v6;
	v7 =	vand.u32 $0xFFFFFFF0, v7  }
0x9c: {  	v6 =	vor.u32 v6, v7  }
0x9d: {  	v7 =	vperm.xlane v6, v3;
	_ =	sdelay $0x1  }
0x9e: {  	v6 =	vperm.xlane v6, v5;
	v7 =	vadd.s32 v4, v7;
	_ =	sdelay $0x1  }
0x9f: {  	v6 =	vadd.s32 v4, v6;
	_ =	sdelay $0x1  }
0xa0: {  	s25 =	simm.s32 $0x9580  }
0xa1: {  	[tilespmem:s25], [sflag:$0x1] =	stream.indirect_vreg.gather [hbm4b:s1+s24], $0x80, v7, vm0, $0xb8;
	[tilespmem:$0x14580] =	vst v63  }
0xa2: {  	s25 =	simm.s32 $0x9D80  }
0xa3: {  	[tilespmem:s25], [sflag:$0x1] =	stream.indirect_vreg.gather [hbm4b:s1+s24], $0x80, v6, vm0, $0xb8;
	[tilespmem:$0x14580] =	vst v63  }
0xa4: {  	v6 =	vld [tilespmem:$0x4060];
	_ =	sdelay $0x4  }
0xa5: {  	v7 =	vshll.u32 v6, $0x1  }
0xa6: {  	v6 =	vand.u32 $0x7, v6;
	v7 =	vand.u32 $0xFFFFFFF0, v7  }
0xa7: {  	v6 =	vor.u32 v6, v7  }
0xa8: {  	v7 =	vperm.xlane v6, v3;
	_ =	sdelay $0x1  }
0xa9: {  	v6 =	vperm.xlane v6, v5;
	v7 =	vadd.s32 v4, v7;
	_ =	sdelay $0x1  }
0xaa: {  	v6 =	vadd.s32 v4, v6;
	_ =	sdelay $0x1  }
0xab: {  	s25 =	simm.s32 $0xA580  }
0xac: {  	[tilespmem:s25], [sflag:$0x1] =	stream.indirect_vreg.gather [hbm4b:s1+s24], $0x80, v7, vm0, $0xb8;
	[tilespmem:$0x14580] =	vst v63  }
0xad: {  	s25 =	simm.s32 $0xAD80  }
0xae: {  	[tilespmem:s25], [sflag:$0x1] =	stream.indirect_vreg.gather [hbm4b:s1+s24], $0x80, v6, vm0, $0xb8;
	[tilespmem:$0x14580] =	vst v63  }
0xaf: {  	v6 =	vld [tilespmem:$0x4070];
	_ =	sdelay $0x4  }
0xb0: {  	v7 =	vshll.u32 v6, $0x1  }
0xb1: {  	v6 =	vand.u32 $0x7, v6;
	v7 =	vand.u32 $0xFFFFFFF0, v7  }
0xb2: {  	v6 =	vor.u32 v6, v7  }
0xb3: {  	v7 =	vperm.xlane v6, v3;
	_ =	sdelay $0x1  }
0xb4: {  	v6 =	vperm.xlane v6, v5;
	v7 =	vadd.s32 v4, v7;
	_ =	sdelay $0x1  }
0xb5: {  	v6 =	vadd.s32 v4, v6;
	_ =	sdelay $0x1  }
.Ltmp5:
0xb6: {  	s25 =	simm.s32 $0xB580;
	(pc) =	sbr.rel .LBB2_8-.Ltmp5, $4  }
0xb7: {  	[tilespmem:s25], [sflag:$0x1] =	stream.indirect_vreg.gather [hbm4b:s1+s24], $0x80, v7, vm0, $0xb8;
	[tilespmem:$0x14580] =	vst v63  }
0xb8: {  	s25 =	simm.s32 $0xBD80  }
0xb9: {  	[tilespmem:s25], [sflag:$0x1] =	stream.indirect_vreg.gather [hbm4b:s1+s24], $0x80, v6, vm0, $0xb8;
	[tilespmem:$0x14580] =	vst v63  }
0xba: {  	s25 =	simm.s32 $0x40C0  }
.LBB2_10:
0xbb: {  	s0 =	sadd.s32 s24, s7  }
0xbc: {  	[hbm4b:s0+s2] =	stream.linear.scatter [tilespmem:s29], [sflag:$0x3], $0x4000, $0x38;
	[tilespmem:$0x14580] =	vst v63  }
0xbd: {  	s24 =	sadd.s32 $0x40000, s24;
	_ =	swait.ge [sflag:s9], $0x4000  }
0xbe: {  	p0 =	sne.s32 s24, $0x140000;
	[sflag:s9] =	ssyncset.done $0x0  }
.Ltmp6:
0xbf: {  	s0 =	sadd.s32 $0x10000, s0;
	[sflag:s9] =	ssyncadd.s32 $0xFFFFC000;
	(pc) =	sbr.rel @!p0 .LBB2_11-.Ltmp6, $4  }
0xc0: {  	[hbm4b:s0+s2] =	stream.linear.scatter [tilespmem:s14], [sflag:$0x3], $0x4000, $0x38;
	[tilespmem:$0x14580] =	vst v63  }
0xc1: {  	_ =	swait.ge [sflag:s9], $0x4000  }
0xc2: {  	[sflag:s9] =	ssyncset.done $0x0  }
0xc3: {  	s25 =	sadd.s32 $0x100, s25;
	[sflag:s9] =	ssyncadd.s32 $0xFFFFC000  }
.LBB2_8:
0xc4: {  	_ =	swait.ge [sflag:s28], $0x8000  }
0xc5: {  	[sflag:s28] =	ssyncset.done $0x0  }
0xc6: {  	[sflag:s28] =	ssyncadd.s32 $0xFFFF8000  }
0xc7: {  	v6 =	vld [tilespmem:s25+$0xFFFFFFC0];
	_ =	sdelay $0x4  }
0xc8: {  	v7 =	vshll.u32 v6, $0x1  }
0xc9: {  	v6 =	vand.u32 $0x7, v6;
	v7 =	vand.u32 $0xFFFFFFF0, v7  }
0xca: {  	v6 =	vor.u32 v6, v7  }
0xcb: {  	v7 =	vperm.xlane v6, v3;
	_ =	sdelay $0x1  }
0xcc: {  	v6 =	vperm.xlane v6, v5;
	v7 =	vadd.s32 v4, v7;
	_ =	sdelay $0x1  }
0xcd: {  	v6 =	vadd.s32 v4, v6;
	_ =	sdelay $0x2  }
0xce: {  	[tilespmem:s29], [sflag:$0x2] =	stream.indirect_vreg.gather [hbm4b:s1+s2], $0x80, v7, vm0, $0xb8;
	[tilespmem:$0x14580] =	vst v63  }
0xcf: {  	s0 =	simm.s32 $0xCD80  }
0xd0: {  	[tilespmem:s0], [sflag:$0x2] =	stream.indirect_vreg.gather [hbm4b:s1+s2], $0x80, v6, vm0, $0xb8;
	[tilespmem:$0x14580] =	vst v63  }
0xd1: {  	v6 =	vld [tilespmem:s25+$0xFFFFFFD0];
	_ =	sdelay $0x4  }
0xd2: {  	v7 =	vshll.u32 v6, $0x1  }
0xd3: {  	v6 =	vand.u32 $0x7, v6;
	v7 =	vand.u32 $0xFFFFFFF0, v7  }
0xd4: {  	v6 =	vor.u32 v6, v7  }
0xd5: {  	v7 =	vperm.xlane v6, v3;
	_ =	sdelay $0x1  }
0xd6: {  	v6 =	vperm.xlane v6, v5;
	v7 =	vadd.s32 v4, v7;
	_ =	sdelay $0x1  }
0xd7: {  	v6 =	vadd.s32 v4, v6;
	_ =	sdelay $0x1  }
0xd8: {  	s0 =	simm.s32 $0xD580  }
0xd9: {  	[tilespmem:s0], [sflag:$0x2] =	stream.indirect_vreg.gather [hbm4b:s1+s2], $0x80, v7, vm0, $0xb8;
	[tilespmem:$0x14580] =	vst v63  }
0xda: {  	s0 =	simm.s32 $0xDD80  }
0xdb: {  	[tilespmem:s0], [sflag:$0x2] =	stream.indirect_vreg.gather [hbm4b:s1+s2], $0x80, v6, vm0, $0xb8;
	[tilespmem:$0x14580] =	vst v63  }
0xdc: {  	v6 =	vld [tilespmem:s25+$0xFFFFFFE0];
	_ =	sdelay $0x4  }
0xdd: {  	v7 =	vshll.u32 v6, $0x1  }
0xde: {  	v6 =	vand.u32 $0x7, v6;
	v7 =	vand.u32 $0xFFFFFFF0, v7  }
0xdf: {  	v6 =	vor.u32 v6, v7  }
0xe0: {  	v7 =	vperm.xlane v6, v3;
	_ =	sdelay $0x1  }
0xe1: {  	v6 =	vperm.xlane v6, v5;
	v7 =	vadd.s32 v4, v7;
	_ =	sdelay $0x1  }
0xe2: {  	v6 =	vadd.s32 v4, v6;
	_ =	sdelay $0x1  }
0xe3: {  	s0 =	simm.s32 $0xE580  }
0xe4: {  	[tilespmem:s0], [sflag:$0x2] =	stream.indirect_vreg.gather [hbm4b:s1+s2], $0x80, v7, vm0, $0xb8;
	[tilespmem:$0x14580] =	vst v63  }
0xe5: {  	s0 =	simm.s32 $0xED80  }
0xe6: {  	[tilespmem:s0], [sflag:$0x2] =	stream.indirect_vreg.gather [hbm4b:s1+s2], $0x80, v6, vm0, $0xb8;
	[tilespmem:$0x14580] =	vst v63  }
0xe7: {  	v6 =	vld [tilespmem:s25+$0xFFFFFFF0];
	_ =	sdelay $0x4  }
0xe8: {  	v7 =	vshll.u32 v6, $0x1  }
0xe9: {  	v6 =	vand.u32 $0x7, v6;
	v7 =	vand.u32 $0xFFFFFFF0, v7  }
0xea: {  	v6 =	vor.u32 v6, v7  }
0xeb: {  	v7 =	vperm.xlane v6, v3;
	_ =	sdelay $0x1  }
0xec: {  	v6 =	vperm.xlane v6, v5;
	v7 =	vadd.s32 v4, v7;
	_ =	sdelay $0x1  }
0xed: {  	v6 =	vadd.s32 v4, v6;
	_ =	sdelay $0x2  }
0xee: {  	[tilespmem:s12], [sflag:$0x2] =	stream.indirect_vreg.gather [hbm4b:s1+s2], $0x80, v7, vm0, $0xb8;
	[tilespmem:$0x14580] =	vst v63  }
0xef: {  	_ = 	snop  }
0xf0: {  	[tilespmem:s13], [sflag:$0x2] =	stream.indirect_vreg.gather [hbm4b:s1+s2], $0x80, v6, vm0, $0xb8;
	[tilespmem:$0x14580] =	vst v63  }
0xf1: {  	v6 =	vld [tilespmem:s25+$0x0];
	_ =	sdelay $0x4  }
0xf2: {  	v7 =	vshll.u32 v6, $0x1  }
0xf3: {  	v6 =	vand.u32 $0x7, v6;
	v7 =	vand.u32 $0xFFFFFFF0, v7  }
0xf4: {  	v6 =	vor.u32 v6, v7  }
0xf5: {  	v7 =	vperm.xlane v6, v3;
	_ =	sdelay $0x1  }
0xf6: {  	v6 =	vperm.xlane v6, v5;
	v7 =	vadd.s32 v4, v7;
	_ =	sdelay $0x1  }
0xf7: {  	v6 =	vadd.s32 v4, v6;
	_ =	sdelay $0x2  }
0xf8: {  	[tilespmem:s14], [sflag:$0x2] =	stream.indirect_vreg.gather [hbm4b:s1+s2], $0x80, v7, vm0, $0xb8;
	[tilespmem:$0x14580] =	vst v63  }
0xf9: {  	_ = 	snop  }
0xfa: {  	[tilespmem:s15], [sflag:$0x2] =	stream.indirect_vreg.gather [hbm4b:s1+s2], $0x80, v6, vm0, $0xb8;
	[tilespmem:$0x14580] =	vst v63  }
0xfb: {  	v6 =	vld [tilespmem:s25+$0x10];
	_ =	sdelay $0x4  }
0xfc: {  	v7 =	vshll.u32 v6, $0x1  }
0xfd: {  	v6 =	vand.u32 $0x7, v6;
	v7 =	vand.u32 $0xFFFFFFF0, v7  }
0xfe: {  	v6 =	vor.u32 v6, v7  }
0xff: {  	v7 =	vperm.xlane v6, v3;
	_ =	sdelay $0x1  }
0x100: {  	v6 =	vperm.xlane v6, v5;
	v7 =	vadd.s32 v4, v7;
	_ =	sdelay $0x1  }
0x101: {  	v6 =	vadd.s32 v4, v6;
	_ =	sdelay $0x2  }
0x102: {  	[tilespmem:s16], [sflag:$0x2] =	stream.indirect_vreg.gather [hbm4b:s1+s2], $0x80, v7, vm0, $0xb8;
	[tilespmem:$0x14580] =	vst v63  }
0x103: {  	_ = 	snop  }
0x104: {  	[tilespmem:s17], [sflag:$0x2] =	stream.indirect_vreg.gather [hbm4b:s1+s2], $0x80, v6, vm0, $0xb8;
	[tilespmem:$0x14580] =	vst v63  }
0x105: {  	v6 =	vld [tilespmem:s25+$0x20];
	_ =	sdelay $0x4  }
0x106: {  	v7 =	vshll.u32 v6, $0x1  }
0x107: {  	v6 =	vand.u32 $0x7, v6;
	v7 =	vand.u32 $0xFFFFFFF0, v7  }
0x108: {  	v6 =	vor.u32 v6, v7  }
0x109: {  	v7 =	vperm.xlane v6, v3;
	_ =	sdelay $0x1  }
0x10a: {  	v6 =	vperm.xlane v6, v5;
	v7 =	vadd.s32 v4, v7;
	_ =	sdelay $0x1  }
0x10b: {  	v6 =	vadd.s32 v4, v6;
	_ =	sdelay $0x2  }
0x10c: {  	[tilespmem:s18], [sflag:$0x2] =	stream.indirect_vreg.gather [hbm4b:s1+s2], $0x80, v7, vm0, $0xb8;
	[tilespmem:$0x14580] =	vst v63  }
0x10d: {  	_ = 	snop  }
0x10e: {  	[tilespmem:s20], [sflag:$0x2] =	stream.indirect_vreg.gather [hbm4b:s1+s2], $0x80, v6, vm0, $0xb8;
	[tilespmem:$0x14580] =	vst v63  }
0x10f: {  	v6 =	vld [tilespmem:s25+$0x30];
	_ =	sdelay $0x4  }
0x110: {  	v7 =	vshll.u32 v6, $0x1  }
0x111: {  	v6 =	vand.u32 $0x7, v6;
	v7 =	vand.u32 $0xFFFFFFF0, v7  }
0x112: {  	v6 =	vor.u32 v6, v7  }
0x113: {  	v7 =	vperm.xlane v6, v3;
	_ =	sdelay $0x1  }
0x114: {  	v6 =	vperm.xlane v6, v5;
	v7 =	vadd.s32 v4, v7;
	_ =	sdelay $0x1  }
0x115: {  	v6 =	vadd.s32 v4, v6;
	_ =	sdelay $0x2  }
0x116: {  	[tilespmem:s21], [sflag:$0x2] =	stream.indirect_vreg.gather [hbm4b:s1+s2], $0x80, v7, vm0, $0xb8;
	[tilespmem:$0x14580] =	vst v63  }
0x117: {  	_ = 	snop  }
0x118: {  	[tilespmem:s22], [sflag:$0x2] =	stream.indirect_vreg.gather [hbm4b:s1+s2], $0x80, v6, vm0, $0xb8;
	[tilespmem:$0x14580] =	vst v63  }
0x119: {  	s0 =	sadd.s32 s24, s8  }
0x11a: {  	[hbm4b:s0+s2] =	stream.linear.scatter [tilespmem:s11], [sflag:$0x3], $0x4000, $0x38;
	[tilespmem:$0x14580] =	vst v63  }
0x11b: {  	_ =	swait.ge [sflag:s9], $0x4000  }
0x11c: {  	[sflag:s9] =	ssyncset.done $0x0  }
0x11d: {  	s0 =	sadd.s32 $0x10000, s0;
	[sflag:s9] =	ssyncadd.s32 $0xFFFFC000  }
0x11e: {  	[hbm4b:s0+s2] =	stream.linear.scatter [tilespmem:s19], [sflag:$0x3], $0x4000, $0x38;
	[tilespmem:$0x14580] =	vst v63  }
0x11f: {  	p0 =	seq.s32 s24, $0x100000;
	_ =	swait.ge [sflag:s9], $0x4000  }
.Ltmp7:
0x120: {  	[sflag:s9] =	ssyncset.done $0x0;
	(pc) =	sbr.rel @p0 .LBB2_10-.Ltmp7, $4  }
0x121: {  	[sflag:s9] =	ssyncadd.s32 $0xFFFFC000  }
0x122: {  	_ =	swait.ge [sflag:s23], $0x8000  }
0x123: {  	[sflag:s23] =	ssyncset.done $0x0  }
0x124: {  	[sflag:s23] =	ssyncadd.s32 $0xFFFF8000  }
0x125: {  	v6 =	vld [tilespmem:s25+$0x40];
	_ =	sdelay $0x4  }
0x126: {  	v7 =	vshll.u32 v6, $0x1  }
0x127: {  	v6 =	vand.u32 $0x7, v6;
	v7 =	vand.u32 $0xFFFFFFF0, v7  }
0x128: {  	v6 =	vor.u32 v6, v7  }
0x129: {  	v7 =	vperm.xlane v6, v3;
	_ =	sdelay $0x1  }
0x12a: {  	v6 =	vperm.xlane v6, v5;
	v7 =	vadd.s32 v4, v7;
	_ =	sdelay $0x1  }
0x12b: {  	v6 =	vadd.s32 v4, v6;
	_ =	sdelay $0x2  }
0x12c: {  	[tilespmem:s11], [sflag:$0x1] =	stream.indirect_vreg.gather [hbm4b:s1+s2], $0x80, v7, vm0, $0xb8;
	[tilespmem:$0x14580] =	vst v63  }
0x12d: {  	_ = 	snop  }
0x12e: {  	[tilespmem:s3], [sflag:$0x1] =	stream.indirect_vreg.gather [hbm4b:s1+s2], $0x80, v6, vm0, $0xb8;
	[tilespmem:$0x14580] =	vst v63  }
0x12f: {  	v6 =	vld [tilespmem:s25+$0x50];
	_ =	sdelay $0x4  }
0x130: {  	v7 =	vshll.u32 v6, $0x1  }
0x131: {  	v6 =	vand.u32 $0x7, v6;
	v7 =	vand.u32 $0xFFFFFFF0, v7  }
0x132: {  	v6 =	vor.u32 v6, v7  }
0x133: {  	v7 =	vperm.xlane v6, v3;
	_ =	sdelay $0x1  }
0x134: {  	v6 =	vperm.xlane v6, v5;
	v7 =	vadd.s32 v4, v7;
	_ =	sdelay $0x1  }
0x135: {  	v6 =	vadd.s32 v4, v6;
	_ =	sdelay $0x2  }
0x136: {  	[tilespmem:s6], [sflag:$0x1] =	stream.indirect_vreg.gather [hbm4b:s1+s2], $0x80, v7, vm0, $0xb8;
	[tilespmem:$0x14580] =	vst v63  }
0x137: {  	_ = 	snop  }
0x138: {  	[tilespmem:s26], [sflag:$0x1] =	stream.indirect_vreg.gather [hbm4b:s1+s2], $0x80, v6, vm0, $0xb8;
	[tilespmem:$0x14580] =	vst v63  }
0x139: {  	v6 =	vld [tilespmem:s25+$0x60];
	_ =	sdelay $0x4  }
0x13a: {  	v7 =	vshll.u32 v6, $0x1  }
0x13b: {  	v6 =	vand.u32 $0x7, v6;
	v7 =	vand.u32 $0xFFFFFFF0, v7  }
0x13c: {  	v6 =	vor.u32 v6, v7  }
0x13d: {  	v7 =	vperm.xlane v6, v3;
	_ =	sdelay $0x1  }
0x13e: {  	v6 =	vperm.xlane v6, v5;
	v7 =	vadd.s32 v4, v7;
	_ =	sdelay $0x1  }
0x13f: {  	v6 =	vadd.s32 v4, v6;
	_ =	sdelay $0x2  }
0x140: {  	[tilespmem:s30], [sflag:$0x1] =	stream.indirect_vreg.gather [hbm4b:s1+s2], $0x80, v7, vm0, $0xb8;
	[tilespmem:$0x14580] =	vst v63  }
0x141: {  	_ = 	snop  }
0x142: {  	[tilespmem:s31], [sflag:$0x1] =	stream.indirect_vreg.gather [hbm4b:s1+s2], $0x80, v6, vm0, $0xb8;
	[tilespmem:$0x14580] =	vst v63  }
0x143: {  	v6 =	vld [tilespmem:s25+$0x70];
	_ =	sdelay $0x4  }
0x144: {  	v7 =	vshll.u32 v6, $0x1  }
0x145: {  	v6 =	vand.u32 $0x7, v6;
	v7 =	vand.u32 $0xFFFFFFF0, v7  }
0x146: {  	v6 =	vor.u32 v6, v7  }
0x147: {  	v7 =	vperm.xlane v6, v3;
	_ =	sdelay $0x1  }
0x148: {  	v6 =	vperm.xlane v6, v5;
	v7 =	vadd.s32 v4, v7;
	_ =	sdelay $0x1  }
0x149: {  	v6 =	vadd.s32 v4, v6;
	_ =	sdelay $0x1  }
0x14a: {  	s0 =	simm.s32 $0x7580  }
0x14b: {  	[tilespmem:s0], [sflag:$0x1] =	stream.indirect_vreg.gather [hbm4b:s1+s2], $0x80, v7, vm0, $0xb8;
	[tilespmem:$0x14580] =	vst v63  }
0x14c: {  	s0 =	simm.s32 $0x7D80  }
0x14d: {  	[tilespmem:s0], [sflag:$0x1] =	stream.indirect_vreg.gather [hbm4b:s1+s2], $0x80, v6, vm0, $0xb8;
	[tilespmem:$0x14580] =	vst v63  }
0x14e: {  	v6 =	vld [tilespmem:s25+$0x80];
	_ =	sdelay $0x4  }
0x14f: {  	v7 =	vshll.u32 v6, $0x1  }
0x150: {  	v6 =	vand.u32 $0x7, v6;
	v7 =	vand.u32 $0xFFFFFFF0, v7  }
0x151: {  	v6 =	vor.u32 v6, v7  }
0x152: {  	v7 =	vperm.xlane v6, v3;
	_ =	sdelay $0x1  }
0x153: {  	v6 =	vperm.xlane v6, v5;
	v7 =	vadd.s32 v4, v7;
	_ =	sdelay $0x1  }
0x154: {  	v6 =	vadd.s32 v4, v6;
	_ =	sdelay $0x2  }
0x155: {  	[tilespmem:s19], [sflag:$0x1] =	stream.indirect_vreg.gather [hbm4b:s1+s2], $0x80, v7, vm0, $0xb8;
	[tilespmem:$0x14580] =	vst v63  }
0x156: {  	s0 =	simm.s32 $0x8D80  }
0x157: {  	[tilespmem:s0], [sflag:$0x1] =	stream.indirect_vreg.gather [hbm4b:s1+s2], $0x80, v6, vm0, $0xb8;
	[tilespmem:$0x14580] =	vst v63  }
0x158: {  	v6 =	vld [tilespmem:s25+$0x90];
	_ =	sdelay $0x4  }
0x159: {  	v7 =	vshll.u32 v6, $0x1  }
0x15a: {  	v6 =	vand.u32 $0x7, v6;
	v7 =	vand.u32 $0xFFFFFFF0, v7  }
0x15b: {  	v6 =	vor.u32 v6, v7  }
0x15c: {  	v7 =	vperm.xlane v6, v3;
	_ =	sdelay $0x1  }
0x15d: {  	v6 =	vperm.xlane v6, v5;
	v7 =	vadd.s32 v4, v7;
	_ =	sdelay $0x1  }
0x15e: {  	v6 =	vadd.s32 v4, v6;
	_ =	sdelay $0x1  }
0x15f: {  	s0 =	simm.s32 $0x9580  }
0x160: {  	[tilespmem:s0], [sflag:$0x1] =	stream.indirect_vreg.gather [hbm4b:s1+s2], $0x80, v7, vm0, $0xb8;
	[tilespmem:$0x14580] =	vst v63  }
0x161: {  	s0 =	simm.s32 $0x9D80  }
0x162: {  	[tilespmem:s0], [sflag:$0x1] =	stream.indirect_vreg.gather [hbm4b:s1+s2], $0x80, v6, vm0, $0xb8;
	[tilespmem:$0x14580] =	vst v63  }
0x163: {  	v6 =	vld [tilespmem:s25+$0xA0];
	_ =	sdelay $0x4  }
0x164: {  	v7 =	vshll.u32 v6, $0x1  }
0x165: {  	v6 =	vand.u32 $0x7, v6;
	v7 =	vand.u32 $0xFFFFFFF0, v7  }
0x166: {  	v6 =	vor.u32 v6, v7  }
0x167: {  	v7 =	vperm.xlane v6, v3;
	_ =	sdelay $0x1  }
0x168: {  	v6 =	vperm.xlane v6, v5;
	v7 =	vadd.s32 v4, v7;
	_ =	sdelay $0x1  }
0x169: {  	v6 =	vadd.s32 v4, v6;
	_ =	sdelay $0x1  }
0x16a: {  	s0 =	simm.s32 $0xA580  }
0x16b: {  	[tilespmem:s0], [sflag:$0x1] =	stream.indirect_vreg.gather [hbm4b:s1+s2], $0x80, v7, vm0, $0xb8;
	[tilespmem:$0x14580] =	vst v63  }
0x16c: {  	s0 =	simm.s32 $0xAD80  }
0x16d: {  	[tilespmem:s0], [sflag:$0x1] =	stream.indirect_vreg.gather [hbm4b:s1+s2], $0x80, v6, vm0, $0xb8;
	[tilespmem:$0x14580] =	vst v63  }
0x16e: {  	v6 =	vld [tilespmem:s25+$0xB0];
	_ =	sdelay $0x4  }
0x16f: {  	v7 =	vshll.u32 v6, $0x1  }
0x170: {  	v6 =	vand.u32 $0x7, v6;
	v7 =	vand.u32 $0xFFFFFFF0, v7  }
0x171: {  	v6 =	vor.u32 v6, v7  }
0x172: {  	v7 =	vperm.xlane v6, v3;
	_ =	sdelay $0x1  }
0x173: {  	v6 =	vperm.xlane v6, v5;
	v7 =	vadd.s32 v4, v7;
	_ =	sdelay $0x1  }
0x174: {  	v6 =	vadd.s32 v4, v6  }
.Ltmp8:
0x175: {  	_ = 	snop;
	(pc) =	sbr.rel .LBB2_10-.Ltmp8, $4  }
0x176: {  	s0 =	simm.s32 $0xB580  }
0x177: {  	[tilespmem:s0], [sflag:$0x1] =	stream.indirect_vreg.gather [hbm4b:s1+s2], $0x80, v7, vm0, $0xb8;
	[tilespmem:$0x14580] =	vst v63  }
0x178: {  	s0 =	simm.s32 $0xBD80  }
0x179: {  	[tilespmem:s0], [sflag:$0x1] =	stream.indirect_vreg.gather [hbm4b:s1+s2], $0x80, v6, vm0, $0xb8;
	[tilespmem:$0x14580] =	vst v63  }
.LBB2_12:
0x17a: {  	_ =	sfence.sel $0x180000  }
0x17b: {  	[bflag:$0x0] =	sbarrier.arrive $0xFFFF  }
0x17c: {  	_ =	strace $0x90000047  }
0x17d: {  	s0 =	stileid.u32;
	[bflag:$0x2] =	sbarrier.arrive $0xFFFF  }
0x17e: {  	p0 =	sne.s32 s0, $0x0;
	s0 =	rddreg [dreg:$0x2]  }
0x17f: {  	s0 =	sadd.s32 @!p0 $0x100000, s0  }
0x180: {  	[sflag:s0] =	ssyncadd.tile.s32 @!p0 $0x1;
	_ =	shalt  }
.Lfunc_end2:
_tile_overlayer_lowered:
.L_overlay_start_2:
0x181: {  	(tag) =	ssettag $0x2  }
0x182: {  	s0 =	rddreg [dreg:$0x0];
	s2 =	stileid.u32  }
0x183: {  	s1 =	rddreg [dreg:$0x1];
	p0 =	sne.s32 s2, $0x0  }
0x184: {  	s3 =	rddreg [dreg:$0x2];
	[bflag:$0x3] =	sbarrier.arrive $0xFFFF;
	s2 =	simm.s32 @!p0 $0x1C03  }
0x185: {  	[timem:s3], [sflag:s2] =	dma.local @!p0 [hbm:s0], s1  }
0x186: {  	s0 =	simm.s32 @!p0 $0x3  }
0x187: {  	_ =	swait.ge @!p0 [sflag:s0], s1  }
0x188: {  	s1 =	ssub.s32 @!p0 $0x0, s1;
	[sflag:s0] =	ssyncset.done @!p0 $0x0  }
0x189: {  	[sflag:s0] =	ssyncadd.s32 @!p0 s1  }
0x18a: {  	[bflag:$0x3] =	sbarrier.arrive $0xFFFF  }
0x18b: {  	_ =	shalt  }

</sc_bundles>
